<compile_context>
chip_gen: v7x
topology: tpu7x:2x2x1
jax: 0.10.2.dev20260603
libtpu: 0.0.44.dev20260713+nightly
codegen_flags: <defaults>
</compile_context>

<pallas_src>
import functools

import jax
import jax.numpy as jnp
from jax import lax
from jax.experimental import pallas as pl
from jax.experimental.pallas import tpu as pltpu
from jax.experimental.pallas import tpu_sc as plsc

N = 10000
E = 160000
D = 128
NT = 5
R = 4
CHUNK = 128
NCH = E // CHUNK
NW = 32
CPT = ((-(-NCH // NW)) + 7) // 8 * 8
NCH_PAD = NW * CPT
ROWB = 640
ROWL = N - 15 * ROWB
NP = 16 * ROWB


def _mesh():
    return plsc.VectorSubcoreMesh(core_axis_name="c", subcore_axis_name="s")


def _for_rows(s, emit):
    @pl.when(s < 15)
    def _main():
        emit(s * ROWB, ROWB)

    @pl.when(s == 15)
    def _last():
        emit(15 * ROWB, ROWL)



def _deg_body(src_hbm, dst_hbm, ones_hbm, out_hbm, idx_s, idx_d,
              ones_v, zero_v, acc_o, acc_i):
    c = lax.axis_index("c")
    s = lax.axis_index("s")
    w = s * 2 + c

    pltpu.sync_copy(ones_hbm, ones_v)
    for k in range(ROWB // 16):
        zero_v[pl.ds(k * 16, 16)] = jnp.zeros((16,), jnp.float32)

    r0 = s * ROWB
    pltpu.sync_copy(zero_v, acc_o.at[pl.ds(r0, ROWB)])
    pltpu.sync_copy(zero_v, acc_i.at[pl.ds(r0, ROWB)])
    plsc.subcore_barrier()

    c0 = w * CPT
    cnt = jnp.clip(NCH - c0, 0, CPT)
    pltpu.sync_copy(src_hbm.at[pl.ds(c0, CPT)], idx_s)
    pltpu.sync_copy(dst_hbm.at[pl.ds(c0, CPT)], idx_d)

    def body(j, carry):
        @pl.when(j < cnt)
        def _go():
            pltpu.sync_copy(ones_v, acc_o.at[idx_s.at[j]], add=True)
            pltpu.sync_copy(ones_v, acc_i.at[idx_d.at[j]], add=True)
        return carry
    lax.fori_loop(0, CPT, body, None)
    plsc.subcore_barrier()

    pltpu.sync_copy(acc_o.at[pl.ds(r0, ROWB)],
                    out_hbm.at[c, 0, pl.ds(r0, ROWB)])
    pltpu.sync_copy(acc_i.at[pl.ds(r0, ROWB)],
                    out_hbm.at[c, 1, pl.ds(r0, ROWB)])


_deg_kernel = pl.kernel(
    _deg_body,
    out_type=jax.ShapeDtypeStruct((2, 2, NP), jnp.float32),
    mesh=_mesh(),
    scratch_types=[
        pltpu.VMEM((CPT, CHUNK), jnp.int32),
        pltpu.VMEM((CPT, CHUNK), jnp.int32),
        pltpu.VMEM((CHUNK,), jnp.float32),
        pltpu.VMEM((ROWB,), jnp.float32),
        pltpu.VMEM_SHARED((NP,), jnp.float32),
        pltpu.VMEM_SHARED((NP,), jnp.float32),
    ],
)



NB = 2
LA = NB // 2
NE = N + 128


def _edge_pass_body(table_hbm, src_hbm, dst_hbm, zeros_hbm, out_hbm,
                    idx_s, idx_d, rows_v, acc, *sems):
    sem_g = sems[:NB]
    sem_s = sems[NB:]
    c = lax.axis_index("c")
    s = lax.axis_index("s")
    w = s * 2 + c

    def zero(r0, nr):
        pltpu.sync_copy(zeros_hbm.at[pl.ds(r0, nr)], acc.at[pl.ds(r0, nr)])
    _for_rows(s, zero)
    plsc.subcore_barrier()

    c0 = w * CPT
    pltpu.sync_copy(src_hbm.at[pl.ds(c0, CPT)], idx_s)
    pltpu.sync_copy(dst_hbm.at[pl.ds(c0, CPT)], idx_d)

    def g_desc(j, b):
        return pltpu.make_async_copy(
            table_hbm.at[idx_s.at[j]], rows_v.at[b], sem_g[b])

    def s_desc(j, b):
        return pltpu.make_async_copy(
            rows_v.at[b], acc.at[idx_d.at[j]], sem_s[b])

    for b in range(LA):
        g_desc(b, b).start()

    def group(g, carry):
        for b in range(NB):
            j = g * NB + b
            pb = (b + LA) % NB
            g_desc(j, b).wait()
            pltpu.async_copy(rows_v.at[b], acc.at[idx_d.at[j]],
                             sem_s[b], add=True)

            @pl.when(j >= LA)
            def _drain():
                s_desc(j - LA, pb).wait()

            @pl.when(j + LA < CPT)
            def _prefetch():
                g_desc(j + LA, pb).start()
        return carry
    lax.fori_loop(0, CPT // NB, group, None)
    for j in range(CPT - LA, CPT):
        s_desc(j, j % NB).wait()
    plsc.subcore_barrier()

    def wr(r0, nr):
        pltpu.sync_copy(acc.at[pl.ds(r0, nr)], out_hbm.at[c, pl.ds(r0, nr)])
    _for_rows(s, wr)


def _make_edge_pass():
    scratch = [
        pltpu.VMEM((CPT, CHUNK), jnp.int32),
        pltpu.VMEM((CPT, CHUNK), jnp.int32),
        pltpu.VMEM((NB, CHUNK, D), jnp.float32),
        pltpu.VMEM_SHARED((NE, D), jnp.float32),
    ]
    scratch += [pltpu.SemaphoreType.DMA] * (2 * NB)
    return pl.kernel(
        _edge_pass_body,
        out_type=jax.ShapeDtypeStruct((2, N, D), jnp.float32),
        mesh=_mesh(),
        scratch_types=scratch,
    )


_edge_pass = _make_edge_pass()



def _deg_combine_body(dp_ref, o_ref):
    x = dp_ref[...]
    o_ref[...] = x[0] + x[1]


def _deg_combine(dp):
    return pl.pallas_call(
        _deg_combine_body,
        out_shape=jax.ShapeDtypeStruct((2, NP), jnp.float32),
    )(dp)


def _proj_body(x_ref, w_ref, b_ref, o_ref):
    y = jnp.dot(x_ref[...], w_ref[...], preferred_element_type=jnp.float32)
    o_ref[...] = y + b_ref[...]


def _tc_proj(x, W, b):
    return pl.pallas_call(
        _proj_body,
        out_shape=jax.ShapeDtypeStruct((x.shape[0], D), jnp.float32),
    )(x, W, b.reshape(1, D))


def _gcat_body(p0_ref, p1_ref, p2_ref, dego_ref, o_ref):
    a = lax.rsqrt(jnp.maximum(dego_ref[...], 1.0))
    n0 = p0_ref.shape[0]
    n1 = p1_ref.shape[0]
    o_ref[0:n0, :] = p0_ref[...] * a[0:n0]
    o_ref[n0:n0 + n1, :] = p1_ref[...] * a[n0:n0 + n1]
    o_ref[n0 + n1:N, :] = p2_ref[...] * a[n0 + n1:N]


def _tc_gcat(p0, p1, p2, dego):
    return pl.pallas_call(
        _gcat_body,
        out_shape=jax.ShapeDtypeStruct((N, D), jnp.float32),
    )(p0, p1, p2, dego)


BLK = 2000
NBLK = N // BLK


def _rel_body(p_ref, dego_ref, degi_ref, coef_ref, basis_ref, o_ref, z_ref):
    t = pl.program_id(0)

    @pl.when(t == 0)
    def _mkz():
        a = lax.rsqrt(jnp.maximum(dego_ref[...], 1.0))
        b = lax.rsqrt(jnp.maximum(degi_ref[...], 1.0))
        z_ref[...] = (p_ref[0] + p_ref[1]) * (a * b)

    bas = basis_ref[...].reshape(R, D * D)
    cw = coef_ref[pl.ds(t, 1), :]
    wt = jnp.dot(cw, bas,
                 preferred_element_type=jnp.float32).reshape(D, D)
    o_ref[...] = jnp.dot(z_ref[...], wt, preferred_element_type=jnp.float32)


def _tc_rel(p, dego, degi, coef, basis):
    return pl.pallas_call(
        _rel_body,
        grid=(NT,),
        in_specs=[
            pl.BlockSpec((2, N, D), lambda t: (0, 0, 0)),
            pl.BlockSpec((N, 1), lambda t: (0, 0)),
            pl.BlockSpec((N, 1), lambda t: (0, 0)),
            pl.BlockSpec((NT, R), lambda t: (0, 0)),
            pl.BlockSpec((R, D, D), lambda t: (0, 0, 0)),
        ],
        out_specs=pl.BlockSpec((N, D), lambda t: (t, 0)),
        out_shape=jax.ShapeDtypeStruct((NT * N, D), jnp.float32),
        scratch_shapes=[pltpu.VMEM((N, D), jnp.float32)],
    )(p, dego, degi, coef, basis)


def _relu_body(q_ref, dego_ref, degi_ref, bias_ref, o_ref):
    a = lax.rsqrt(jnp.maximum(dego_ref[...], 1.0))
    b = lax.rsqrt(jnp.maximum(degi_ref[...], 1.0))
    h2 = jnp.maximum(b * (q_ref[0] + q_ref[1]) + bias_ref[...], 0.0)
    o_ref[...] = a * h2


def _tc_relu(q, dego, degi, bias1):
    return pl.pallas_call(
        _relu_body,
        out_shape=jax.ShapeDtypeStruct((N, D), jnp.float32),
    )(q, dego, degi, bias1.reshape(1, D))


def _out_body(r_ref, degi_ref, wout_ref, bout_ref, o1_ref, o2_ref):
    b = lax.rsqrt(jnp.maximum(degi_ref[...], 1.0))
    h3 = (r_ref[0] + r_ref[1]) * b
    o2_ref[...] = h3
    o1_ref[...] = jnp.dot(h3, wout_ref[...],
                          preferred_element_type=jnp.float32) + bout_ref[...]


def _tc_out(r, degi, Wout, bout):
    n_classes = Wout.shape[1]
    return pl.pallas_call(
        _out_body,
        out_shape=[
            jax.ShapeDtypeStruct((N, n_classes), jnp.float32),
            jax.ShapeDtypeStruct((N, D), jnp.float32),
        ],
    )(r, degi, Wout, bout.reshape(1, n_classes))



def _pad_idx(x, base):
    pad = NCH_PAD * CHUNK - E
    padv = base + (jnp.arange(pad, dtype=jnp.int32) % 128)
    return jnp.concatenate([x, padv]).reshape(NCH_PAD, CHUNK)


def kernel(feat0, feat1, feat2, W0, b0, W1, b1, W2, b2, coef, basis, bias1,
           Wout, bout, src, dst, e_feat):
    srcp = _pad_idx(src, 0)
    dstp = _pad_idx(dst, N)
    src2p = _pad_idx(e_feat * N + src, 0)
    zerosD = jnp.zeros((N, D), jnp.float32)

    ones1 = jnp.ones((CHUNK,), jnp.float32)
    dp = _deg_kernel(srcp, dstp, ones1)
    h0a = _tc_proj(feat0, W0, b0)
    h0b = _tc_proj(feat1, W1, b1)
    h0c = _tc_proj(feat2, W2, b2)
    degs = _deg_combine(dp)
    dego = degs[0, :N].reshape(N, 1)
    degi = degs[1, :N].reshape(N, 1)

    g0 = _tc_gcat(h0a, h0b, h0c, dego)

    p = _edge_pass(g0, srcp, dstp, zerosD)
    G = _tc_rel(p, dego, degi, coef, basis)
    q = _edge_pass(G, src2p, dstp, zerosD)
    g2 = _tc_relu(q, dego, degi, bias1)
    r = _edge_pass(g2, srcp, dstp, zerosD)
    logits, h3 = _tc_out(r, degi, Wout, bout)
    return (logits, h3)

# --- scband reference (transcript-rebuilt; emitter-appended) ---
"""Pipeline reference for scband-regcn-25555055412003 (READ-ONLY COPY).

The authoritative reference and input builder live on the scoring server;
editing this copy changes nothing except your own understanding.
"""

import jax, jax.numpy as jnp
import numpy as np

N_NODES = 10000
N_EDGES = 160000
D = 128
NUM_ETYPES = 5
R = 4
N_CLASSES = 16


def setup_inputs(seed: int = 0) -> dict:
    key = jax.random.key(seed)
    ks = jax.random.split(key, 20)
    feat0 = jax.random.normal(ks[0], (4000, 128), dtype=jnp.float32)
    feat1 = jax.random.normal(ks[1], (3000, 64), dtype=jnp.float32)
    feat2 = jax.random.normal(ks[2], (3000, 256), dtype=jnp.float32)
    src = jax.random.randint(ks[3], (N_EDGES,), 0, N_NODES, dtype=jnp.int32)
    dst = jax.random.randint(ks[4], (N_EDGES,), 0, N_NODES, dtype=jnp.int32)
    e_feat = jax.random.randint(ks[5], (N_EDGES,), 0, NUM_ETYPES, dtype=jnp.int32)
    # per-node-type input projections (fc_list)
    W0 = jax.random.normal(ks[6], (128, D), dtype=jnp.float32) * 0.05
    b0 = jnp.zeros((D,), dtype=jnp.float32)
    W1 = jax.random.normal(ks[7], (64, D), dtype=jnp.float32) * 0.05
    b1 = jnp.zeros((D,), dtype=jnp.float32)
    W2 = jax.random.normal(ks[8], (256, D), dtype=jnp.float32) * 0.05
    b2 = jnp.zeros((D,), dtype=jnp.float32)
    # middle REGraphConv layer: basis-decomposed relation weights
    coef = jax.random.normal(ks[9], (NUM_ETYPES, R), dtype=jnp.float32) * 0.3
    basis = jax.random.normal(ks[10], (R, D, D), dtype=jnp.float32) * 0.05
    bias1 = jnp.zeros((D,), dtype=jnp.float32)
    # output linear
    Wout = jax.random.normal(ks[11], (D, N_CLASSES), dtype=jnp.float32) * 0.05
    bout = jnp.zeros((N_CLASSES,), dtype=jnp.float32)
    return {
        'feat0': feat0, 'feat1': feat1, 'feat2': feat2,
        'W0': W0, 'b0': b0, 'W1': W1, 'b1': b1, 'W2': W2, 'b2': b2,
        'coef': coef, 'basis': basis, 'bias1': bias1,
        'Wout': Wout, 'bout': bout,
        'src': src, 'dst': dst, 'e_feat': e_feat,
    }


def reference(feat0, feat1, feat2, W0, b0, W1, b1, W2, b2, coef, basis, bias1, Wout, bout, src, dst, e_feat):
    # fc_list projections then concat along node axis
    h = jnp.concatenate([feat0 @ W0 + b0, feat1 @ W1 + b1, feat2 @ W2 + b2], axis=0)
    N = h.shape[0]
    deg_out = jnp.zeros((N,), jnp.float32).at[src].add(1.0)
    deg_in = jnp.zeros((N,), jnp.float32).at[dst].add(1.0)
    inv_sq_out = 1.0 / jnp.sqrt(jnp.clip(deg_out, 1.0))
    inv_sq_in = 1.0 / jnp.sqrt(jnp.clip(deg_in, 1.0))

    def agg(x):
        msg = x[src] * inv_sq_out[src][:, None]
        out = jnp.zeros((N, x.shape[1]), x.dtype).at[dst].add(msg)
        return out * inv_sq_in[:, None]

    # layer 0: weight=False, bias=False, activation=None -> pure normalized aggregation
    h = agg(h)
    # layer 1: relation-enhanced conv with basis-decomposed per-etype weights
    hb = jnp.einsum('nd,bdo->nbo', h, basis)          # [N, R, D]
    ce = jnp.take(coef, e_feat, axis=0)               # [E, R]
    msg = jnp.einsum('eb,ebo->eo', ce, hb[src])       # [E, D]
    msg = msg * inv_sq_out[src][:, None]
    m = jnp.zeros((N, basis.shape[2]), jnp.float32).at[dst].add(msg)
    m = m * inv_sq_in[:, None]
    h = jax.nn.relu(m + bias1)
    # layer 2: weight=False, bias=False -> pure normalized aggregation
    h = agg(h)
    out = h @ Wout + bout
    return (out, h)

if __name__ == "__main__":
    import jax
    _d = setup_inputs()
    print(jax.jit(kernel)(*tuple(_d.values())))

</pallas_src>

<mosaic_0001>
#map = affine_map<(d0, d1) -> (0, 0)>
#map1 = affine_map<(d0, d1) -> (0, 0, 0)>
module attributes {stable_mosaic.version = 14 : i64} {
  func.func @_edge_pass_body(%arg0: i32, %arg1: i32, %arg2: memref<10000x128xf32, #tpu.memory_space<hbm>>, %arg3: memref<1280x128xi32, #tpu.memory_space<hbm>>, %arg4: memref<1280x128xi32, #tpu.memory_space<hbm>>, %arg5: memref<10000x128xf32, #tpu.memory_space<hbm>>, %arg6: memref<2x10000x128xf32, #tpu.memory_space<hbm>>, %arg7: memref<40x128xi32, #tpu.memory_space<vmem>>, %arg8: memref<40x128xi32, #tpu.memory_space<vmem>>, %arg9: memref<2x128x128xf32, #tpu.memory_space<vmem>>, %arg10: memref<10128x128xf32, #tpu.memory_space<vmem_shared>>, %arg11: memref<!tpu.dma_semaphore, #tpu.memory_space<semaphore_mem>>, %arg12: memref<!tpu.dma_semaphore, #tpu.memory_space<semaphore_mem>>, %arg13: memref<!tpu.dma_semaphore, #tpu.memory_space<semaphore_mem>>, %arg14: memref<!tpu.dma_semaphore, #tpu.memory_space<semaphore_mem>>) attributes {dimension_semantics = [#tpu.dimension_semantics<core_parallel>, #tpu.dimension_semantics<subcore_parallel>], iteration_bounds = array<i64: 2, 16>, scalar_prefetch = 0 : i64, scratch_operands = 8 : i64, tpu.core_type = #tpu.core_type<sc_vector_subcore>, window_params = [{transform_indices = #map}, {transform_indices = #map}, {transform_indices = #map}, {transform_indices = #map}, {transform_indices = #map1}]} {
    %mul3A = arith.constant 2 : i32
    %mul3A_0 = arith.muli %arg1, %mul3A : i32
    %add3A = arith.addi %mul3A_0, %arg0 : i32
    %lt3A = arith.constant 15 : i32
    %lt3A_1 = arith.cmpi slt, %arg1, %lt3A : i32
    %convert_element_type3A = arith.extui %lt3A_1 : i1 to i32
    %cond3A = arith.constant 0 : i32
    %cond3A_2 = arith.cmpi ne, %convert_element_type3A, %cond3A : i32
    scf.if %cond3A_2 {
      %mul3A_46 = arith.constant 640 : i32
      %mul3A_47 = arith.muli %arg1, %mul3A_46 : i32
      "tpu.region"() ({
        %run_scoped3A = tpu.sem_alloc : memref<!tpu.dma_semaphore, #tpu.memory_space<semaphore_mem>>
        %dma_start3A_48 = arith.constant 0 : i32
        %dma_start3A_49 = tpu.memref_slice %arg10[%mul3A_47, %dma_start3A_48] : memref<10128x128xf32, #tpu.memory_space<vmem_shared>> -> memref<640x128xf32, #tpu.memory_space<vmem_shared>>
        %dma_start3A_50 = arith.constant 0 : i32
        %dma_start3A_51 = tpu.memref_slice %arg5[%mul3A_47, %dma_start3A_50] : memref<10000x128xf32, #tpu.memory_space<hbm>> -> memref<640x128xf32, #tpu.memory_space<hbm>>
        tpu.enqueue_dma source(%dma_start3A_51 : memref<640x128xf32, #tpu.memory_space<hbm>>) target(%dma_start3A_49 : memref<640x128xf32, #tpu.memory_space<vmem_shared>>) target_semaphore(%run_scoped3A : memref<!tpu.dma_semaphore, #tpu.memory_space<semaphore_mem>>)
        %dma_wait3A_52 = arith.constant 0 : i32
        %dma_wait3A_53 = tpu.memref_slice %arg10[%mul3A_47, %dma_wait3A_52] : memref<10128x128xf32, #tpu.memory_space<vmem_shared>> -> memref<640x128xf32, #tpu.memory_space<vmem_shared>>
        %dma_wait3A_54 = arith.constant 0 : i32
        %dma_wait3A_55 = tpu.memref_slice %arg5[%mul3A_47, %dma_wait3A_54] : memref<10000x128xf32, #tpu.memory_space<hbm>> -> memref<640x128xf32, #tpu.memory_space<hbm>>
        tpu.wait_dma2 semaphore(%run_scoped3A : memref<!tpu.dma_semaphore, #tpu.memory_space<semaphore_mem>>) src(%dma_wait3A_55 : memref<640x128xf32, #tpu.memory_space<hbm>>) dst(%dma_wait3A_53 : memref<640x128xf32, #tpu.memory_space<vmem_shared>>)
        tpu.yield
      }) : () -> ()
    } else {
    }
    %eq3A = arith.constant 15 : i32
    %eq3A_3 = arith.cmpi eq, %arg1, %eq3A : i32
    %convert_element_type3A_4 = arith.extui %eq3A_3 : i1 to i32
    %cond3A_5 = arith.constant 0 : i32
    %cond3A_6 = arith.cmpi ne, %convert_element_type3A_4, %cond3A_5 : i32
    scf.if %cond3A_6 {
      "tpu.region"() ({
        %run_scoped3A = tpu.sem_alloc : memref<!tpu.dma_semaphore, #tpu.memory_space<semaphore_mem>>
        %dma_start3A_46 = arith.constant 9600 : i32
        %dma_start3A_47 = arith.constant 0 : i32
        %dma_start3A_48 = tpu.memref_slice %arg10[%dma_start3A_46, %dma_start3A_47] : memref<10128x128xf32, #tpu.memory_space<vmem_shared>> -> memref<400x128xf32, #tpu.memory_space<vmem_shared>>
        %dma_start3A_49 = arith.constant 9600 : i32
        %dma_start3A_50 = arith.constant 0 : i32
        %dma_start3A_51 = tpu.memref_slice %arg5[%dma_start3A_49, %dma_start3A_50] : memref<10000x128xf32, #tpu.memory_space<hbm>> -> memref<400x128xf32, #tpu.memory_space<hbm>>
        tpu.enqueue_dma source(%dma_start3A_51 : memref<400x128xf32, #tpu.memory_space<hbm>>) target(%dma_start3A_48 : memref<400x128xf32, #tpu.memory_space<vmem_shared>>) target_semaphore(%run_scoped3A : memref<!tpu.dma_semaphore, #tpu.memory_space<semaphore_mem>>)
        %dma_wait3A_52 = arith.constant 9600 : i32
        %dma_wait3A_53 = arith.constant 0 : i32
        %dma_wait3A_54 = tpu.memref_slice %arg10[%dma_wait3A_52, %dma_wait3A_53] : memref<10128x128xf32, #tpu.memory_space<vmem_shared>> -> memref<400x128xf32, #tpu.memory_space<vmem_shared>>
        %dma_wait3A_55 = arith.constant 9600 : i32
        %dma_wait3A_56 = arith.constant 0 : i32
        %dma_wait3A_57 = tpu.memref_slice %arg5[%dma_wait3A_55, %dma_wait3A_56] : memref<10000x128xf32, #tpu.memory_space<hbm>> -> memref<400x128xf32, #tpu.memory_space<hbm>>
        tpu.wait_dma2 semaphore(%run_scoped3A : memref<!tpu.dma_semaphore, #tpu.memory_space<semaphore_mem>>) src(%dma_wait3A_57 : memref<400x128xf32, #tpu.memory_space<hbm>>) dst(%dma_wait3A_54 : memref<400x128xf32, #tpu.memory_space<vmem_shared>>)
        tpu.yield
      }) : () -> ()
    } else {
    }
    %barrier3A = arith.constant 0 : index
    tpu.barrier barrier_id(%barrier3A)
    %mul3A_7 = arith.constant 40 : i32
    %mul3A_8 = arith.muli %add3A, %mul3A_7 : i32
    "tpu.region"() ({
      %run_scoped3A = tpu.sem_alloc : memref<!tpu.dma_semaphore, #tpu.memory_space<semaphore_mem>>
      %dma_start3A_46 = arith.constant 0 : i32
      %dma_start3A_47 = tpu.memref_slice %arg3[%mul3A_8, %dma_start3A_46] : memref<1280x128xi32, #tpu.memory_space<hbm>> -> memref<40x128xi32, #tpu.memory_space<hbm>>
      %dma_start3A_48 = arith.constant 0 : i32
      %dma_start3A_49 = tpu.memref_slice %arg3[%mul3A_8, %dma_start3A_48] : memref<1280x128xi32, #tpu.memory_space<hbm>> -> memref<40x128xi32, #tpu.memory_space<hbm>>
      tpu.enqueue_dma source(%dma_start3A_49 : memref<40x128xi32, #tpu.memory_space<hbm>>) target(%arg7 : memref<40x128xi32, #tpu.memory_space<vmem>>) target_semaphore(%run_scoped3A : memref<!tpu.dma_semaphore, #tpu.memory_space<semaphore_mem>>)
      %dma_wait3A_50 = arith.constant 0 : i32
      %dma_wait3A_51 = tpu.memref_slice %arg3[%mul3A_8, %dma_wait3A_50] : memref<1280x128xi32, #tpu.memory_space<hbm>> -> memref<40x128xi32, #tpu.memory_space<hbm>>
      %dma_wait3A_52 = arith.constant 0 : i32
      %dma_wait3A_53 = tpu.memref_slice %arg3[%mul3A_8, %dma_wait3A_52] : memref<1280x128xi32, #tpu.memory_space<hbm>> -> memref<40x128xi32, #tpu.memory_space<hbm>>
      tpu.wait_dma2 semaphore(%run_scoped3A : memref<!tpu.dma_semaphore, #tpu.memory_space<semaphore_mem>>) src(%dma_wait3A_53 : memref<40x128xi32, #tpu.memory_space<hbm>>) dst(%arg7 : memref<40x128xi32, #tpu.memory_space<vmem>>)
      tpu.yield
    }) : () -> ()
    "tpu.region"() ({
      %run_scoped3A = tpu.sem_alloc : memref<!tpu.dma_semaphore, #tpu.memory_space<semaphore_mem>>
      %dma_start3A_46 = arith.constant 0 : i32
      %dma_start3A_47 = tpu.memref_slice %arg4[%mul3A_8, %dma_start3A_46] : memref<1280x128xi32, #tpu.memory_space<hbm>> -> memref<40x128xi32, #tpu.memory_space<hbm>>
      %dma_start3A_48 = arith.constant 0 : i32
      %dma_start3A_49 = tpu.memref_slice %arg4[%mul3A_8, %dma_start3A_48] : memref<1280x128xi32, #tpu.memory_space<hbm>> -> memref<40x128xi32, #tpu.memory_space<hbm>>
      tpu.enqueue_dma source(%dma_start3A_49 : memref<40x128xi32, #tpu.memory_space<hbm>>) target(%arg8 : memref<40x128xi32, #tpu.memory_space<vmem>>) target_semaphore(%run_scoped3A : memref<!tpu.dma_semaphore, #tpu.memory_space<semaphore_mem>>)
      %dma_wait3A_50 = arith.constant 0 : i32
      %dma_wait3A_51 = tpu.memref_slice %arg4[%mul3A_8, %dma_wait3A_50] : memref<1280x128xi32, #tpu.memory_space<hbm>> -> memref<40x128xi32, #tpu.memory_space<hbm>>
      %dma_wait3A_52 = arith.constant 0 : i32
      %dma_wait3A_53 = tpu.memref_slice %arg4[%mul3A_8, %dma_wait3A_52] : memref<1280x128xi32, #tpu.memory_space<hbm>> -> memref<40x128xi32, #tpu.memory_space<hbm>>
      tpu.wait_dma2 semaphore(%run_scoped3A : memref<!tpu.dma_semaphore, #tpu.memory_space<semaphore_mem>>) src(%dma_wait3A_53 : memref<40x128xi32, #tpu.memory_space<hbm>>) dst(%arg8 : memref<40x128xi32, #tpu.memory_space<vmem>>)
      tpu.yield
    }) : () -> ()
    %dma_start3A = arith.constant 0 : i32
    %dma_start3A_9 = arith.constant 0 : i32
    %dma_start3A_10 = arith.constant 0 : i32
    %dma_start3A_11 = arith.constant 0 : i32
    %dma_start3A_12 = tpu.memref_slice %arg9[%dma_start3A_9, %dma_start3A_10, %dma_start3A_11] : memref<2x128x128xf32, #tpu.memory_space<vmem>> -> memref<1x128x128xf32, #tpu.memory_space<vmem>>
    %dma_start3A_13 = tpu.memref_squeeze %dma_start3A_12 : memref<1x128x128xf32, #tpu.memory_space<vmem>> -> memref<128x128xf32, #tpu.memory_space<vmem>>
    %dma_start3A_14 = arith.constant 0 : i32
    %dma_start3A_15 = tpu.memref_slice %arg7[%dma_start3A, %dma_start3A_14] : memref<40x128xi32, #tpu.memory_space<vmem>> -> memref<1x128xi32, #tpu.memory_space<vmem>>
    %dma_start3A_16 = tpu.memref_squeeze %dma_start3A_15 : memref<1x128xi32, #tpu.memory_space<vmem>> -> memref<128xi32, #tpu.memory_space<vmem>>
    %dma_start3A_17 = arith.constant 0 : i32
    %dma_start3A_18 = arith.constant 0 : i32
    %dma_start3A_19 = tpu.memref_slice %arg2[%dma_start3A_17, %dma_start3A_18] : memref<10000x128xf32, #tpu.memory_space<hbm>> -> memref<10000x128xf32, #tpu.memory_space<hbm>>
    tpu.enqueue_indirect_dma source(%dma_start3A_19 : memref<10000x128xf32, #tpu.memory_space<hbm>>) target(%dma_start3A_13 : memref<128x128xf32, #tpu.memory_space<vmem>>) offsets(%dma_start3A_16 : memref<128xi32, #tpu.memory_space<vmem>>) semaphore(%arg11 : memref<!tpu.dma_semaphore, #tpu.memory_space<semaphore_mem>>)
    %scan3A = arith.constant 0 : i32
    %scan3A_20 = arith.constant 20 : i32
    %scan3A_21 = arith.addi %scan3A, %scan3A_20 : i32
    %scan3A_22 = arith.constant 1 : i32
    scf.for %scan3A_46 = %scan3A to %scan3A_21 step %scan3A_22  : i32 {
      %mul3A_47 = arith.constant 2 : i32
      %mul3A_48 = arith.muli %scan3A_46, %mul3A_47 : i32
      %add3A_49 = arith.constant 0 : i32
      %add3A_50 = arith.addi %mul3A_48, %add3A_49 : i32
      %dma_wait3A_51 = arith.constant 0 : i32
      %dma_wait3A_52 = arith.constant 0 : i32
      %dma_wait3A_53 = arith.constant 0 : i32
      %dma_wait3A_54 = tpu.memref_slice %arg9[%dma_wait3A_51, %dma_wait3A_52, %dma_wait3A_53] : memref<2x128x128xf32, #tpu.memory_space<vmem>> -> memref<1x128x128xf32, #tpu.memory_space<vmem>>
      %dma_wait3A_55 = tpu.memref_squeeze %dma_wait3A_54 : memref<1x128x128xf32, #tpu.memory_space<vmem>> -> memref<128x128xf32, #tpu.memory_space<vmem>>
      %dma_wait3A_56 = arith.constant 0 : i32
      %dma_wait3A_57 = tpu.memref_slice %arg7[%add3A_50, %dma_wait3A_56] : memref<40x128xi32, #tpu.memory_space<vmem>> -> memref<1x128xi32, #tpu.memory_space<vmem>>
      %dma_wait3A_58 = tpu.memref_squeeze %dma_wait3A_57 : memref<1x128xi32, #tpu.memory_space<vmem>> -> memref<128xi32, #tpu.memory_space<vmem>>
      %dma_wait3A_59 = arith.constant 0 : i32
      %dma_wait3A_60 = arith.constant 0 : i32
      %dma_wait3A_61 = tpu.memref_slice %arg2[%dma_wait3A_59, %dma_wait3A_60] : memref<10000x128xf32, #tpu.memory_space<hbm>> -> memref<10000x128xf32, #tpu.memory_space<hbm>>
      tpu.wait_indirect_dma semaphore(%arg11 : memref<!tpu.dma_semaphore, #tpu.memory_space<semaphore_mem>>) src(%dma_wait3A_61 : memref<10000x128xf32, #tpu.memory_space<hbm>>) dst(%dma_wait3A_55 : memref<128x128xf32, #tpu.memory_space<vmem>>)
      %dma_start3A_62 = arith.constant 0 : i32
      %dma_start3A_63 = arith.constant 0 : i32
      %dma_start3A_64 = arith.constant 0 : i32
      %dma_start3A_65 = tpu.memref_slice %arg9[%dma_start3A_62, %dma_start3A_63, %dma_start3A_64] : memref<2x128x128xf32, #tpu.memory_space<vmem>> -> memref<1x128x128xf32, #tpu.memory_space<vmem>>
      %dma_start3A_66 = tpu.memref_squeeze %dma_start3A_65 : memref<1x128x128xf32, #tpu.memory_space<vmem>> -> memref<128x128xf32, #tpu.memory_space<vmem>>
      %dma_start3A_67 = arith.constant 0 : i32
      %dma_start3A_68 = tpu.memref_slice %arg8[%add3A_50, %dma_start3A_67] : memref<40x128xi32, #tpu.memory_space<vmem>> -> memref<1x128xi32, #tpu.memory_space<vmem>>
      %dma_start3A_69 = tpu.memref_squeeze %dma_start3A_68 : memref<1x128xi32, #tpu.memory_space<vmem>> -> memref<128xi32, #tpu.memory_space<vmem>>
      %dma_start3A_70 = arith.constant 0 : i32
      %dma_start3A_71 = arith.constant 0 : i32
      %dma_start3A_72 = tpu.memref_slice %arg10[%dma_start3A_70, %dma_start3A_71] : memref<10128x128xf32, #tpu.memory_space<vmem_shared>> -> memref<10128x128xf32, #tpu.memory_space<vmem_shared>>
      tpu.enqueue_indirect_dma source(%dma_start3A_66 : memref<128x128xf32, #tpu.memory_space<vmem>>) target(%dma_start3A_72 : memref<10128x128xf32, #tpu.memory_space<vmem_shared>>) offsets(%dma_start3A_69 : memref<128xi32, #tpu.memory_space<vmem>>) semaphore(%arg13 : memref<!tpu.dma_semaphore, #tpu.memory_space<semaphore_mem>>) {add = true}
      %ge3A = arith.constant 1 : i32
      %ge3A_73 = arith.cmpi sge, %add3A_50, %ge3A : i32
      %convert_element_type3A_74 = arith.extui %ge3A_73 : i1 to i32
      %cond3A_75 = arith.constant 0 : i32
      %cond3A_76 = arith.cmpi ne, %convert_element_type3A_74, %cond3A_75 : i32
      scf.if %cond3A_76 {
        %sub3A = arith.constant 1 : i32
        %sub3A_122 = arith.subi %add3A_50, %sub3A : i32
        %dma_wait3A_123 = arith.constant 1 : i32
        %dma_wait3A_124 = arith.constant 0 : i32
        %dma_wait3A_125 = arith.constant 0 : i32
        %dma_wait3A_126 = tpu.memref_slice %arg9[%dma_wait3A_123, %dma_wait3A_124, %dma_wait3A_125] : memref<2x128x128xf32, #tpu.memory_space<vmem>> -> memref<1x128x128xf32, #tpu.memory_space<vmem>>
        %dma_wait3A_127 = tpu.memref_squeeze %dma_wait3A_126 : memref<1x128x128xf32, #tpu.memory_space<vmem>> -> memref<128x128xf32, #tpu.memory_space<vmem>>
        %dma_wait3A_128 = arith.constant 0 : i32
        %dma_wait3A_129 = tpu.memref_slice %arg8[%sub3A_122, %dma_wait3A_128] : memref<40x128xi32, #tpu.memory_space<vmem>> -> memref<1x128xi32, #tpu.memory_space<vmem>>
        %dma_wait3A_130 = tpu.memref_squeeze %dma_wait3A_129 : memref<1x128xi32, #tpu.memory_space<vmem>> -> memref<128xi32, #tpu.memory_space<vmem>>
        %dma_wait3A_131 = arith.constant 0 : i32
        %dma_wait3A_132 = arith.constant 0 : i32
        %dma_wait3A_133 = tpu.memref_slice %arg10[%dma_wait3A_131, %dma_wait3A_132] : memref<10128x128xf32, #tpu.memory_space<vmem_shared>> -> memref<10128x128xf32, #tpu.memory_space<vmem_shared>>
        tpu.wait_indirect_dma semaphore(%arg14 : memref<!tpu.dma_semaphore, #tpu.memory_space<semaphore_mem>>) src(%dma_wait3A_127 : memref<128x128xf32, #tpu.memory_space<vmem>>) dst(%dma_wait3A_133 : memref<10128x128xf32, #tpu.memory_space<vmem_shared>>)
      } else {
      }
      %add3A_77 = arith.constant 1 : i32
      %add3A_78 = arith.addi %add3A_50, %add3A_77 : i32
      %lt3A_79 = arith.constant 40 : i32
      %lt3A_80 = arith.cmpi slt, %add3A_78, %lt3A_79 : i32
      %convert_element_type3A_81 = arith.extui %lt3A_80 : i1 to i32
      %cond3A_82 = arith.constant 0 : i32
      %cond3A_83 = arith.cmpi ne, %convert_element_type3A_81, %cond3A_82 : i32
      scf.if %cond3A_83 {
        %add3A_122 = arith.constant 1 : i32
        %add3A_123 = arith.addi %add3A_50, %add3A_122 : i32
        %dma_start3A_124 = arith.constant 1 : i32
        %dma_start3A_125 = arith.constant 0 : i32
        %dma_start3A_126 = arith.constant 0 : i32
        %dma_start3A_127 = tpu.memref_slice %arg9[%dma_start3A_124, %dma_start3A_125, %dma_start3A_126] : memref<2x128x128xf32, #tpu.memory_space<vmem>> -> memref<1x128x128xf32, #tpu.memory_space<vmem>>
        %dma_start3A_128 = tpu.memref_squeeze %dma_start3A_127 : memref<1x128x128xf32, #tpu.memory_space<vmem>> -> memref<128x128xf32, #tpu.memory_space<vmem>>
        %dma_start3A_129 = arith.constant 0 : i32
        %dma_start3A_130 = tpu.memref_slice %arg7[%add3A_123, %dma_start3A_129] : memref<40x128xi32, #tpu.memory_space<vmem>> -> memref<1x128xi32, #tpu.memory_space<vmem>>
        %dma_start3A_131 = tpu.memref_squeeze %dma_start3A_130 : memref<1x128xi32, #tpu.memory_space<vmem>> -> memref<128xi32, #tpu.memory_space<vmem>>
        %dma_start3A_132 = arith.constant 0 : i32
        %dma_start3A_133 = arith.constant 0 : i32
        %dma_start3A_134 = tpu.memref_slice %arg2[%dma_start3A_132, %dma_start3A_133] : memref<10000x128xf32, #tpu.memory_space<hbm>> -> memref<10000x128xf32, #tpu.memory_space<hbm>>
        tpu.enqueue_indirect_dma source(%dma_start3A_134 : memref<10000x128xf32, #tpu.memory_space<hbm>>) target(%dma_start3A_128 : memref<128x128xf32, #tpu.memory_space<vmem>>) offsets(%dma_start3A_131 : memref<128xi32, #tpu.memory_space<vmem>>) semaphore(%arg12 : memref<!tpu.dma_semaphore, #tpu.memory_space<semaphore_mem>>)
      } else {
      }
      %mul3A_84 = arith.constant 2 : i32
      %mul3A_85 = arith.muli %scan3A_46, %mul3A_84 : i32
      %add3A_86 = arith.constant 1 : i32
      %add3A_87 = arith.addi %mul3A_85, %add3A_86 : i32
      %dma_wait3A_88 = arith.constant 1 : i32
      %dma_wait3A_89 = arith.constant 0 : i32
      %dma_wait3A_90 = arith.constant 0 : i32
      %dma_wait3A_91 = tpu.memref_slice %arg9[%dma_wait3A_88, %dma_wait3A_89, %dma_wait3A_90] : memref<2x128x128xf32, #tpu.memory_space<vmem>> -> memref<1x128x128xf32, #tpu.memory_space<vmem>>
      %dma_wait3A_92 = tpu.memref_squeeze %dma_wait3A_91 : memref<1x128x128xf32, #tpu.memory_space<vmem>> -> memref<128x128xf32, #tpu.memory_space<vmem>>
      %dma_wait3A_93 = arith.constant 0 : i32
      %dma_wait3A_94 = tpu.memref_slice %arg7[%add3A_87, %dma_wait3A_93] : memref<40x128xi32, #tpu.memory_space<vmem>> -> memref<1x128xi32, #tpu.memory_space<vmem>>
      %dma_wait3A_95 = tpu.memref_squeeze %dma_wait3A_94 : memref<1x128xi32, #tpu.memory_space<vmem>> -> memref<128xi32, #tpu.memory_space<vmem>>
      %dma_wait3A_96 = arith.constant 0 : i32
      %dma_wait3A_97 = arith.constant 0 : i32
      %dma_wait3A_98 = tpu.memref_slice %arg2[%dma_wait3A_96, %dma_wait3A_97] : memref<10000x128xf32, #tpu.memory_space<hbm>> -> memref<10000x128xf32, #tpu.memory_space<hbm>>
      tpu.wait_indirect_dma semaphore(%arg12 : memref<!tpu.dma_semaphore, #tpu.memory_space<semaphore_mem>>) src(%dma_wait3A_98 : memref<10000x128xf32, #tpu.memory_space<hbm>>) dst(%dma_wait3A_92 : memref<128x128xf32, #tpu.memory_space<vmem>>)
      %dma_start3A_99 = arith.constant 1 : i32
      %dma_start3A_100 = arith.constant 0 : i32
      %dma_start3A_101 = arith.constant 0 : i32
      %dma_start3A_102 = tpu.memref_slice %arg9[%dma_start3A_99, %dma_start3A_100, %dma_start3A_101] : memref<2x128x128xf32, #tpu.memory_space<vmem>> -> memref<1x128x128xf32, #tpu.memory_space<vmem>>
      %dma_start3A_103 = tpu.memref_squeeze %dma_start3A_102 : memref<1x128x128xf32, #tpu.memory_space<vmem>> -> memref<128x128xf32, #tpu.memory_space<vmem>>
      %dma_start3A_104 = arith.constant 0 : i32
      %dma_start3A_105 = tpu.memref_slice %arg8[%add3A_87, %dma_start3A_104] : memref<40x128xi32, #tpu.memory_space<vmem>> -> memref<1x128xi32, #tpu.memory_space<vmem>>
      %dma_start3A_106 = tpu.memref_squeeze %dma_start3A_105 : memref<1x128xi32, #tpu.memory_space<vmem>> -> memref<128xi32, #tpu.memory_space<vmem>>
      %dma_start3A_107 = arith.constant 0 : i32
      %dma_start3A_108 = arith.constant 0 : i32
      %dma_start3A_109 = tpu.memref_slice %arg10[%dma_start3A_107, %dma_start3A_108] : memref<10128x128xf32, #tpu.memory_space<vmem_shared>> -> memref<10128x128xf32, #tpu.memory_space<vmem_shared>>
      tpu.enqueue_indirect_dma source(%dma_start3A_103 : memref<128x128xf32, #tpu.memory_space<vmem>>) target(%dma_start3A_109 : memref<10128x128xf32, #tpu.memory_space<vmem_shared>>) offsets(%dma_start3A_106 : memref<128xi32, #tpu.memory_space<vmem>>) semaphore(%arg14 : memref<!tpu.dma_semaphore, #tpu.memory_space<semaphore_mem>>) {add = true}
      %ge3A_110 = arith.constant 1 : i32
      %ge3A_111 = arith.cmpi sge, %add3A_87, %ge3A_110 : i32
      %convert_element_type3A_112 = arith.extui %ge3A_111 : i1 to i32
      %cond3A_113 = arith.constant 0 : i32
      %cond3A_114 = arith.cmpi ne, %convert_element_type3A_112, %cond3A_113 : i32
      scf.if %cond3A_114 {
        %sub3A = arith.constant 1 : i32
        %sub3A_122 = arith.subi %add3A_87, %sub3A : i32
        %dma_wait3A_123 = arith.constant 0 : i32
        %dma_wait3A_124 = arith.constant 0 : i32
        %dma_wait3A_125 = arith.constant 0 : i32
        %dma_wait3A_126 = tpu.memref_slice %arg9[%dma_wait3A_123, %dma_wait3A_124, %dma_wait3A_125] : memref<2x128x128xf32, #tpu.memory_space<vmem>> -> memref<1x128x128xf32, #tpu.memory_space<vmem>>
        %dma_wait3A_127 = tpu.memref_squeeze %dma_wait3A_126 : memref<1x128x128xf32, #tpu.memory_space<vmem>> -> memref<128x128xf32, #tpu.memory_space<vmem>>
        %dma_wait3A_128 = arith.constant 0 : i32
        %dma_wait3A_129 = tpu.memref_slice %arg8[%sub3A_122, %dma_wait3A_128] : memref<40x128xi32, #tpu.memory_space<vmem>> -> memref<1x128xi32, #tpu.memory_space<vmem>>
        %dma_wait3A_130 = tpu.memref_squeeze %dma_wait3A_129 : memref<1x128xi32, #tpu.memory_space<vmem>> -> memref<128xi32, #tpu.memory_space<vmem>>
        %dma_wait3A_131 = arith.constant 0 : i32
        %dma_wait3A_132 = arith.constant 0 : i32
        %dma_wait3A_133 = tpu.memref_slice %arg10[%dma_wait3A_131, %dma_wait3A_132] : memref<10128x128xf32, #tpu.memory_space<vmem_shared>> -> memref<10128x128xf32, #tpu.memory_space<vmem_shared>>
        tpu.wait_indirect_dma semaphore(%arg13 : memref<!tpu.dma_semaphore, #tpu.memory_space<semaphore_mem>>) src(%dma_wait3A_127 : memref<128x128xf32, #tpu.memory_space<vmem>>) dst(%dma_wait3A_133 : memref<10128x128xf32, #tpu.memory_space<vmem_shared>>)
      } else {
      }
      %add3A_115 = arith.constant 1 : i32
      %add3A_116 = arith.addi %add3A_87, %add3A_115 : i32
      %lt3A_117 = arith.constant 40 : i32
      %lt3A_118 = arith.cmpi slt, %add3A_116, %lt3A_117 : i32
      %convert_element_type3A_119 = arith.extui %lt3A_118 : i1 to i32
      %cond3A_120 = arith.constant 0 : i32
      %cond3A_121 = arith.cmpi ne, %convert_element_type3A_119, %cond3A_120 : i32
      scf.if %cond3A_121 {
        %add3A_122 = arith.constant 1 : i32
        %add3A_123 = arith.addi %add3A_87, %add3A_122 : i32
        %dma_start3A_124 = arith.constant 0 : i32
        %dma_start3A_125 = arith.constant 0 : i32
        %dma_start3A_126 = arith.constant 0 : i32
        %dma_start3A_127 = tpu.memref_slice %arg9[%dma_start3A_124, %dma_start3A_125, %dma_start3A_126] : memref<2x128x128xf32, #tpu.memory_space<vmem>> -> memref<1x128x128xf32, #tpu.memory_space<vmem>>
        %dma_start3A_128 = tpu.memref_squeeze %dma_start3A_127 : memref<1x128x128xf32, #tpu.memory_space<vmem>> -> memref<128x128xf32, #tpu.memory_space<vmem>>
        %dma_start3A_129 = arith.constant 0 : i32
        %dma_start3A_130 = tpu.memref_slice %arg7[%add3A_123, %dma_start3A_129] : memref<40x128xi32, #tpu.memory_space<vmem>> -> memref<1x128xi32, #tpu.memory_space<vmem>>
        %dma_start3A_131 = tpu.memref_squeeze %dma_start3A_130 : memref<1x128xi32, #tpu.memory_space<vmem>> -> memref<128xi32, #tpu.memory_space<vmem>>
        %dma_start3A_132 = arith.constant 0 : i32
        %dma_start3A_133 = arith.constant 0 : i32
        %dma_start3A_134 = tpu.memref_slice %arg2[%dma_start3A_132, %dma_start3A_133] : memref<10000x128xf32, #tpu.memory_space<hbm>> -> memref<10000x128xf32, #tpu.memory_space<hbm>>
        tpu.enqueue_indirect_dma source(%dma_start3A_134 : memref<10000x128xf32, #tpu.memory_space<hbm>>) target(%dma_start3A_128 : memref<128x128xf32, #tpu.memory_space<vmem>>) offsets(%dma_start3A_131 : memref<128xi32, #tpu.memory_space<vmem>>) semaphore(%arg11 : memref<!tpu.dma_semaphore, #tpu.memory_space<semaphore_mem>>)
      } else {
      }
    }
    %scan3A_23 = arith.constant 20 : i32
    %dma_wait3A = arith.constant 1 : i32
    %dma_wait3A_24 = arith.constant 39 : i32
    %dma_wait3A_25 = arith.constant 0 : i32
    %dma_wait3A_26 = arith.constant 0 : i32
    %dma_wait3A_27 = tpu.memref_slice %arg9[%dma_wait3A, %dma_wait3A_25, %dma_wait3A_26] : memref<2x128x128xf32, #tpu.memory_space<vmem>> -> memref<1x128x128xf32, #tpu.memory_space<vmem>>
    %dma_wait3A_28 = tpu.memref_squeeze %dma_wait3A_27 : memref<1x128x128xf32, #tpu.memory_space<vmem>> -> memref<128x128xf32, #tpu.memory_space<vmem>>
    %dma_wait3A_29 = arith.constant 0 : i32
    %dma_wait3A_30 = tpu.memref_slice %arg8[%dma_wait3A_24, %dma_wait3A_29] : memref<40x128xi32, #tpu.memory_space<vmem>> -> memref<1x128xi32, #tpu.memory_space<vmem>>
    %dma_wait3A_31 = tpu.memref_squeeze %dma_wait3A_30 : memref<1x128xi32, #tpu.memory_space<vmem>> -> memref<128xi32, #tpu.memory_space<vmem>>
    %dma_wait3A_32 = arith.constant 0 : i32
    %dma_wait3A_33 = arith.constant 0 : i32
    %dma_wait3A_34 = tpu.memref_slice %arg10[%dma_wait3A_32, %dma_wait3A_33] : memref<10128x128xf32, #tpu.memory_space<vmem_shared>> -> memref<10128x128xf32, #tpu.memory_space<vmem_shared>>
    tpu.wait_indirect_dma semaphore(%arg14 : memref<!tpu.dma_semaphore, #tpu.memory_space<semaphore_mem>>) src(%dma_wait3A_28 : memref<128x128xf32, #tpu.memory_space<vmem>>) dst(%dma_wait3A_34 : memref<10128x128xf32, #tpu.memory_space<vmem_shared>>)
    %barrier3A_35 = arith.constant 0 : index
    tpu.barrier barrier_id(%barrier3A_35)
    %lt3A_36 = arith.constant 15 : i32
    %lt3A_37 = arith.cmpi slt, %arg1, %lt3A_36 : i32
    %convert_element_type3A_38 = arith.extui %lt3A_37 : i1 to i32
    %cond3A_39 = arith.constant 0 : i32
    %cond3A_40 = arith.cmpi ne, %convert_element_type3A_38, %cond3A_39 : i32
    scf.if %cond3A_40 {
      %mul3A_46 = arith.constant 640 : i32
      %mul3A_47 = arith.muli %arg1, %mul3A_46 : i32
      "tpu.region"() ({
        %run_scoped3A = tpu.sem_alloc : memref<!tpu.dma_semaphore, #tpu.memory_space<semaphore_mem>>
        %dma_start3A_48 = arith.constant 0 : i32
        %dma_start3A_49 = tpu.memref_slice %arg6[%arg0, %mul3A_47, %dma_start3A_48] : memref<2x10000x128xf32, #tpu.memory_space<hbm>> -> memref<1x640x128xf32, #tpu.memory_space<hbm>>
        %dma_start3A_50 = tpu.memref_squeeze %dma_start3A_49 : memref<1x640x128xf32, #tpu.memory_space<hbm>> -> memref<640x128xf32, #tpu.memory_space<hbm>>
        %dma_start3A_51 = arith.constant 0 : i32
        %dma_start3A_52 = tpu.memref_slice %arg10[%mul3A_47, %dma_start3A_51] : memref<10128x128xf32, #tpu.memory_space<vmem_shared>> -> memref<640x128xf32, #tpu.memory_space<vmem_shared>>
        tpu.enqueue_dma source(%dma_start3A_52 : memref<640x128xf32, #tpu.memory_space<vmem_shared>>) target(%dma_start3A_50 : memref<640x128xf32, #tpu.memory_space<hbm>>) target_semaphore(%run_scoped3A : memref<!tpu.dma_semaphore, #tpu.memory_space<semaphore_mem>>)
        %dma_wait3A_53 = arith.constant 0 : i32
        %dma_wait3A_54 = tpu.memref_slice %arg6[%arg0, %mul3A_47, %dma_wait3A_53] : memref<2x10000x128xf32, #tpu.memory_space<hbm>> -> memref<1x640x128xf32, #tpu.memory_space<hbm>>
        %dma_wait3A_55 = tpu.memref_squeeze %dma_wait3A_54 : memref<1x640x128xf32, #tpu.memory_space<hbm>> -> memref<640x128xf32, #tpu.memory_space<hbm>>
        %dma_wait3A_56 = arith.constant 0 : i32
        %dma_wait3A_57 = tpu.memref_slice %arg10[%mul3A_47, %dma_wait3A_56] : memref<10128x128xf32, #tpu.memory_space<vmem_shared>> -> memref<640x128xf32, #tpu.memory_space<vmem_shared>>
        tpu.wait_dma2 semaphore(%run_scoped3A : memref<!tpu.dma_semaphore, #tpu.memory_space<semaphore_mem>>) src(%dma_wait3A_57 : memref<640x128xf32, #tpu.memory_space<vmem_shared>>) dst(%dma_wait3A_55 : memref<640x128xf32, #tpu.memory_space<hbm>>)
        tpu.yield
      }) : () -> ()
    } else {
    }
    %eq3A_41 = arith.constant 15 : i32
    %eq3A_42 = arith.cmpi eq, %arg1, %eq3A_41 : i32
    %convert_element_type3A_43 = arith.extui %eq3A_42 : i1 to i32
    %cond3A_44 = arith.constant 0 : i32
    %cond3A_45 = arith.cmpi ne, %convert_element_type3A_43, %cond3A_44 : i32
    scf.if %cond3A_45 {
      "tpu.region"() ({
        %run_scoped3A = tpu.sem_alloc : memref<!tpu.dma_semaphore, #tpu.memory_space<semaphore_mem>>
        %dma_start3A_46 = arith.constant 9600 : i32
        %dma_start3A_47 = arith.constant 0 : i32
        %dma_start3A_48 = tpu.memref_slice %arg6[%arg0, %dma_start3A_46, %dma_start3A_47] : memref<2x10000x128xf32, #tpu.memory_space<hbm>> -> memref<1x400x128xf32, #tpu.memory_space<hbm>>
        %dma_start3A_49 = tpu.memref_squeeze %dma_start3A_48 : memref<1x400x128xf32, #tpu.memory_space<hbm>> -> memref<400x128xf32, #tpu.memory_space<hbm>>
        %dma_start3A_50 = arith.constant 9600 : i32
        %dma_start3A_51 = arith.constant 0 : i32
        %dma_start3A_52 = tpu.memref_slice %arg10[%dma_start3A_50, %dma_start3A_51] : memref<10128x128xf32, #tpu.memory_space<vmem_shared>> -> memref<400x128xf32, #tpu.memory_space<vmem_shared>>
        tpu.enqueue_dma source(%dma_start3A_52 : memref<400x128xf32, #tpu.memory_space<vmem_shared>>) target(%dma_start3A_49 : memref<400x128xf32, #tpu.memory_space<hbm>>) target_semaphore(%run_scoped3A : memref<!tpu.dma_semaphore, #tpu.memory_space<semaphore_mem>>)
        %dma_wait3A_53 = arith.constant 9600 : i32
        %dma_wait3A_54 = arith.constant 0 : i32
        %dma_wait3A_55 = tpu.memref_slice %arg6[%arg0, %dma_wait3A_53, %dma_wait3A_54] : memref<2x10000x128xf32, #tpu.memory_space<hbm>> -> memref<1x400x128xf32, #tpu.memory_space<hbm>>
        %dma_wait3A_56 = tpu.memref_squeeze %dma_wait3A_55 : memref<1x400x128xf32, #tpu.memory_space<hbm>> -> memref<400x128xf32, #tpu.memory_space<hbm>>
        %dma_wait3A_57 = arith.constant 9600 : i32
        %dma_wait3A_58 = arith.constant 0 : i32
        %dma_wait3A_59 = tpu.memref_slice %arg10[%dma_wait3A_57, %dma_wait3A_58] : memref<10128x128xf32, #tpu.memory_space<vmem_shared>> -> memref<400x128xf32, #tpu.memory_space<vmem_shared>>
        tpu.wait_dma2 semaphore(%run_scoped3A : memref<!tpu.dma_semaphore, #tpu.memory_space<semaphore_mem>>) src(%dma_wait3A_59 : memref<400x128xf32, #tpu.memory_space<vmem_shared>>) dst(%dma_wait3A_56 : memref<400x128xf32, #tpu.memory_space<hbm>>)
        tpu.yield
      }) : () -> ()
    } else {
    }
    return
  }
}

#map = affine_map<(d0, d1) -> (0, 0)>
#map1 = affine_map<(d0, d1) -> (0)>
#map2 = affine_map<(d0, d1) -> (0, 0, 0)>
module attributes {stable_mosaic.version = 14 : i64} {
  func.func @_deg_body(%arg0: i32, %arg1: i32, %arg2: memref<1280x128xi32, #tpu.memory_space<hbm>>, %arg3: memref<1280x128xi32, #tpu.memory_space<hbm>>, %arg4: memref<128xf32, #tpu.memory_space<hbm>>, %arg5: memref<2x2x10240xf32, #tpu.memory_space<hbm>>, %arg6: memref<40x128xi32, #tpu.memory_space<vmem>>, %arg7: memref<40x128xi32, #tpu.memory_space<vmem>>, %arg8: memref<128xf32, #tpu.memory_space<vmem>>, %arg9: memref<640xf32, #tpu.memory_space<vmem>>, %arg10: memref<10240xf32, #tpu.memory_space<vmem_shared>>, %arg11: memref<10240xf32, #tpu.memory_space<vmem_shared>>) attributes {dimension_semantics = [#tpu.dimension_semantics<core_parallel>, #tpu.dimension_semantics<subcore_parallel>], iteration_bounds = array<i64: 2, 16>, scalar_prefetch = 0 : i64, scratch_operands = 6 : i64, tpu.core_type = #tpu.core_type<sc_vector_subcore>, window_params = [{transform_indices = #map}, {transform_indices = #map}, {transform_indices = #map1}, {transform_indices = #map2}]} {
    %mul3A = arith.constant 2 : i32
    %mul3A_0 = arith.muli %arg1, %mul3A : i32
    %add3A = arith.addi %mul3A_0, %arg0 : i32
    "tpu.region"() ({
      %run_scoped3A_251 = tpu.sem_alloc : memref<!tpu.dma_semaphore, #tpu.memory_space<semaphore_mem>>
      tpu.enqueue_dma source(%arg4 : memref<128xf32, #tpu.memory_space<hbm>>) target(%arg8 : memref<128xf32, #tpu.memory_space<vmem>>) target_semaphore(%run_scoped3A_251 : memref<!tpu.dma_semaphore, #tpu.memory_space<semaphore_mem>>)
      tpu.wait_dma2 semaphore(%run_scoped3A_251 : memref<!tpu.dma_semaphore, #tpu.memory_space<semaphore_mem>>) src(%arg4 : memref<128xf32, #tpu.memory_space<hbm>>) dst(%arg8 : memref<128xf32, #tpu.memory_space<vmem>>)
      tpu.yield
    }) : () -> ()
    %broadcast_in_dim3A = arith.constant 0.000000e+00 : f32
    %broadcast_in_dim3A_1 = vector.broadcast %broadcast_in_dim3A : f32 to vector<16xf32>
    %swap3A = arith.constant 0 : index
    %swap3A_2 = tpu.vector_load %arg9[%swap3A] {strides = array<i32>} : memref<640xf32, #tpu.memory_space<vmem>>, vector<16xf32>,
    %swap3A_3 = vector.shape_cast %swap3A_2 : vector<16xf32> to vector<16xf32>
    %swap3A_4 = vector.shape_cast %broadcast_in_dim3A_1 : vector<16xf32> to vector<16xf32>
    tpu.vector_store %arg9[%swap3A], %swap3A_4 {strides = array<i32>} : memref<640xf32, #tpu.memory_space<vmem>>, vector<16xf32>,
    %broadcast_in_dim3A_5 = arith.constant 0.000000e+00 : f32
    %broadcast_in_dim3A_6 = vector.broadcast %broadcast_in_dim3A_5 : f32 to vector<16xf32>
    %swap3A_7 = arith.constant 16 : index
    %swap3A_8 = tpu.vector_load %arg9[%swap3A_7] {strides = array<i32>} : memref<640xf32, #tpu.memory_space<vmem>>, vector<16xf32>,
    %swap3A_9 = vector.shape_cast %swap3A_8 : vector<16xf32> to vector<16xf32>
    %swap3A_10 = vector.shape_cast %broadcast_in_dim3A_6 : vector<16xf32> to vector<16xf32>
    tpu.vector_store %arg9[%swap3A_7], %swap3A_10 {strides = array<i32>} : memref<640xf32, #tpu.memory_space<vmem>>, vector<16xf32>,
    %broadcast_in_dim3A_11 = arith.constant 0.000000e+00 : f32
    %broadcast_in_dim3A_12 = vector.broadcast %broadcast_in_dim3A_11 : f32 to vector<16xf32>
    %swap3A_13 = arith.constant 32 : index
    %swap3A_14 = tpu.vector_load %arg9[%swap3A_13] {strides = array<i32>} : memref<640xf32, #tpu.memory_space<vmem>>, vector<16xf32>,
    %swap3A_15 = vector.shape_cast %swap3A_14 : vector<16xf32> to vector<16xf32>
    %swap3A_16 = vector.shape_cast %broadcast_in_dim3A_12 : vector<16xf32> to vector<16xf32>
    tpu.vector_store %arg9[%swap3A_13], %swap3A_16 {strides = array<i32>} : memref<640xf32, #tpu.memory_space<vmem>>, vector<16xf32>,
    %broadcast_in_dim3A_17 = arith.constant 0.000000e+00 : f32
    %broadcast_in_dim3A_18 = vector.broadcast %broadcast_in_dim3A_17 : f32 to vector<16xf32>
    %swap3A_19 = arith.constant 48 : index
    %swap3A_20 = tpu.vector_load %arg9[%swap3A_19] {strides = array<i32>} : memref<640xf32, #tpu.memory_space<vmem>>, vector<16xf32>,
    %swap3A_21 = vector.shape_cast %swap3A_20 : vector<16xf32> to vector<16xf32>
    %swap3A_22 = vector.shape_cast %broadcast_in_dim3A_18 : vector<16xf32> to vector<16xf32>
    tpu.vector_store %arg9[%swap3A_19], %swap3A_22 {strides = array<i32>} : memref<640xf32, #tpu.memory_space<vmem>>, vector<16xf32>,
    %broadcast_in_dim3A_23 = arith.constant 0.000000e+00 : f32
    %broadcast_in_dim3A_24 = vector.broadcast %broadcast_in_dim3A_23 : f32 to vector<16xf32>
    %swap3A_25 = arith.constant 64 : index
    %swap3A_26 = tpu.vector_load %arg9[%swap3A_25] {strides = array<i32>} : memref<640xf32, #tpu.memory_space<vmem>>, vector<16xf32>,
    %swap3A_27 = vector.shape_cast %swap3A_26 : vector<16xf32> to vector<16xf32>
    %swap3A_28 = vector.shape_cast %broadcast_in_dim3A_24 : vector<16xf32> to vector<16xf32>
    tpu.vector_store %arg9[%swap3A_25], %swap3A_28 {strides = array<i32>} : memref<640xf32, #tpu.memory_space<vmem>>, vector<16xf32>,
    %broadcast_in_dim3A_29 = arith.constant 0.000000e+00 : f32
    %broadcast_in_dim3A_30 = vector.broadcast %broadcast_in_dim3A_29 : f32 to vector<16xf32>
    %swap3A_31 = arith.constant 80 : index
    %swap3A_32 = tpu.vector_load %arg9[%swap3A_31] {strides = array<i32>} : memref<640xf32, #tpu.memory_space<vmem>>, vector<16xf32>,
    %swap3A_33 = vector.shape_cast %swap3A_32 : vector<16xf32> to vector<16xf32>
    %swap3A_34 = vector.shape_cast %broadcast_in_dim3A_30 : vector<16xf32> to vector<16xf32>
    tpu.vector_store %arg9[%swap3A_31], %swap3A_34 {strides = array<i32>} : memref<640xf32, #tpu.memory_space<vmem>>, vector<16xf32>,
    %broadcast_in_dim3A_35 = arith.constant 0.000000e+00 : f32
    %broadcast_in_dim3A_36 = vector.broadcast %broadcast_in_dim3A_35 : f32 to vector<16xf32>
    %swap3A_37 = arith.constant 96 : index
    %swap3A_38 = tpu.vector_load %arg9[%swap3A_37] {strides = array<i32>} : memref<640xf32, #tpu.memory_space<vmem>>, vector<16xf32>,
    %swap3A_39 = vector.shape_cast %swap3A_38 : vector<16xf32> to vector<16xf32>
    %swap3A_40 = vector.shape_cast %broadcast_in_dim3A_36 : vector<16xf32> to vector<16xf32>
    tpu.vector_store %arg9[%swap3A_37], %swap3A_40 {strides = array<i32>} : memref<640xf32, #tpu.memory_space<vmem>>, vector<16xf32>,
    %broadcast_in_dim3A_41 = arith.constant 0.000000e+00 : f32
    %broadcast_in_dim3A_42 = vector.broadcast %broadcast_in_dim3A_41 : f32 to vector<16xf32>
    %swap3A_43 = arith.constant 112 : index
    %swap3A_44 = tpu.vector_load %arg9[%swap3A_43] {strides = array<i32>} : memref<640xf32, #tpu.memory_space<vmem>>, vector<16xf32>,
    %swap3A_45 = vector.shape_cast %swap3A_44 : vector<16xf32> to vector<16xf32>
    %swap3A_46 = vector.shape_cast %broadcast_in_dim3A_42 : vector<16xf32> to vector<16xf32>
    tpu.vector_store %arg9[%swap3A_43], %swap3A_46 {strides = array<i32>} : memref<640xf32, #tpu.memory_space<vmem>>, vector<16xf32>,
    %broadcast_in_dim3A_47 = arith.constant 0.000000e+00 : f32
    %broadcast_in_dim3A_48 = vector.broadcast %broadcast_in_dim3A_47 : f32 to vector<16xf32>
    %swap3A_49 = arith.constant 128 : index
    %swap3A_50 = tpu.vector_load %arg9[%swap3A_49] {strides = array<i32>} : memref<640xf32, #tpu.memory_space<vmem>>, vector<16xf32>,
    %swap3A_51 = vector.shape_cast %swap3A_50 : vector<16xf32> to vector<16xf32>
    %swap3A_52 = vector.shape_cast %broadcast_in_dim3A_48 : vector<16xf32> to vector<16xf32>
    tpu.vector_store %arg9[%swap3A_49], %swap3A_52 {strides = array<i32>} : memref<640xf32, #tpu.memory_space<vmem>>, vector<16xf32>,
    %broadcast_in_dim3A_53 = arith.constant 0.000000e+00 : f32
    %broadcast_in_dim3A_54 = vector.broadcast %broadcast_in_dim3A_53 : f32 to vector<16xf32>
    %swap3A_55 = arith.constant 144 : index
    %swap3A_56 = tpu.vector_load %arg9[%swap3A_55] {strides = array<i32>} : memref<640xf32, #tpu.memory_space<vmem>>, vector<16xf32>,
    %swap3A_57 = vector.shape_cast %swap3A_56 : vector<16xf32> to vector<16xf32>
    %swap3A_58 = vector.shape_cast %broadcast_in_dim3A_54 : vector<16xf32> to vector<16xf32>
    tpu.vector_store %arg9[%swap3A_55], %swap3A_58 {strides = array<i32>} : memref<640xf32, #tpu.memory_space<vmem>>, vector<16xf32>,
    %broadcast_in_dim3A_59 = arith.constant 0.000000e+00 : f32
    %broadcast_in_dim3A_60 = vector.broadcast %broadcast_in_dim3A_59 : f32 to vector<16xf32>
    %swap3A_61 = arith.constant 160 : index
    %swap3A_62 = tpu.vector_load %arg9[%swap3A_61] {strides = array<i32>} : memref<640xf32, #tpu.memory_space<vmem>>, vector<16xf32>,
    %swap3A_63 = vector.shape_cast %swap3A_62 : vector<16xf32> to vector<16xf32>
    %swap3A_64 = vector.shape_cast %broadcast_in_dim3A_60 : vector<16xf32> to vector<16xf32>
    tpu.vector_store %arg9[%swap3A_61], %swap3A_64 {strides = array<i32>} : memref<640xf32, #tpu.memory_space<vmem>>, vector<16xf32>,
    %broadcast_in_dim3A_65 = arith.constant 0.000000e+00 : f32
    %broadcast_in_dim3A_66 = vector.broadcast %broadcast_in_dim3A_65 : f32 to vector<16xf32>
    %swap3A_67 = arith.constant 176 : index
    %swap3A_68 = tpu.vector_load %arg9[%swap3A_67] {strides = array<i32>} : memref<640xf32, #tpu.memory_space<vmem>>, vector<16xf32>,
    %swap3A_69 = vector.shape_cast %swap3A_68 : vector<16xf32> to vector<16xf32>
    %swap3A_70 = vector.shape_cast %broadcast_in_dim3A_66 : vector<16xf32> to vector<16xf32>
    tpu.vector_store %arg9[%swap3A_67], %swap3A_70 {strides = array<i32>} : memref<640xf32, #tpu.memory_space<vmem>>, vector<16xf32>,
    %broadcast_in_dim3A_71 = arith.constant 0.000000e+00 : f32
    %broadcast_in_dim3A_72 = vector.broadcast %broadcast_in_dim3A_71 : f32 to vector<16xf32>
    %swap3A_73 = arith.constant 192 : index
    %swap3A_74 = tpu.vector_load %arg9[%swap3A_73] {strides = array<i32>} : memref<640xf32, #tpu.memory_space<vmem>>, vector<16xf32>,
    %swap3A_75 = vector.shape_cast %swap3A_74 : vector<16xf32> to vector<16xf32>
    %swap3A_76 = vector.shape_cast %broadcast_in_dim3A_72 : vector<16xf32> to vector<16xf32>
    tpu.vector_store %arg9[%swap3A_73], %swap3A_76 {strides = array<i32>} : memref<640xf32, #tpu.memory_space<vmem>>, vector<16xf32>,
    %broadcast_in_dim3A_77 = arith.constant 0.000000e+00 : f32
    %broadcast_in_dim3A_78 = vector.broadcast %broadcast_in_dim3A_77 : f32 to vector<16xf32>
    %swap3A_79 = arith.constant 208 : index
    %swap3A_80 = tpu.vector_load %arg9[%swap3A_79] {strides = array<i32>} : memref<640xf32, #tpu.memory_space<vmem>>, vector<16xf32>,
    %swap3A_81 = vector.shape_cast %swap3A_80 : vector<16xf32> to vector<16xf32>
    %swap3A_82 = vector.shape_cast %broadcast_in_dim3A_78 : vector<16xf32> to vector<16xf32>
    tpu.vector_store %arg9[%swap3A_79], %swap3A_82 {strides = array<i32>} : memref<640xf32, #tpu.memory_space<vmem>>, vector<16xf32>,
    %broadcast_in_dim3A_83 = arith.constant 0.000000e+00 : f32
    %broadcast_in_dim3A_84 = vector.broadcast %broadcast_in_dim3A_83 : f32 to vector<16xf32>
    %swap3A_85 = arith.constant 224 : index
    %swap3A_86 = tpu.vector_load %arg9[%swap3A_85] {strides = array<i32>} : memref<640xf32, #tpu.memory_space<vmem>>, vector<16xf32>,
    %swap3A_87 = vector.shape_cast %swap3A_86 : vector<16xf32> to vector<16xf32>
    %swap3A_88 = vector.shape_cast %broadcast_in_dim3A_84 : vector<16xf32> to vector<16xf32>
    tpu.vector_store %arg9[%swap3A_85], %swap3A_88 {strides = array<i32>} : memref<640xf32, #tpu.memory_space<vmem>>, vector<16xf32>,
    %broadcast_in_dim3A_89 = arith.constant 0.000000e+00 : f32
    %broadcast_in_dim3A_90 = vector.broadcast %broadcast_in_dim3A_89 : f32 to vector<16xf32>
    %swap3A_91 = arith.constant 240 : index
    %swap3A_92 = tpu.vector_load %arg9[%swap3A_91] {strides = array<i32>} : memref<640xf32, #tpu.memory_space<vmem>>, vector<16xf32>,
    %swap3A_93 = vector.shape_cast %swap3A_92 : vector<16xf32> to vector<16xf32>
    %swap3A_94 = vector.shape_cast %broadcast_in_dim3A_90 : vector<16xf32> to vector<16xf32>
    tpu.vector_store %arg9[%swap3A_91], %swap3A_94 {strides = array<i32>} : memref<640xf32, #tpu.memory_space<vmem>>, vector<16xf32>,
    %broadcast_in_dim3A_95 = arith.constant 0.000000e+00 : f32
    %broadcast_in_dim3A_96 = vector.broadcast %broadcast_in_dim3A_95 : f32 to vector<16xf32>
    %swap3A_97 = arith.constant 256 : index
    %swap3A_98 = tpu.vector_load %arg9[%swap3A_97] {strides = array<i32>} : memref<640xf32, #tpu.memory_space<vmem>>, vector<16xf32>,
    %swap3A_99 = vector.shape_cast %swap3A_98 : vector<16xf32> to vector<16xf32>
    %swap3A_100 = vector.shape_cast %broadcast_in_dim3A_96 : vector<16xf32> to vector<16xf32>
    tpu.vector_store %arg9[%swap3A_97], %swap3A_100 {strides = array<i32>} : memref<640xf32, #tpu.memory_space<vmem>>, vector<16xf32>,
    %broadcast_in_dim3A_101 = arith.constant 0.000000e+00 : f32
    %broadcast_in_dim3A_102 = vector.broadcast %broadcast_in_dim3A_101 : f32 to vector<16xf32>
    %swap3A_103 = arith.constant 272 : index
    %swap3A_104 = tpu.vector_load %arg9[%swap3A_103] {strides = array<i32>} : memref<640xf32, #tpu.memory_space<vmem>>, vector<16xf32>,
    %swap3A_105 = vector.shape_cast %swap3A_104 : vector<16xf32> to vector<16xf32>
    %swap3A_106 = vector.shape_cast %broadcast_in_dim3A_102 : vector<16xf32> to vector<16xf32>
    tpu.vector_store %arg9[%swap3A_103], %swap3A_106 {strides = array<i32>} : memref<640xf32, #tpu.memory_space<vmem>>, vector<16xf32>,
    %broadcast_in_dim3A_107 = arith.constant 0.000000e+00 : f32
    %broadcast_in_dim3A_108 = vector.broadcast %broadcast_in_dim3A_107 : f32 to vector<16xf32>
    %swap3A_109 = arith.constant 288 : index
    %swap3A_110 = tpu.vector_load %arg9[%swap3A_109] {strides = array<i32>} : memref<640xf32, #tpu.memory_space<vmem>>, vector<16xf32>,
    %swap3A_111 = vector.shape_cast %swap3A_110 : vector<16xf32> to vector<16xf32>
    %swap3A_112 = vector.shape_cast %broadcast_in_dim3A_108 : vector<16xf32> to vector<16xf32>
    tpu.vector_store %arg9[%swap3A_109], %swap3A_112 {strides = array<i32>} : memref<640xf32, #tpu.memory_space<vmem>>, vector<16xf32>,
    %broadcast_in_dim3A_113 = arith.constant 0.000000e+00 : f32
    %broadcast_in_dim3A_114 = vector.broadcast %broadcast_in_dim3A_113 : f32 to vector<16xf32>
    %swap3A_115 = arith.constant 304 : index
    %swap3A_116 = tpu.vector_load %arg9[%swap3A_115] {strides = array<i32>} : memref<640xf32, #tpu.memory_space<vmem>>, vector<16xf32>,
    %swap3A_117 = vector.shape_cast %swap3A_116 : vector<16xf32> to vector<16xf32>
    %swap3A_118 = vector.shape_cast %broadcast_in_dim3A_114 : vector<16xf32> to vector<16xf32>
    tpu.vector_store %arg9[%swap3A_115], %swap3A_118 {strides = array<i32>} : memref<640xf32, #tpu.memory_space<vmem>>, vector<16xf32>,
    %broadcast_in_dim3A_119 = arith.constant 0.000000e+00 : f32
    %broadcast_in_dim3A_120 = vector.broadcast %broadcast_in_dim3A_119 : f32 to vector<16xf32>
    %swap3A_121 = arith.constant 320 : index
    %swap3A_122 = tpu.vector_load %arg9[%swap3A_121] {strides = array<i32>} : memref<640xf32, #tpu.memory_space<vmem>>, vector<16xf32>,
    %swap3A_123 = vector.shape_cast %swap3A_122 : vector<16xf32> to vector<16xf32>
    %swap3A_124 = vector.shape_cast %broadcast_in_dim3A_120 : vector<16xf32> to vector<16xf32>
    tpu.vector_store %arg9[%swap3A_121], %swap3A_124 {strides = array<i32>} : memref<640xf32, #tpu.memory_space<vmem>>, vector<16xf32>,
    %broadcast_in_dim3A_125 = arith.constant 0.000000e+00 : f32
    %broadcast_in_dim3A_126 = vector.broadcast %broadcast_in_dim3A_125 : f32 to vector<16xf32>
    %swap3A_127 = arith.constant 336 : index
    %swap3A_128 = tpu.vector_load %arg9[%swap3A_127] {strides = array<i32>} : memref<640xf32, #tpu.memory_space<vmem>>, vector<16xf32>,
    %swap3A_129 = vector.shape_cast %swap3A_128 : vector<16xf32> to vector<16xf32>
    %swap3A_130 = vector.shape_cast %broadcast_in_dim3A_126 : vector<16xf32> to vector<16xf32>
    tpu.vector_store %arg9[%swap3A_127], %swap3A_130 {strides = array<i32>} : memref<640xf32, #tpu.memory_space<vmem>>, vector<16xf32>,
    %broadcast_in_dim3A_131 = arith.constant 0.000000e+00 : f32
    %broadcast_in_dim3A_132 = vector.broadcast %broadcast_in_dim3A_131 : f32 to vector<16xf32>
    %swap3A_133 = arith.constant 352 : index
    %swap3A_134 = tpu.vector_load %arg9[%swap3A_133] {strides = array<i32>} : memref<640xf32, #tpu.memory_space<vmem>>, vector<16xf32>,
    %swap3A_135 = vector.shape_cast %swap3A_134 : vector<16xf32> to vector<16xf32>
    %swap3A_136 = vector.shape_cast %broadcast_in_dim3A_132 : vector<16xf32> to vector<16xf32>
    tpu.vector_store %arg9[%swap3A_133], %swap3A_136 {strides = array<i32>} : memref<640xf32, #tpu.memory_space<vmem>>, vector<16xf32>,
    %broadcast_in_dim3A_137 = arith.constant 0.000000e+00 : f32
    %broadcast_in_dim3A_138 = vector.broadcast %broadcast_in_dim3A_137 : f32 to vector<16xf32>
    %swap3A_139 = arith.constant 368 : index
    %swap3A_140 = tpu.vector_load %arg9[%swap3A_139] {strides = array<i32>} : memref<640xf32, #tpu.memory_space<vmem>>, vector<16xf32>,
    %swap3A_141 = vector.shape_cast %swap3A_140 : vector<16xf32> to vector<16xf32>
    %swap3A_142 = vector.shape_cast %broadcast_in_dim3A_138 : vector<16xf32> to vector<16xf32>
    tpu.vector_store %arg9[%swap3A_139], %swap3A_142 {strides = array<i32>} : memref<640xf32, #tpu.memory_space<vmem>>, vector<16xf32>,
    %broadcast_in_dim3A_143 = arith.constant 0.000000e+00 : f32
    %broadcast_in_dim3A_144 = vector.broadcast %broadcast_in_dim3A_143 : f32 to vector<16xf32>
    %swap3A_145 = arith.constant 384 : index
    %swap3A_146 = tpu.vector_load %arg9[%swap3A_145] {strides = array<i32>} : memref<640xf32, #tpu.memory_space<vmem>>, vector<16xf32>,
    %swap3A_147 = vector.shape_cast %swap3A_146 : vector<16xf32> to vector<16xf32>
    %swap3A_148 = vector.shape_cast %broadcast_in_dim3A_144 : vector<16xf32> to vector<16xf32>
    tpu.vector_store %arg9[%swap3A_145], %swap3A_148 {strides = array<i32>} : memref<640xf32, #tpu.memory_space<vmem>>, vector<16xf32>,
    %broadcast_in_dim3A_149 = arith.constant 0.000000e+00 : f32
    %broadcast_in_dim3A_150 = vector.broadcast %broadcast_in_dim3A_149 : f32 to vector<16xf32>
    %swap3A_151 = arith.constant 400 : index
    %swap3A_152 = tpu.vector_load %arg9[%swap3A_151] {strides = array<i32>} : memref<640xf32, #tpu.memory_space<vmem>>, vector<16xf32>,
    %swap3A_153 = vector.shape_cast %swap3A_152 : vector<16xf32> to vector<16xf32>
    %swap3A_154 = vector.shape_cast %broadcast_in_dim3A_150 : vector<16xf32> to vector<16xf32>
    tpu.vector_store %arg9[%swap3A_151], %swap3A_154 {strides = array<i32>} : memref<640xf32, #tpu.memory_space<vmem>>, vector<16xf32>,
    %broadcast_in_dim3A_155 = arith.constant 0.000000e+00 : f32
    %broadcast_in_dim3A_156 = vector.broadcast %broadcast_in_dim3A_155 : f32 to vector<16xf32>
    %swap3A_157 = arith.constant 416 : index
    %swap3A_158 = tpu.vector_load %arg9[%swap3A_157] {strides = array<i32>} : memref<640xf32, #tpu.memory_space<vmem>>, vector<16xf32>,
    %swap3A_159 = vector.shape_cast %swap3A_158 : vector<16xf32> to vector<16xf32>
    %swap3A_160 = vector.shape_cast %broadcast_in_dim3A_156 : vector<16xf32> to vector<16xf32>
    tpu.vector_store %arg9[%swap3A_157], %swap3A_160 {strides = array<i32>} : memref<640xf32, #tpu.memory_space<vmem>>, vector<16xf32>,
    %broadcast_in_dim3A_161 = arith.constant 0.000000e+00 : f32
    %broadcast_in_dim3A_162 = vector.broadcast %broadcast_in_dim3A_161 : f32 to vector<16xf32>
    %swap3A_163 = arith.constant 432 : index
    %swap3A_164 = tpu.vector_load %arg9[%swap3A_163] {strides = array<i32>} : memref<640xf32, #tpu.memory_space<vmem>>, vector<16xf32>,
    %swap3A_165 = vector.shape_cast %swap3A_164 : vector<16xf32> to vector<16xf32>
    %swap3A_166 = vector.shape_cast %broadcast_in_dim3A_162 : vector<16xf32> to vector<16xf32>
    tpu.vector_store %arg9[%swap3A_163], %swap3A_166 {strides = array<i32>} : memref<640xf32, #tpu.memory_space<vmem>>, vector<16xf32>,
    %broadcast_in_dim3A_167 = arith.constant 0.000000e+00 : f32
    %broadcast_in_dim3A_168 = vector.broadcast %broadcast_in_dim3A_167 : f32 to vector<16xf32>
    %swap3A_169 = arith.constant 448 : index
    %swap3A_170 = tpu.vector_load %arg9[%swap3A_169] {strides = array<i32>} : memref<640xf32, #tpu.memory_space<vmem>>, vector<16xf32>,
    %swap3A_171 = vector.shape_cast %swap3A_170 : vector<16xf32> to vector<16xf32>
    %swap3A_172 = vector.shape_cast %broadcast_in_dim3A_168 : vector<16xf32> to vector<16xf32>
    tpu.vector_store %arg9[%swap3A_169], %swap3A_172 {strides = array<i32>} : memref<640xf32, #tpu.memory_space<vmem>>, vector<16xf32>,
    %broadcast_in_dim3A_173 = arith.constant 0.000000e+00 : f32
    %broadcast_in_dim3A_174 = vector.broadcast %broadcast_in_dim3A_173 : f32 to vector<16xf32>
    %swap3A_175 = arith.constant 464 : index
    %swap3A_176 = tpu.vector_load %arg9[%swap3A_175] {strides = array<i32>} : memref<640xf32, #tpu.memory_space<vmem>>, vector<16xf32>,
    %swap3A_177 = vector.shape_cast %swap3A_176 : vector<16xf32> to vector<16xf32>
    %swap3A_178 = vector.shape_cast %broadcast_in_dim3A_174 : vector<16xf32> to vector<16xf32>
    tpu.vector_store %arg9[%swap3A_175], %swap3A_178 {strides = array<i32>} : memref<640xf32, #tpu.memory_space<vmem>>, vector<16xf32>,
    %broadcast_in_dim3A_179 = arith.constant 0.000000e+00 : f32
    %broadcast_in_dim3A_180 = vector.broadcast %broadcast_in_dim3A_179 : f32 to vector<16xf32>
    %swap3A_181 = arith.constant 480 : index
    %swap3A_182 = tpu.vector_load %arg9[%swap3A_181] {strides = array<i32>} : memref<640xf32, #tpu.memory_space<vmem>>, vector<16xf32>,
    %swap3A_183 = vector.shape_cast %swap3A_182 : vector<16xf32> to vector<16xf32>
    %swap3A_184 = vector.shape_cast %broadcast_in_dim3A_180 : vector<16xf32> to vector<16xf32>
    tpu.vector_store %arg9[%swap3A_181], %swap3A_184 {strides = array<i32>} : memref<640xf32, #tpu.memory_space<vmem>>, vector<16xf32>,
    %broadcast_in_dim3A_185 = arith.constant 0.000000e+00 : f32
    %broadcast_in_dim3A_186 = vector.broadcast %broadcast_in_dim3A_185 : f32 to vector<16xf32>
    %swap3A_187 = arith.constant 496 : index
    %swap3A_188 = tpu.vector_load %arg9[%swap3A_187] {strides = array<i32>} : memref<640xf32, #tpu.memory_space<vmem>>, vector<16xf32>,
    %swap3A_189 = vector.shape_cast %swap3A_188 : vector<16xf32> to vector<16xf32>
    %swap3A_190 = vector.shape_cast %broadcast_in_dim3A_186 : vector<16xf32> to vector<16xf32>
    tpu.vector_store %arg9[%swap3A_187], %swap3A_190 {strides = array<i32>} : memref<640xf32, #tpu.memory_space<vmem>>, vector<16xf32>,
    %broadcast_in_dim3A_191 = arith.constant 0.000000e+00 : f32
    %broadcast_in_dim3A_192 = vector.broadcast %broadcast_in_dim3A_191 : f32 to vector<16xf32>
    %swap3A_193 = arith.constant 512 : index
    %swap3A_194 = tpu.vector_load %arg9[%swap3A_193] {strides = array<i32>} : memref<640xf32, #tpu.memory_space<vmem>>, vector<16xf32>,
    %swap3A_195 = vector.shape_cast %swap3A_194 : vector<16xf32> to vector<16xf32>
    %swap3A_196 = vector.shape_cast %broadcast_in_dim3A_192 : vector<16xf32> to vector<16xf32>
    tpu.vector_store %arg9[%swap3A_193], %swap3A_196 {strides = array<i32>} : memref<640xf32, #tpu.memory_space<vmem>>, vector<16xf32>,
    %broadcast_in_dim3A_197 = arith.constant 0.000000e+00 : f32
    %broadcast_in_dim3A_198 = vector.broadcast %broadcast_in_dim3A_197 : f32 to vector<16xf32>
    %swap3A_199 = arith.constant 528 : index
    %swap3A_200 = tpu.vector_load %arg9[%swap3A_199] {strides = array<i32>} : memref<640xf32, #tpu.memory_space<vmem>>, vector<16xf32>,
    %swap3A_201 = vector.shape_cast %swap3A_200 : vector<16xf32> to vector<16xf32>
    %swap3A_202 = vector.shape_cast %broadcast_in_dim3A_198 : vector<16xf32> to vector<16xf32>
    tpu.vector_store %arg9[%swap3A_199], %swap3A_202 {strides = array<i32>} : memref<640xf32, #tpu.memory_space<vmem>>, vector<16xf32>,
    %broadcast_in_dim3A_203 = arith.constant 0.000000e+00 : f32
    %broadcast_in_dim3A_204 = vector.broadcast %broadcast_in_dim3A_203 : f32 to vector<16xf32>
    %swap3A_205 = arith.constant 544 : index
    %swap3A_206 = tpu.vector_load %arg9[%swap3A_205] {strides = array<i32>} : memref<640xf32, #tpu.memory_space<vmem>>, vector<16xf32>,
    %swap3A_207 = vector.shape_cast %swap3A_206 : vector<16xf32> to vector<16xf32>
    %swap3A_208 = vector.shape_cast %broadcast_in_dim3A_204 : vector<16xf32> to vector<16xf32>
    tpu.vector_store %arg9[%swap3A_205], %swap3A_208 {strides = array<i32>} : memref<640xf32, #tpu.memory_space<vmem>>, vector<16xf32>,
    %broadcast_in_dim3A_209 = arith.constant 0.000000e+00 : f32
    %broadcast_in_dim3A_210 = vector.broadcast %broadcast_in_dim3A_209 : f32 to vector<16xf32>
    %swap3A_211 = arith.constant 560 : index
    %swap3A_212 = tpu.vector_load %arg9[%swap3A_211] {strides = array<i32>} : memref<640xf32, #tpu.memory_space<vmem>>, vector<16xf32>,
    %swap3A_213 = vector.shape_cast %swap3A_212 : vector<16xf32> to vector<16xf32>
    %swap3A_214 = vector.shape_cast %broadcast_in_dim3A_210 : vector<16xf32> to vector<16xf32>
    tpu.vector_store %arg9[%swap3A_211], %swap3A_214 {strides = array<i32>} : memref<640xf32, #tpu.memory_space<vmem>>, vector<16xf32>,
    %broadcast_in_dim3A_215 = arith.constant 0.000000e+00 : f32
    %broadcast_in_dim3A_216 = vector.broadcast %broadcast_in_dim3A_215 : f32 to vector<16xf32>
    %swap3A_217 = arith.constant 576 : index
    %swap3A_218 = tpu.vector_load %arg9[%swap3A_217] {strides = array<i32>} : memref<640xf32, #tpu.memory_space<vmem>>, vector<16xf32>,
    %swap3A_219 = vector.shape_cast %swap3A_218 : vector<16xf32> to vector<16xf32>
    %swap3A_220 = vector.shape_cast %broadcast_in_dim3A_216 : vector<16xf32> to vector<16xf32>
    tpu.vector_store %arg9[%swap3A_217], %swap3A_220 {strides = array<i32>} : memref<640xf32, #tpu.memory_space<vmem>>, vector<16xf32>,
    %broadcast_in_dim3A_221 = arith.constant 0.000000e+00 : f32
    %broadcast_in_dim3A_222 = vector.broadcast %broadcast_in_dim3A_221 : f32 to vector<16xf32>
    %swap3A_223 = arith.constant 592 : index
    %swap3A_224 = tpu.vector_load %arg9[%swap3A_223] {strides = array<i32>} : memref<640xf32, #tpu.memory_space<vmem>>, vector<16xf32>,
    %swap3A_225 = vector.shape_cast %swap3A_224 : vector<16xf32> to vector<16xf32>
    %swap3A_226 = vector.shape_cast %broadcast_in_dim3A_222 : vector<16xf32> to vector<16xf32>
    tpu.vector_store %arg9[%swap3A_223], %swap3A_226 {strides = array<i32>} : memref<640xf32, #tpu.memory_space<vmem>>, vector<16xf32>,
    %broadcast_in_dim3A_227 = arith.constant 0.000000e+00 : f32
    %broadcast_in_dim3A_228 = vector.broadcast %broadcast_in_dim3A_227 : f32 to vector<16xf32>
    %swap3A_229 = arith.constant 608 : index
    %swap3A_230 = tpu.vector_load %arg9[%swap3A_229] {strides = array<i32>} : memref<640xf32, #tpu.memory_space<vmem>>, vector<16xf32>,
    %swap3A_231 = vector.shape_cast %swap3A_230 : vector<16xf32> to vector<16xf32>
    %swap3A_232 = vector.shape_cast %broadcast_in_dim3A_228 : vector<16xf32> to vector<16xf32>
    tpu.vector_store %arg9[%swap3A_229], %swap3A_232 {strides = array<i32>} : memref<640xf32, #tpu.memory_space<vmem>>, vector<16xf32>,
    %broadcast_in_dim3A_233 = arith.constant 0.000000e+00 : f32
    %broadcast_in_dim3A_234 = vector.broadcast %broadcast_in_dim3A_233 : f32 to vector<16xf32>
    %swap3A_235 = arith.constant 624 : index
    %swap3A_236 = tpu.vector_load %arg9[%swap3A_235] {strides = array<i32>} : memref<640xf32, #tpu.memory_space<vmem>>, vector<16xf32>,
    %swap3A_237 = vector.shape_cast %swap3A_236 : vector<16xf32> to vector<16xf32>
    %swap3A_238 = vector.shape_cast %broadcast_in_dim3A_234 : vector<16xf32> to vector<16xf32>
    tpu.vector_store %arg9[%swap3A_235], %swap3A_238 {strides = array<i32>} : memref<640xf32, #tpu.memory_space<vmem>>, vector<16xf32>,
    %mul3A_239 = arith.constant 640 : i32
    %mul3A_240 = arith.muli %arg1, %mul3A_239 : i32
    "tpu.region"() ({
      %run_scoped3A_251 = tpu.sem_alloc : memref<!tpu.dma_semaphore, #tpu.memory_space<semaphore_mem>>
      %dma_start3A = tpu.memref_slice %arg10[%mul3A_240] : memref<10240xf32, #tpu.memory_space<vmem_shared>> -> memref<640xf32, #tpu.memory_space<vmem_shared>>
      %dma_start3A_252 = tpu.memref_slice %arg10[%mul3A_240] : memref<10240xf32, #tpu.memory_space<vmem_shared>> -> memref<640xf32, #tpu.memory_space<vmem_shared>>
      tpu.enqueue_dma source(%arg9 : memref<640xf32, #tpu.memory_space<vmem>>) target(%dma_start3A_252 : memref<640xf32, #tpu.memory_space<vmem_shared>>) target_semaphore(%run_scoped3A_251 : memref<!tpu.dma_semaphore, #tpu.memory_space<semaphore_mem>>)
      %dma_wait3A = tpu.memref_slice %arg10[%mul3A_240] : memref<10240xf32, #tpu.memory_space<vmem_shared>> -> memref<640xf32, #tpu.memory_space<vmem_shared>>
      %dma_wait3A_253 = tpu.memref_slice %arg10[%mul3A_240] : memref<10240xf32, #tpu.memory_space<vmem_shared>> -> memref<640xf32, #tpu.memory_space<vmem_shared>>
      tpu.wait_dma2 semaphore(%run_scoped3A_251 : memref<!tpu.dma_semaphore, #tpu.memory_space<semaphore_mem>>) src(%arg9 : memref<640xf32, #tpu.memory_space<vmem>>) dst(%dma_wait3A_253 : memref<640xf32, #tpu.memory_space<vmem_shared>>)
      tpu.yield
    }) : () -> ()
    "tpu.region"() ({
      %run_scoped3A_251 = tpu.sem_alloc : memref<!tpu.dma_semaphore, #tpu.memory_space<semaphore_mem>>
      %dma_start3A = tpu.memref_slice %arg11[%mul3A_240] : memref<10240xf32, #tpu.memory_space<vmem_shared>> -> memref<640xf32, #tpu.memory_space<vmem_shared>>
      %dma_start3A_252 = tpu.memref_slice %arg11[%mul3A_240] : memref<10240xf32, #tpu.memory_space<vmem_shared>> -> memref<640xf32, #tpu.memory_space<vmem_shared>>
      tpu.enqueue_dma source(%arg9 : memref<640xf32, #tpu.memory_space<vmem>>) target(%dma_start3A_252 : memref<640xf32, #tpu.memory_space<vmem_shared>>) target_semaphore(%run_scoped3A_251 : memref<!tpu.dma_semaphore, #tpu.memory_space<semaphore_mem>>)
      %dma_wait3A = tpu.memref_slice %arg11[%mul3A_240] : memref<10240xf32, #tpu.memory_space<vmem_shared>> -> memref<640xf32, #tpu.memory_space<vmem_shared>>
      %dma_wait3A_253 = tpu.memref_slice %arg11[%mul3A_240] : memref<10240xf32, #tpu.memory_space<vmem_shared>> -> memref<640xf32, #tpu.memory_space<vmem_shared>>
      tpu.wait_dma2 semaphore(%run_scoped3A_251 : memref<!tpu.dma_semaphore, #tpu.memory_space<semaphore_mem>>) src(%arg9 : memref<640xf32, #tpu.memory_space<vmem>>) dst(%dma_wait3A_253 : memref<640xf32, #tpu.memory_space<vmem_shared>>)
      tpu.yield
    }) : () -> ()
    %barrier3A = arith.constant 0 : index
    tpu.barrier barrier_id(%barrier3A)
    %mul3A_241 = arith.constant 40 : i32
    %mul3A_242 = arith.muli %add3A, %mul3A_241 : i32
    %sub3A = arith.constant 1250 : i32
    %sub3A_243 = arith.subi %sub3A, %mul3A_242 : i32
    %jit3A = arith.constant 0 : i32
    %jit3A_244 = arith.constant 40 : i32
    %max3A = arith.maxsi %jit3A, %sub3A_243 : i32
    %min3A = arith.minsi %jit3A_244, %max3A : i32
    "tpu.region"() ({
      %run_scoped3A_251 = tpu.sem_alloc : memref<!tpu.dma_semaphore, #tpu.memory_space<semaphore_mem>>
      %dma_start3A = arith.constant 0 : i32
      %dma_start3A_252 = tpu.memref_slice %arg2[%mul3A_242, %dma_start3A] : memref<1280x128xi32, #tpu.memory_space<hbm>> -> memref<40x128xi32, #tpu.memory_space<hbm>>
      %dma_start3A_253 = arith.constant 0 : i32
      %dma_start3A_254 = tpu.memref_slice %arg2[%mul3A_242, %dma_start3A_253] : memref<1280x128xi32, #tpu.memory_space<hbm>> -> memref<40x128xi32, #tpu.memory_space<hbm>>
      tpu.enqueue_dma source(%dma_start3A_254 : memref<40x128xi32, #tpu.memory_space<hbm>>) target(%arg6 : memref<40x128xi32, #tpu.memory_space<vmem>>) target_semaphore(%run_scoped3A_251 : memref<!tpu.dma_semaphore, #tpu.memory_space<semaphore_mem>>)
      %dma_wait3A = arith.constant 0 : i32
      %dma_wait3A_255 = tpu.memref_slice %arg2[%mul3A_242, %dma_wait3A] : memref<1280x128xi32, #tpu.memory_space<hbm>> -> memref<40x128xi32, #tpu.memory_space<hbm>>
      %dma_wait3A_256 = arith.constant 0 : i32
      %dma_wait3A_257 = tpu.memref_slice %arg2[%mul3A_242, %dma_wait3A_256] : memref<1280x128xi32, #tpu.memory_space<hbm>> -> memref<40x128xi32, #tpu.memory_space<hbm>>
      tpu.wait_dma2 semaphore(%run_scoped3A_251 : memref<!tpu.dma_semaphore, #tpu.memory_space<semaphore_mem>>) src(%dma_wait3A_257 : memref<40x128xi32, #tpu.memory_space<hbm>>) dst(%arg6 : memref<40x128xi32, #tpu.memory_space<vmem>>)
      tpu.yield
    }) : () -> ()
    "tpu.region"() ({
      %run_scoped3A_251 = tpu.sem_alloc : memref<!tpu.dma_semaphore, #tpu.memory_space<semaphore_mem>>
      %dma_start3A = arith.constant 0 : i32
      %dma_start3A_252 = tpu.memref_slice %arg3[%mul3A_242, %dma_start3A] : memref<1280x128xi32, #tpu.memory_space<hbm>> -> memref<40x128xi32, #tpu.memory_space<hbm>>
      %dma_start3A_253 = arith.constant 0 : i32
      %dma_start3A_254 = tpu.memref_slice %arg3[%mul3A_242, %dma_start3A_253] : memref<1280x128xi32, #tpu.memory_space<hbm>> -> memref<40x128xi32, #tpu.memory_space<hbm>>
      tpu.enqueue_dma source(%dma_start3A_254 : memref<40x128xi32, #tpu.memory_space<hbm>>) target(%arg7 : memref<40x128xi32, #tpu.memory_space<vmem>>) target_semaphore(%run_scoped3A_251 : memref<!tpu.dma_semaphore, #tpu.memory_space<semaphore_mem>>)
      %dma_wait3A = arith.constant 0 : i32
      %dma_wait3A_255 = tpu.memref_slice %arg3[%mul3A_242, %dma_wait3A] : memref<1280x128xi32, #tpu.memory_space<hbm>> -> memref<40x128xi32, #tpu.memory_space<hbm>>
      %dma_wait3A_256 = arith.constant 0 : i32
      %dma_wait3A_257 = tpu.memref_slice %arg3[%mul3A_242, %dma_wait3A_256] : memref<1280x128xi32, #tpu.memory_space<hbm>> -> memref<40x128xi32, #tpu.memory_space<hbm>>
      tpu.wait_dma2 semaphore(%run_scoped3A_251 : memref<!tpu.dma_semaphore, #tpu.memory_space<semaphore_mem>>) src(%dma_wait3A_257 : memref<40x128xi32, #tpu.memory_space<hbm>>) dst(%arg7 : memref<40x128xi32, #tpu.memory_space<vmem>>)
      tpu.yield
    }) : () -> ()
    %scan3A = arith.constant 0 : i32
    %scan3A_245 = arith.constant 40 : i32
    %scan3A_246 = arith.addi %scan3A, %scan3A_245 : i32
    %scan3A_247 = arith.constant 1 : i32
    scf.for %scan3A_251 = %scan3A to %scan3A_246 step %scan3A_247  : i32 {
      %lt3A = arith.cmpi slt, %scan3A_251, %min3A : i32
      %convert_element_type3A = arith.extui %lt3A : i1 to i32
      %cond3A = arith.constant 0 : i32
      %cond3A_252 = arith.cmpi ne, %convert_element_type3A, %cond3A : i32
      scf.if %cond3A_252 {
        "tpu.region"() ({
          %run_scoped3A_253 = tpu.sem_alloc : memref<!tpu.dma_semaphore, #tpu.memory_space<semaphore_mem>>
          %dma_start3A = arith.constant 0 : i32
          %dma_start3A_254 = tpu.memref_slice %arg6[%scan3A_251, %dma_start3A] : memref<40x128xi32, #tpu.memory_space<vmem>> -> memref<1x128xi32, #tpu.memory_space<vmem>>
          %dma_start3A_255 = tpu.memref_squeeze %dma_start3A_254 : memref<1x128xi32, #tpu.memory_space<vmem>> -> memref<128xi32, #tpu.memory_space<vmem>>
          %dma_start3A_256 = arith.constant 0 : i32
          %dma_start3A_257 = tpu.memref_slice %arg10[%dma_start3A_256] : memref<10240xf32, #tpu.memory_space<vmem_shared>> -> memref<10240xf32, #tpu.memory_space<vmem_shared>>
          tpu.enqueue_indirect_dma source(%arg8 : memref<128xf32, #tpu.memory_space<vmem>>) target(%dma_start3A_257 : memref<10240xf32, #tpu.memory_space<vmem_shared>>) offsets(%dma_start3A_255 : memref<128xi32, #tpu.memory_space<vmem>>) semaphore(%run_scoped3A_253 : memref<!tpu.dma_semaphore, #tpu.memory_space<semaphore_mem>>) {add = true}
          %dma_wait3A = arith.constant 0 : i32
          %dma_wait3A_258 = tpu.memref_slice %arg6[%scan3A_251, %dma_wait3A] : memref<40x128xi32, #tpu.memory_space<vmem>> -> memref<1x128xi32, #tpu.memory_space<vmem>>
          %dma_wait3A_259 = tpu.memref_squeeze %dma_wait3A_258 : memref<1x128xi32, #tpu.memory_space<vmem>> -> memref<128xi32, #tpu.memory_space<vmem>>
          %dma_wait3A_260 = arith.constant 0 : i32
          %dma_wait3A_261 = tpu.memref_slice %arg10[%dma_wait3A_260] : memref<10240xf32, #tpu.memory_space<vmem_shared>> -> memref<10240xf32, #tpu.memory_space<vmem_shared>>
          tpu.wait_indirect_dma semaphore(%run_scoped3A_253 : memref<!tpu.dma_semaphore, #tpu.memory_space<semaphore_mem>>) src(%arg8 : memref<128xf32, #tpu.memory_space<vmem>>) dst(%dma_wait3A_261 : memref<10240xf32, #tpu.memory_space<vmem_shared>>)
          tpu.yield
        }) : () -> ()
        "tpu.region"() ({
          %run_scoped3A_253 = tpu.sem_alloc : memref<!tpu.dma_semaphore, #tpu.memory_space<semaphore_mem>>
          %dma_start3A = arith.constant 0 : i32
          %dma_start3A_254 = tpu.memref_slice %arg7[%scan3A_251, %dma_start3A] : memref<40x128xi32, #tpu.memory_space<vmem>> -> memref<1x128xi32, #tpu.memory_space<vmem>>
          %dma_start3A_255 = tpu.memref_squeeze %dma_start3A_254 : memref<1x128xi32, #tpu.memory_space<vmem>> -> memref<128xi32, #tpu.memory_space<vmem>>
          %dma_start3A_256 = arith.constant 0 : i32
          %dma_start3A_257 = tpu.memref_slice %arg11[%dma_start3A_256] : memref<10240xf32, #tpu.memory_space<vmem_shared>> -> memref<10240xf32, #tpu.memory_space<vmem_shared>>
          tpu.enqueue_indirect_dma source(%arg8 : memref<128xf32, #tpu.memory_space<vmem>>) target(%dma_start3A_257 : memref<10240xf32, #tpu.memory_space<vmem_shared>>) offsets(%dma_start3A_255 : memref<128xi32, #tpu.memory_space<vmem>>) semaphore(%run_scoped3A_253 : memref<!tpu.dma_semaphore, #tpu.memory_space<semaphore_mem>>) {add = true}
          %dma_wait3A = arith.constant 0 : i32
          %dma_wait3A_258 = tpu.memref_slice %arg7[%scan3A_251, %dma_wait3A] : memref<40x128xi32, #tpu.memory_space<vmem>> -> memref<1x128xi32, #tpu.memory_space<vmem>>
          %dma_wait3A_259 = tpu.memref_squeeze %dma_wait3A_258 : memref<1x128xi32, #tpu.memory_space<vmem>> -> memref<128xi32, #tpu.memory_space<vmem>>
          %dma_wait3A_260 = arith.constant 0 : i32
          %dma_wait3A_261 = tpu.memref_slice %arg11[%dma_wait3A_260] : memref<10240xf32, #tpu.memory_space<vmem_shared>> -> memref<10240xf32, #tpu.memory_space<vmem_shared>>
          tpu.wait_indirect_dma semaphore(%run_scoped3A_253 : memref<!tpu.dma_semaphore, #tpu.memory_space<semaphore_mem>>) src(%arg8 : memref<128xf32, #tpu.memory_space<vmem>>) dst(%dma_wait3A_261 : memref<10240xf32, #tpu.memory_space<vmem_shared>>)
          tpu.yield
        }) : () -> ()
      } else {
      }
    }
    %scan3A_248 = arith.constant 40 : i32
    %barrier3A_249 = arith.constant 0 : index
    tpu.barrier barrier_id(%barrier3A_249)
    %run_scoped3A = arith.constant 0 : i32
    "tpu.region"() ({
      %run_scoped3A_251 = tpu.sem_alloc : memref<!tpu.dma_semaphore, #tpu.memory_space<semaphore_mem>>
      %dma_start3A = tpu.memref_slice %arg5[%arg0, %run_scoped3A, %mul3A_240] : memref<2x2x10240xf32, #tpu.memory_space<hbm>> -> memref<1x1x640xf32, #tpu.memory_space<hbm>>
      %dma_start3A_252 = tpu.memref_squeeze %dma_start3A : memref<1x1x640xf32, #tpu.memory_space<hbm>> -> memref<640xf32, #tpu.memory_space<hbm>>
      %dma_start3A_253 = tpu.memref_slice %arg10[%mul3A_240] : memref<10240xf32, #tpu.memory_space<vmem_shared>> -> memref<640xf32, #tpu.memory_space<vmem_shared>>
      tpu.enqueue_dma source(%dma_start3A_253 : memref<640xf32, #tpu.memory_space<vmem_shared>>) target(%dma_start3A_252 : memref<640xf32, #tpu.memory_space<hbm>>) target_semaphore(%run_scoped3A_251 : memref<!tpu.dma_semaphore, #tpu.memory_space<semaphore_mem>>)
      %dma_wait3A = tpu.memref_slice %arg5[%arg0, %run_scoped3A, %mul3A_240] : memref<2x2x10240xf32, #tpu.memory_space<hbm>> -> memref<1x1x640xf32, #tpu.memory_space<hbm>>
      %dma_wait3A_254 = tpu.memref_squeeze %dma_wait3A : memref<1x1x640xf32, #tpu.memory_space<hbm>> -> memref<640xf32, #tpu.memory_space<hbm>>
      %dma_wait3A_255 = tpu.memref_slice %arg10[%mul3A_240] : memref<10240xf32, #tpu.memory_space<vmem_shared>> -> memref<640xf32, #tpu.memory_space<vmem_shared>>
      tpu.wait_dma2 semaphore(%run_scoped3A_251 : memref<!tpu.dma_semaphore, #tpu.memory_space<semaphore_mem>>) src(%dma_wait3A_255 : memref<640xf32, #tpu.memory_space<vmem_shared>>) dst(%dma_wait3A_254 : memref<640xf32, #tpu.memory_space<hbm>>)
      tpu.yield
    }) : () -> ()
    %run_scoped3A_250 = arith.constant 1 : i32
    "tpu.region"() ({
      %run_scoped3A_251 = tpu.sem_alloc : memref<!tpu.dma_semaphore, #tpu.memory_space<semaphore_mem>>
      %dma_start3A = tpu.memref_slice %arg5[%arg0, %run_scoped3A_250, %mul3A_240] : memref<2x2x10240xf32, #tpu.memory_space<hbm>> -> memref<1x1x640xf32, #tpu.memory_space<hbm>>
      %dma_start3A_252 = tpu.memref_squeeze %dma_start3A : memref<1x1x640xf32, #tpu.memory_space<hbm>> -> memref<640xf32, #tpu.memory_space<hbm>>
      %dma_start3A_253 = tpu.memref_slice %arg11[%mul3A_240] : memref<10240xf32, #tpu.memory_space<vmem_shared>> -> memref<640xf32, #tpu.memory_space<vmem_shared>>
      tpu.enqueue_dma source(%dma_start3A_253 : memref<640xf32, #tpu.memory_space<vmem_shared>>) target(%dma_start3A_252 : memref<640xf32, #tpu.memory_space<hbm>>) target_semaphore(%run_scoped3A_251 : memref<!tpu.dma_semaphore, #tpu.memory_space<semaphore_mem>>)
      %dma_wait3A = tpu.memref_slice %arg5[%arg0, %run_scoped3A_250, %mul3A_240] : memref<2x2x10240xf32, #tpu.memory_space<hbm>> -> memref<1x1x640xf32, #tpu.memory_space<hbm>>
      %dma_wait3A_254 = tpu.memref_squeeze %dma_wait3A : memref<1x1x640xf32, #tpu.memory_space<hbm>> -> memref<640xf32, #tpu.memory_space<hbm>>
      %dma_wait3A_255 = tpu.memref_slice %arg11[%mul3A_240] : memref<10240xf32, #tpu.memory_space<vmem_shared>> -> memref<640xf32, #tpu.memory_space<vmem_shared>>
      tpu.wait_dma2 semaphore(%run_scoped3A_251 : memref<!tpu.dma_semaphore, #tpu.memory_space<semaphore_mem>>) src(%dma_wait3A_255 : memref<640xf32, #tpu.memory_space<vmem_shared>>) dst(%dma_wait3A_254 : memref<640xf32, #tpu.memory_space<hbm>>)
      tpu.yield
    }) : () -> ()
    return
  }
}

#map = affine_map<(d0, d1) -> (0, 0)>
#map1 = affine_map<(d0, d1) -> (0, 0, 0)>
module attributes {stable_mosaic.version = 14 : i64} {
  func.func @_edge_pass_body(%arg0: i32, %arg1: i32, %arg2: memref<10000x128xf32, #tpu.memory_space<hbm>>, %arg3: memref<1280x128xi32, #tpu.memory_space<hbm>>, %arg4: memref<1280x128xi32, #tpu.memory_space<hbm>>, %arg5: memref<10000x128xf32, #tpu.memory_space<hbm>>, %arg6: memref<2x10000x128xf32, #tpu.memory_space<hbm>>, %arg7: memref<40x128xi32, #tpu.memory_space<vmem>>, %arg8: memref<40x128xi32, #tpu.memory_space<vmem>>, %arg9: memref<2x128x128xf32, #tpu.memory_space<vmem>>, %arg10: memref<10128x128xf32, #tpu.memory_space<vmem_shared>>, %arg11: memref<!tpu.dma_semaphore, #tpu.memory_space<semaphore_mem>>, %arg12: memref<!tpu.dma_semaphore, #tpu.memory_space<semaphore_mem>>, %arg13: memref<!tpu.dma_semaphore, #tpu.memory_space<semaphore_mem>>, %arg14: memref<!tpu.dma_semaphore, #tpu.memory_space<semaphore_mem>>) attributes {dimension_semantics = [#tpu.dimension_semantics<core_parallel>, #tpu.dimension_semantics<subcore_parallel>], iteration_bounds = array<i64: 2, 16>, scalar_prefetch = 0 : i64, scratch_operands = 8 : i64, tpu.core_type = #tpu.core_type<sc_vector_subcore>, window_params = [{transform_indices = #map}, {transform_indices = #map}, {transform_indices = #map}, {transform_indices = #map}, {transform_indices = #map1}]} {
    %mul3A = arith.constant 2 : i32
    %mul3A_0 = arith.muli %arg1, %mul3A : i32
    %add3A = arith.addi %mul3A_0, %arg0 : i32
    %lt3A = arith.constant 15 : i32
    %lt3A_1 = arith.cmpi slt, %arg1, %lt3A : i32
    %convert_element_type3A = arith.extui %lt3A_1 : i1 to i32
    %cond3A = arith.constant 0 : i32
    %cond3A_2 = arith.cmpi ne, %convert_element_type3A, %cond3A : i32
    scf.if %cond3A_2 {
      %mul3A_46 = arith.constant 640 : i32
      %mul3A_47 = arith.muli %arg1, %mul3A_46 : i32
      "tpu.region"() ({
        %run_scoped3A = tpu.sem_alloc : memref<!tpu.dma_semaphore, #tpu.memory_space<semaphore_mem>>
        %dma_start3A_48 = arith.constant 0 : i32
        %dma_start3A_49 = tpu.memref_slice %arg10[%mul3A_47, %dma_start3A_48] : memref<10128x128xf32, #tpu.memory_space<vmem_shared>> -> memref<640x128xf32, #tpu.memory_space<vmem_shared>>
        %dma_start3A_50 = arith.constant 0 : i32
        %dma_start3A_51 = tpu.memref_slice %arg5[%mul3A_47, %dma_start3A_50] : memref<10000x128xf32, #tpu.memory_space<hbm>> -> memref<640x128xf32, #tpu.memory_space<hbm>>
        tpu.enqueue_dma source(%dma_start3A_51 : memref<640x128xf32, #tpu.memory_space<hbm>>) target(%dma_start3A_49 : memref<640x128xf32, #tpu.memory_space<vmem_shared>>) target_semaphore(%run_scoped3A : memref<!tpu.dma_semaphore, #tpu.memory_space<semaphore_mem>>)
        %dma_wait3A_52 = arith.constant 0 : i32
        %dma_wait3A_53 = tpu.memref_slice %arg10[%mul3A_47, %dma_wait3A_52] : memref<10128x128xf32, #tpu.memory_space<vmem_shared>> -> memref<640x128xf32, #tpu.memory_space<vmem_shared>>
        %dma_wait3A_54 = arith.constant 0 : i32
        %dma_wait3A_55 = tpu.memref_slice %arg5[%mul3A_47, %dma_wait3A_54] : memref<10000x128xf32, #tpu.memory_space<hbm>> -> memref<640x128xf32, #tpu.memory_space<hbm>>
        tpu.wait_dma2 semaphore(%run_scoped3A : memref<!tpu.dma_semaphore, #tpu.memory_space<semaphore_mem>>) src(%dma_wait3A_55 : memref<640x128xf32, #tpu.memory_space<hbm>>) dst(%dma_wait3A_53 : memref<640x128xf32, #tpu.memory_space<vmem_shared>>)
        tpu.yield
      }) : () -> ()
    } else {
    }
    %eq3A = arith.constant 15 : i32
    %eq3A_3 = arith.cmpi eq, %arg1, %eq3A : i32
    %convert_element_type3A_4 = arith.extui %eq3A_3 : i1 to i32
    %cond3A_5 = arith.constant 0 : i32
    %cond3A_6 = arith.cmpi ne, %convert_element_type3A_4, %cond3A_5 : i32
    scf.if %cond3A_6 {
      "tpu.region"() ({
        %run_scoped3A = tpu.sem_alloc : memref<!tpu.dma_semaphore, #tpu.memory_space<semaphore_mem>>
        %dma_start3A_46 = arith.constant 9600 : i32
        %dma_start3A_47 = arith.constant 0 : i32
        %dma_start3A_48 = tpu.memref_slice %arg10[%dma_start3A_46, %dma_start3A_47] : memref<10128x128xf32, #tpu.memory_space<vmem_shared>> -> memref<400x128xf32, #tpu.memory_space<vmem_shared>>
        %dma_start3A_49 = arith.constant 9600 : i32
        %dma_start3A_50 = arith.constant 0 : i32
        %dma_start3A_51 = tpu.memref_slice %arg5[%dma_start3A_49, %dma_start3A_50] : memref<10000x128xf32, #tpu.memory_space<hbm>> -> memref<400x128xf32, #tpu.memory_space<hbm>>
        tpu.enqueue_dma source(%dma_start3A_51 : memref<400x128xf32, #tpu.memory_space<hbm>>) target(%dma_start3A_48 : memref<400x128xf32, #tpu.memory_space<vmem_shared>>) target_semaphore(%run_scoped3A : memref<!tpu.dma_semaphore, #tpu.memory_space<semaphore_mem>>)
        %dma_wait3A_52 = arith.constant 9600 : i32
        %dma_wait3A_53 = arith.constant 0 : i32
        %dma_wait3A_54 = tpu.memref_slice %arg10[%dma_wait3A_52, %dma_wait3A_53] : memref<10128x128xf32, #tpu.memory_space<vmem_shared>> -> memref<400x128xf32, #tpu.memory_space<vmem_shared>>
        %dma_wait3A_55 = arith.constant 9600 : i32
        %dma_wait3A_56 = arith.constant 0 : i32
        %dma_wait3A_57 = tpu.memref_slice %arg5[%dma_wait3A_55, %dma_wait3A_56] : memref<10000x128xf32, #tpu.memory_space<hbm>> -> memref<400x128xf32, #tpu.memory_space<hbm>>
        tpu.wait_dma2 semaphore(%run_scoped3A : memref<!tpu.dma_semaphore, #tpu.memory_space<semaphore_mem>>) src(%dma_wait3A_57 : memref<400x128xf32, #tpu.memory_space<hbm>>) dst(%dma_wait3A_54 : memref<400x128xf32, #tpu.memory_space<vmem_shared>>)
        tpu.yield
      }) : () -> ()
    } else {
    }
    %barrier3A = arith.constant 0 : index
    tpu.barrier barrier_id(%barrier3A)
    %mul3A_7 = arith.constant 40 : i32
    %mul3A_8 = arith.muli %add3A, %mul3A_7 : i32
    "tpu.region"() ({
      %run_scoped3A = tpu.sem_alloc : memref<!tpu.dma_semaphore, #tpu.memory_space<semaphore_mem>>
      %dma_start3A_46 = arith.constant 0 : i32
      %dma_start3A_47 = tpu.memref_slice %arg3[%mul3A_8, %dma_start3A_46] : memref<1280x128xi32, #tpu.memory_space<hbm>> -> memref<40x128xi32, #tpu.memory_space<hbm>>
      %dma_start3A_48 = arith.constant 0 : i32
      %dma_start3A_49 = tpu.memref_slice %arg3[%mul3A_8, %dma_start3A_48] : memref<1280x128xi32, #tpu.memory_space<hbm>> -> memref<40x128xi32, #tpu.memory_space<hbm>>
      tpu.enqueue_dma source(%dma_start3A_49 : memref<40x128xi32, #tpu.memory_space<hbm>>) target(%arg7 : memref<40x128xi32, #tpu.memory_space<vmem>>) target_semaphore(%run_scoped3A : memref<!tpu.dma_semaphore, #tpu.memory_space<semaphore_mem>>)
      %dma_wait3A_50 = arith.constant 0 : i32
      %dma_wait3A_51 = tpu.memref_slice %arg3[%mul3A_8, %dma_wait3A_50] : memref<1280x128xi32, #tpu.memory_space<hbm>> -> memref<40x128xi32, #tpu.memory_space<hbm>>
      %dma_wait3A_52 = arith.constant 0 : i32
      %dma_wait3A_53 = tpu.memref_slice %arg3[%mul3A_8, %dma_wait3A_52] : memref<1280x128xi32, #tpu.memory_space<hbm>> -> memref<40x128xi32, #tpu.memory_space<hbm>>
      tpu.wait_dma2 semaphore(%run_scoped3A : memref<!tpu.dma_semaphore, #tpu.memory_space<semaphore_mem>>) src(%dma_wait3A_53 : memref<40x128xi32, #tpu.memory_space<hbm>>) dst(%arg7 : memref<40x128xi32, #tpu.memory_space<vmem>>)
      tpu.yield
    }) : () -> ()
    "tpu.region"() ({
      %run_scoped3A = tpu.sem_alloc : memref<!tpu.dma_semaphore, #tpu.memory_space<semaphore_mem>>
      %dma_start3A_46 = arith.constant 0 : i32
      %dma_start3A_47 = tpu.memref_slice %arg4[%mul3A_8, %dma_start3A_46] : memref<1280x128xi32, #tpu.memory_space<hbm>> -> memref<40x128xi32, #tpu.memory_space<hbm>>
      %dma_start3A_48 = arith.constant 0 : i32
      %dma_start3A_49 = tpu.memref_slice %arg4[%mul3A_8, %dma_start3A_48] : memref<1280x128xi32, #tpu.memory_space<hbm>> -> memref<40x128xi32, #tpu.memory_space<hbm>>
      tpu.enqueue_dma source(%dma_start3A_49 : memref<40x128xi32, #tpu.memory_space<hbm>>) target(%arg8 : memref<40x128xi32, #tpu.memory_space<vmem>>) target_semaphore(%run_scoped3A : memref<!tpu.dma_semaphore, #tpu.memory_space<semaphore_mem>>)
      %dma_wait3A_50 = arith.constant 0 : i32
      %dma_wait3A_51 = tpu.memref_slice %arg4[%mul3A_8, %dma_wait3A_50] : memref<1280x128xi32, #tpu.memory_space<hbm>> -> memref<40x128xi32, #tpu.memory_space<hbm>>
      %dma_wait3A_52 = arith.constant 0 : i32
      %dma_wait3A_53 = tpu.memref_slice %arg4[%mul3A_8, %dma_wait3A_52] : memref<1280x128xi32, #tpu.memory_space<hbm>> -> memref<40x128xi32, #tpu.memory_space<hbm>>
      tpu.wait_dma2 semaphore(%run_scoped3A : memref<!tpu.dma_semaphore, #tpu.memory_space<semaphore_mem>>) src(%dma_wait3A_53 : memref<40x128xi32, #tpu.memory_space<hbm>>) dst(%arg8 : memref<40x128xi32, #tpu.memory_space<vmem>>)
      tpu.yield
    }) : () -> ()
    %dma_start3A = arith.constant 0 : i32
    %dma_start3A_9 = arith.constant 0 : i32
    %dma_start3A_10 = arith.constant 0 : i32
    %dma_start3A_11 = arith.constant 0 : i32
    %dma_start3A_12 = tpu.memref_slice %arg9[%dma_start3A_9, %dma_start3A_10, %dma_start3A_11] : memref<2x128x128xf32, #tpu.memory_space<vmem>> -> memref<1x128x128xf32, #tpu.memory_space<vmem>>
    %dma_start3A_13 = tpu.memref_squeeze %dma_start3A_12 : memref<1x128x128xf32, #tpu.memory_space<vmem>> -> memref<128x128xf32, #tpu.memory_space<vmem>>
    %dma_start3A_14 = arith.constant 0 : i32
    %dma_start3A_15 = tpu.memref_slice %arg7[%dma_start3A, %dma_start3A_14] : memref<40x128xi32, #tpu.memory_space<vmem>> -> memref<1x128xi32, #tpu.memory_space<vmem>>
    %dma_start3A_16 = tpu.memref_squeeze %dma_start3A_15 : memref<1x128xi32, #tpu.memory_space<vmem>> -> memref<128xi32, #tpu.memory_space<vmem>>
    %dma_start3A_17 = arith.constant 0 : i32
    %dma_start3A_18 = arith.constant 0 : i32
    %dma_start3A_19 = tpu.memref_slice %arg2[%dma_start3A_17, %dma_start3A_18] : memref<10000x128xf32, #tpu.memory_space<hbm>> -> memref<10000x128xf32, #tpu.memory_space<hbm>>
    tpu.enqueue_indirect_dma source(%dma_start3A_19 : memref<10000x128xf32, #tpu.memory_space<hbm>>) target(%dma_start3A_13 : memref<128x128xf32, #tpu.memory_space<vmem>>) offsets(%dma_start3A_16 : memref<128xi32, #tpu.memory_space<vmem>>) semaphore(%arg11 : memref<!tpu.dma_semaphore, #tpu.memory_space<semaphore_mem>>)
    %scan3A = arith.constant 0 : i32
    %scan3A_20 = arith.constant 20 : i32
    %scan3A_21 = arith.addi %scan3A, %scan3A_20 : i32
    %scan3A_22 = arith.constant 1 : i32
    scf.for %scan3A_46 = %scan3A to %scan3A_21 step %scan3A_22  : i32 {
      %mul3A_47 = arith.constant 2 : i32
      %mul3A_48 = arith.muli %scan3A_46, %mul3A_47 : i32
      %add3A_49 = arith.constant 0 : i32
      %add3A_50 = arith.addi %mul3A_48, %add3A_49 : i32
      %dma_wait3A_51 = arith.constant 0 : i32
      %dma_wait3A_52 = arith.constant 0 : i32
      %dma_wait3A_53 = arith.constant 0 : i32
      %dma_wait3A_54 = tpu.memref_slice %arg9[%dma_wait3A_51, %dma_wait3A_52, %dma_wait3A_53] : memref<2x128x128xf32, #tpu.memory_space<vmem>> -> memref<1x128x128xf32, #tpu.memory_space<vmem>>
      %dma_wait3A_55 = tpu.memref_squeeze %dma_wait3A_54 : memref<1x128x128xf32, #tpu.memory_space<vmem>> -> memref<128x128xf32, #tpu.memory_space<vmem>>
      %dma_wait3A_56 = arith.constant 0 : i32
      %dma_wait3A_57 = tpu.memref_slice %arg7[%add3A_50, %dma_wait3A_56] : memref<40x128xi32, #tpu.memory_space<vmem>> -> memref<1x128xi32, #tpu.memory_space<vmem>>
      %dma_wait3A_58 = tpu.memref_squeeze %dma_wait3A_57 : memref<1x128xi32, #tpu.memory_space<vmem>> -> memref<128xi32, #tpu.memory_space<vmem>>
      %dma_wait3A_59 = arith.constant 0 : i32
      %dma_wait3A_60 = arith.constant 0 : i32
      %dma_wait3A_61 = tpu.memref_slice %arg2[%dma_wait3A_59, %dma_wait3A_60] : memref<10000x128xf32, #tpu.memory_space<hbm>> -> memref<10000x128xf32, #tpu.memory_space<hbm>>
      tpu.wait_indirect_dma semaphore(%arg11 : memref<!tpu.dma_semaphore, #tpu.memory_space<semaphore_mem>>) src(%dma_wait3A_61 : memref<10000x128xf32, #tpu.memory_space<hbm>>) dst(%dma_wait3A_55 : memref<128x128xf32, #tpu.memory_space<vmem>>)
      %dma_start3A_62 = arith.constant 0 : i32
      %dma_start3A_63 = arith.constant 0 : i32
      %dma_start3A_64 = arith.constant 0 : i32
      %dma_start3A_65 = tpu.memref_slice %arg9[%dma_start3A_62, %dma_start3A_63, %dma_start3A_64] : memref<2x128x128xf32, #tpu.memory_space<vmem>> -> memref<1x128x128xf32, #tpu.memory_space<vmem>>
      %dma_start3A_66 = tpu.memref_squeeze %dma_start3A_65 : memref<1x128x128xf32, #tpu.memory_space<vmem>> -> memref<128x128xf32, #tpu.memory_space<vmem>>
      %dma_start3A_67 = arith.constant 0 : i32
      %dma_start3A_68 = tpu.memref_slice %arg8[%add3A_50, %dma_start3A_67] : memref<40x128xi32, #tpu.memory_space<vmem>> -> memref<1x128xi32, #tpu.memory_space<vmem>>
      %dma_start3A_69 = tpu.memref_squeeze %dma_start3A_68 : memref<1x128xi32, #tpu.memory_space<vmem>> -> memref<128xi32, #tpu.memory_space<vmem>>
      %dma_start3A_70 = arith.constant 0 : i32
      %dma_start3A_71 = arith.constant 0 : i32
      %dma_start3A_72 = tpu.memref_slice %arg10[%dma_start3A_70, %dma_start3A_71] : memref<10128x128xf32, #tpu.memory_space<vmem_shared>> -> memref<10128x128xf32, #tpu.memory_space<vmem_shared>>
      tpu.enqueue_indirect_dma source(%dma_start3A_66 : memref<128x128xf32, #tpu.memory_space<vmem>>) target(%dma_start3A_72 : memref<10128x128xf32, #tpu.memory_space<vmem_shared>>) offsets(%dma_start3A_69 : memref<128xi32, #tpu.memory_space<vmem>>) semaphore(%arg13 : memref<!tpu.dma_semaphore, #tpu.memory_space<semaphore_mem>>) {add = true}
      %ge3A = arith.constant 1 : i32
      %ge3A_73 = arith.cmpi sge, %add3A_50, %ge3A : i32
      %convert_element_type3A_74 = arith.extui %ge3A_73 : i1 to i32
      %cond3A_75 = arith.constant 0 : i32
      %cond3A_76 = arith.cmpi ne, %convert_element_type3A_74, %cond3A_75 : i32
      scf.if %cond3A_76 {
        %sub3A = arith.constant 1 : i32
        %sub3A_122 = arith.subi %add3A_50, %sub3A : i32
        %dma_wait3A_123 = arith.constant 1 : i32
        %dma_wait3A_124 = arith.constant 0 : i32
        %dma_wait3A_125 = arith.constant 0 : i32
        %dma_wait3A_126 = tpu.memref_slice %arg9[%dma_wait3A_123, %dma_wait3A_124, %dma_wait3A_125] : memref<2x128x128xf32, #tpu.memory_space<vmem>> -> memref<1x128x128xf32, #tpu.memory_space<vmem>>
        %dma_wait3A_127 = tpu.memref_squeeze %dma_wait3A_126 : memref<1x128x128xf32, #tpu.memory_space<vmem>> -> memref<128x128xf32, #tpu.memory_space<vmem>>
        %dma_wait3A_128 = arith.constant 0 : i32
        %dma_wait3A_129 = tpu.memref_slice %arg8[%sub3A_122, %dma_wait3A_128] : memref<40x128xi32, #tpu.memory_space<vmem>> -> memref<1x128xi32, #tpu.memory_space<vmem>>
        %dma_wait3A_130 = tpu.memref_squeeze %dma_wait3A_129 : memref<1x128xi32, #tpu.memory_space<vmem>> -> memref<128xi32, #tpu.memory_space<vmem>>
        %dma_wait3A_131 = arith.constant 0 : i32
        %dma_wait3A_132 = arith.constant 0 : i32
        %dma_wait3A_133 = tpu.memref_slice %arg10[%dma_wait3A_131, %dma_wait3A_132] : memref<10128x128xf32, #tpu.memory_space<vmem_shared>> -> memref<10128x128xf32, #tpu.memory_space<vmem_shared>>
        tpu.wait_indirect_dma semaphore(%arg14 : memref<!tpu.dma_semaphore, #tpu.memory_space<semaphore_mem>>) src(%dma_wait3A_127 : memref<128x128xf32, #tpu.memory_space<vmem>>) dst(%dma_wait3A_133 : memref<10128x128xf32, #tpu.memory_space<vmem_shared>>)
      } else {
      }
      %add3A_77 = arith.constant 1 : i32
      %add3A_78 = arith.addi %add3A_50, %add3A_77 : i32
      %lt3A_79 = arith.constant 40 : i32
      %lt3A_80 = arith.cmpi slt, %add3A_78, %lt3A_79 : i32
      %convert_element_type3A_81 = arith.extui %lt3A_80 : i1 to i32
      %cond3A_82 = arith.constant 0 : i32
      %cond3A_83 = arith.cmpi ne, %convert_element_type3A_81, %cond3A_82 : i32
      scf.if %cond3A_83 {
        %add3A_122 = arith.constant 1 : i32
        %add3A_123 = arith.addi %add3A_50, %add3A_122 : i32
        %dma_start3A_124 = arith.constant 1 : i32
        %dma_start3A_125 = arith.constant 0 : i32
        %dma_start3A_126 = arith.constant 0 : i32
        %dma_start3A_127 = tpu.memref_slice %arg9[%dma_start3A_124, %dma_start3A_125, %dma_start3A_126] : memref<2x128x128xf32, #tpu.memory_space<vmem>> -> memref<1x128x128xf32, #tpu.memory_space<vmem>>
        %dma_start3A_128 = tpu.memref_squeeze %dma_start3A_127 : memref<1x128x128xf32, #tpu.memory_space<vmem>> -> memref<128x128xf32, #tpu.memory_space<vmem>>
        %dma_start3A_129 = arith.constant 0 : i32
        %dma_start3A_130 = tpu.memref_slice %arg7[%add3A_123, %dma_start3A_129] : memref<40x128xi32, #tpu.memory_space<vmem>> -> memref<1x128xi32, #tpu.memory_space<vmem>>
        %dma_start3A_131 = tpu.memref_squeeze %dma_start3A_130 : memref<1x128xi32, #tpu.memory_space<vmem>> -> memref<128xi32, #tpu.memory_space<vmem>>
        %dma_start3A_132 = arith.constant 0 : i32
        %dma_start3A_133 = arith.constant 0 : i32
        %dma_start3A_134 = tpu.memref_slice %arg2[%dma_start3A_132, %dma_start3A_133] : memref<10000x128xf32, #tpu.memory_space<hbm>> -> memref<10000x128xf32, #tpu.memory_space<hbm>>
        tpu.enqueue_indirect_dma source(%dma_start3A_134 : memref<10000x128xf32, #tpu.memory_space<hbm>>) target(%dma_start3A_128 : memref<128x128xf32, #tpu.memory_space<vmem>>) offsets(%dma_start3A_131 : memref<128xi32, #tpu.memory_space<vmem>>) semaphore(%arg12 : memref<!tpu.dma_semaphore, #tpu.memory_space<semaphore_mem>>)
      } else {
      }
      %mul3A_84 = arith.constant 2 : i32
      %mul3A_85 = arith.muli %scan3A_46, %mul3A_84 : i32
      %add3A_86 = arith.constant 1 : i32
      %add3A_87 = arith.addi %mul3A_85, %add3A_86 : i32
      %dma_wait3A_88 = arith.constant 1 : i32
      %dma_wait3A_89 = arith.constant 0 : i32
      %dma_wait3A_90 = arith.constant 0 : i32
      %dma_wait3A_91 = tpu.memref_slice %arg9[%dma_wait3A_88, %dma_wait3A_89, %dma_wait3A_90] : memref<2x128x128xf32, #tpu.memory_space<vmem>> -> memref<1x128x128xf32, #tpu.memory_space<vmem>>
      %dma_wait3A_92 = tpu.memref_squeeze %dma_wait3A_91 : memref<1x128x128xf32, #tpu.memory_space<vmem>> -> memref<128x128xf32, #tpu.memory_space<vmem>>
      %dma_wait3A_93 = arith.constant 0 : i32
      %dma_wait3A_94 = tpu.memref_slice %arg7[%add3A_87, %dma_wait3A_93] : memref<40x128xi32, #tpu.memory_space<vmem>> -> memref<1x128xi32, #tpu.memory_space<vmem>>
      %dma_wait3A_95 = tpu.memref_squeeze %dma_wait3A_94 : memref<1x128xi32, #tpu.memory_space<vmem>> -> memref<128xi32, #tpu.memory_space<vmem>>
      %dma_wait3A_96 = arith.constant 0 : i32
      %dma_wait3A_97 = arith.constant 0 : i32
      %dma_wait3A_98 = tpu.memref_slice %arg2[%dma_wait3A_96, %dma_wait3A_97] : memref<10000x128xf32, #tpu.memory_space<hbm>> -> memref<10000x128xf32, #tpu.memory_space<hbm>>
      tpu.wait_indirect_dma semaphore(%arg12 : memref<!tpu.dma_semaphore, #tpu.memory_space<semaphore_mem>>) src(%dma_wait3A_98 : memref<10000x128xf32, #tpu.memory_space<hbm>>) dst(%dma_wait3A_92 : memref<128x128xf32, #tpu.memory_space<vmem>>)
      %dma_start3A_99 = arith.constant 1 : i32
      %dma_start3A_100 = arith.constant 0 : i32
      %dma_start3A_101 = arith.constant 0 : i32
      %dma_start3A_102 = tpu.memref_slice %arg9[%dma_start3A_99, %dma_start3A_100, %dma_start3A_101] : memref<2x128x128xf32, #tpu.memory_space<vmem>> -> memref<1x128x128xf32, #tpu.memory_space<vmem>>
      %dma_start3A_103 = tpu.memref_squeeze %dma_start3A_102 : memref<1x128x128xf32, #tpu.memory_space<vmem>> -> memref<128x128xf32, #tpu.memory_space<vmem>>
      %dma_start3A_104 = arith.constant 0 : i32
      %dma_start3A_105 = tpu.memref_slice %arg8[%add3A_87, %dma_start3A_104] : memref<40x128xi32, #tpu.memory_space<vmem>> -> memref<1x128xi32, #tpu.memory_space<vmem>>
      %dma_start3A_106 = tpu.memref_squeeze %dma_start3A_105 : memref<1x128xi32, #tpu.memory_space<vmem>> -> memref<128xi32, #tpu.memory_space<vmem>>
      %dma_start3A_107 = arith.constant 0 : i32
      %dma_start3A_108 = arith.constant 0 : i32
      %dma_start3A_109 = tpu.memref_slice %arg10[%dma_start3A_107, %dma_start3A_108] : memref<10128x128xf32, #tpu.memory_space<vmem_shared>> -> memref<10128x128xf32, #tpu.memory_space<vmem_shared>>
      tpu.enqueue_indirect_dma source(%dma_start3A_103 : memref<128x128xf32, #tpu.memory_space<vmem>>) target(%dma_start3A_109 : memref<10128x128xf32, #tpu.memory_space<vmem_shared>>) offsets(%dma_start3A_106 : memref<128xi32, #tpu.memory_space<vmem>>) semaphore(%arg14 : memref<!tpu.dma_semaphore, #tpu.memory_space<semaphore_mem>>) {add = true}
      %ge3A_110 = arith.constant 1 : i32
      %ge3A_111 = arith.cmpi sge, %add3A_87, %ge3A_110 : i32
      %convert_element_type3A_112 = arith.extui %ge3A_111 : i1 to i32
      %cond3A_113 = arith.constant 0 : i32
      %cond3A_114 = arith.cmpi ne, %convert_element_type3A_112, %cond3A_113 : i32
      scf.if %cond3A_114 {
        %sub3A = arith.constant 1 : i32
        %sub3A_122 = arith.subi %add3A_87, %sub3A : i32
        %dma_wait3A_123 = arith.constant 0 : i32
        %dma_wait3A_124 = arith.constant 0 : i32
        %dma_wait3A_125 = arith.constant 0 : i32
        %dma_wait3A_126 = tpu.memref_slice %arg9[%dma_wait3A_123, %dma_wait3A_124, %dma_wait3A_125] : memref<2x128x128xf32, #tpu.memory_space<vmem>> -> memref<1x128x128xf32, #tpu.memory_space<vmem>>
        %dma_wait3A_127 = tpu.memref_squeeze %dma_wait3A_126 : memref<1x128x128xf32, #tpu.memory_space<vmem>> -> memref<128x128xf32, #tpu.memory_space<vmem>>
        %dma_wait3A_128 = arith.constant 0 : i32
        %dma_wait3A_129 = tpu.memref_slice %arg8[%sub3A_122, %dma_wait3A_128] : memref<40x128xi32, #tpu.memory_space<vmem>> -> memref<1x128xi32, #tpu.memory_space<vmem>>
        %dma_wait3A_130 = tpu.memref_squeeze %dma_wait3A_129 : memref<1x128xi32, #tpu.memory_space<vmem>> -> memref<128xi32, #tpu.memory_space<vmem>>
        %dma_wait3A_131 = arith.constant 0 : i32
        %dma_wait3A_132 = arith.constant 0 : i32
        %dma_wait3A_133 = tpu.memref_slice %arg10[%dma_wait3A_131, %dma_wait3A_132] : memref<10128x128xf32, #tpu.memory_space<vmem_shared>> -> memref<10128x128xf32, #tpu.memory_space<vmem_shared>>
        tpu.wait_indirect_dma semaphore(%arg13 : memref<!tpu.dma_semaphore, #tpu.memory_space<semaphore_mem>>) src(%dma_wait3A_127 : memref<128x128xf32, #tpu.memory_space<vmem>>) dst(%dma_wait3A_133 : memref<10128x128xf32, #tpu.memory_space<vmem_shared>>)
      } else {
      }
      %add3A_115 = arith.constant 1 : i32
      %add3A_116 = arith.addi %add3A_87, %add3A_115 : i32
      %lt3A_117 = arith.constant 40 : i32
      %lt3A_118 = arith.cmpi slt, %add3A_116, %lt3A_117 : i32
      %convert_element_type3A_119 = arith.extui %lt3A_118 : i1 to i32
      %cond3A_120 = arith.constant 0 : i32
      %cond3A_121 = arith.cmpi ne, %convert_element_type3A_119, %cond3A_120 : i32
      scf.if %cond3A_121 {
        %add3A_122 = arith.constant 1 : i32
        %add3A_123 = arith.addi %add3A_87, %add3A_122 : i32
        %dma_start3A_124 = arith.constant 0 : i32
        %dma_start3A_125 = arith.constant 0 : i32
        %dma_start3A_126 = arith.constant 0 : i32
        %dma_start3A_127 = tpu.memref_slice %arg9[%dma_start3A_124, %dma_start3A_125, %dma_start3A_126] : memref<2x128x128xf32, #tpu.memory_space<vmem>> -> memref<1x128x128xf32, #tpu.memory_space<vmem>>
        %dma_start3A_128 = tpu.memref_squeeze %dma_start3A_127 : memref<1x128x128xf32, #tpu.memory_space<vmem>> -> memref<128x128xf32, #tpu.memory_space<vmem>>
        %dma_start3A_129 = arith.constant 0 : i32
        %dma_start3A_130 = tpu.memref_slice %arg7[%add3A_123, %dma_start3A_129] : memref<40x128xi32, #tpu.memory_space<vmem>> -> memref<1x128xi32, #tpu.memory_space<vmem>>
        %dma_start3A_131 = tpu.memref_squeeze %dma_start3A_130 : memref<1x128xi32, #tpu.memory_space<vmem>> -> memref<128xi32, #tpu.memory_space<vmem>>
        %dma_start3A_132 = arith.constant 0 : i32
        %dma_start3A_133 = arith.constant 0 : i32
        %dma_start3A_134 = tpu.memref_slice %arg2[%dma_start3A_132, %dma_start3A_133] : memref<10000x128xf32, #tpu.memory_space<hbm>> -> memref<10000x128xf32, #tpu.memory_space<hbm>>
        tpu.enqueue_indirect_dma source(%dma_start3A_134 : memref<10000x128xf32, #tpu.memory_space<hbm>>) target(%dma_start3A_128 : memref<128x128xf32, #tpu.memory_space<vmem>>) offsets(%dma_start3A_131 : memref<128xi32, #tpu.memory_space<vmem>>) semaphore(%arg11 : memref<!tpu.dma_semaphore, #tpu.memory_space<semaphore_mem>>)
      } else {
      }
    }
    %scan3A_23 = arith.constant 20 : i32
    %dma_wait3A = arith.constant 1 : i32
    %dma_wait3A_24 = arith.constant 39 : i32
    %dma_wait3A_25 = arith.constant 0 : i32
    %dma_wait3A_26 = arith.constant 0 : i32
    %dma_wait3A_27 = tpu.memref_slice %arg9[%dma_wait3A, %dma_wait3A_25, %dma_wait3A_26] : memref<2x128x128xf32, #tpu.memory_space<vmem>> -> memref<1x128x128xf32, #tpu.memory_space<vmem>>
    %dma_wait3A_28 = tpu.memref_squeeze %dma_wait3A_27 : memref<1x128x128xf32, #tpu.memory_space<vmem>> -> memref<128x128xf32, #tpu.memory_space<vmem>>
    %dma_wait3A_29 = arith.constant 0 : i32
    %dma_wait3A_30 = tpu.memref_slice %arg8[%dma_wait3A_24, %dma_wait3A_29] : memref<40x128xi32, #tpu.memory_space<vmem>> -> memref<1x128xi32, #tpu.memory_space<vmem>>
    %dma_wait3A_31 = tpu.memref_squeeze %dma_wait3A_30 : memref<1x128xi32, #tpu.memory_space<vmem>> -> memref<128xi32, #tpu.memory_space<vmem>>
    %dma_wait3A_32 = arith.constant 0 : i32
    %dma_wait3A_33 = arith.constant 0 : i32
    %dma_wait3A_34 = tpu.memref_slice %arg10[%dma_wait3A_32, %dma_wait3A_33] : memref<10128x128xf32, #tpu.memory_space<vmem_shared>> -> memref<10128x128xf32, #tpu.memory_space<vmem_shared>>
    tpu.wait_indirect_dma semaphore(%arg14 : memref<!tpu.dma_semaphore, #tpu.memory_space<semaphore_mem>>) src(%dma_wait3A_28 : memref<128x128xf32, #tpu.memory_space<vmem>>) dst(%dma_wait3A_34 : memref<10128x128xf32, #tpu.memory_space<vmem_shared>>)
    %barrier3A_35 = arith.constant 0 : index
    tpu.barrier barrier_id(%barrier3A_35)
    %lt3A_36 = arith.constant 15 : i32
    %lt3A_37 = arith.cmpi slt, %arg1, %lt3A_36 : i32
    %convert_element_type3A_38 = arith.extui %lt3A_37 : i1 to i32
    %cond3A_39 = arith.constant 0 : i32
    %cond3A_40 = arith.cmpi ne, %convert_element_type3A_38, %cond3A_39 : i32
    scf.if %cond3A_40 {
      %mul3A_46 = arith.constant 640 : i32
      %mul3A_47 = arith.muli %arg1, %mul3A_46 : i32
      "tpu.region"() ({
        %run_scoped3A = tpu.sem_alloc : memref<!tpu.dma_semaphore, #tpu.memory_space<semaphore_mem>>
        %dma_start3A_48 = arith.constant 0 : i32
        %dma_start3A_49 = tpu.memref_slice %arg6[%arg0, %mul3A_47, %dma_start3A_48] : memref<2x10000x128xf32, #tpu.memory_space<hbm>> -> memref<1x640x128xf32, #tpu.memory_space<hbm>>
        %dma_start3A_50 = tpu.memref_squeeze %dma_start3A_49 : memref<1x640x128xf32, #tpu.memory_space<hbm>> -> memref<640x128xf32, #tpu.memory_space<hbm>>
        %dma_start3A_51 = arith.constant 0 : i32
        %dma_start3A_52 = tpu.memref_slice %arg10[%mul3A_47, %dma_start3A_51] : memref<10128x128xf32, #tpu.memory_space<vmem_shared>> -> memref<640x128xf32, #tpu.memory_space<vmem_shared>>
        tpu.enqueue_dma source(%dma_start3A_52 : memref<640x128xf32, #tpu.memory_space<vmem_shared>>) target(%dma_start3A_50 : memref<640x128xf32, #tpu.memory_space<hbm>>) target_semaphore(%run_scoped3A : memref<!tpu.dma_semaphore, #tpu.memory_space<semaphore_mem>>)
        %dma_wait3A_53 = arith.constant 0 : i32
        %dma_wait3A_54 = tpu.memref_slice %arg6[%arg0, %mul3A_47, %dma_wait3A_53] : memref<2x10000x128xf32, #tpu.memory_space<hbm>> -> memref<1x640x128xf32, #tpu.memory_space<hbm>>
        %dma_wait3A_55 = tpu.memref_squeeze %dma_wait3A_54 : memref<1x640x128xf32, #tpu.memory_space<hbm>> -> memref<640x128xf32, #tpu.memory_space<hbm>>
        %dma_wait3A_56 = arith.constant 0 : i32
        %dma_wait3A_57 = tpu.memref_slice %arg10[%mul3A_47, %dma_wait3A_56] : memref<10128x128xf32, #tpu.memory_space<vmem_shared>> -> memref<640x128xf32, #tpu.memory_space<vmem_shared>>
        tpu.wait_dma2 semaphore(%run_scoped3A : memref<!tpu.dma_semaphore, #tpu.memory_space<semaphore_mem>>) src(%dma_wait3A_57 : memref<640x128xf32, #tpu.memory_space<vmem_shared>>) dst(%dma_wait3A_55 : memref<640x128xf32, #tpu.memory_space<hbm>>)
        tpu.yield
      }) : () -> ()
    } else {
    }
    %eq3A_41 = arith.constant 15 : i32
    %eq3A_42 = arith.cmpi eq, %arg1, %eq3A_41 : i32
    %convert_element_type3A_43 = arith.extui %eq3A_42 : i1 to i32
    %cond3A_44 = arith.constant 0 : i32
    %cond3A_45 = arith.cmpi ne, %convert_element_type3A_43, %cond3A_44 : i32
    scf.if %cond3A_45 {
      "tpu.region"() ({
        %run_scoped3A = tpu.sem_alloc : memref<!tpu.dma_semaphore, #tpu.memory_space<semaphore_mem>>
        %dma_start3A_46 = arith.constant 9600 : i32
        %dma_start3A_47 = arith.constant 0 : i32
        %dma_start3A_48 = tpu.memref_slice %arg6[%arg0, %dma_start3A_46, %dma_start3A_47] : memref<2x10000x128xf32, #tpu.memory_space<hbm>> -> memref<1x400x128xf32, #tpu.memory_space<hbm>>
        %dma_start3A_49 = tpu.memref_squeeze %dma_start3A_48 : memref<1x400x128xf32, #tpu.memory_space<hbm>> -> memref<400x128xf32, #tpu.memory_space<hbm>>
        %dma_start3A_50 = arith.constant 9600 : i32
        %dma_start3A_51 = arith.constant 0 : i32
        %dma_start3A_52 = tpu.memref_slice %arg10[%dma_start3A_50, %dma_start3A_51] : memref<10128x128xf32, #tpu.memory_space<vmem_shared>> -> memref<400x128xf32, #tpu.memory_space<vmem_shared>>
        tpu.enqueue_dma source(%dma_start3A_52 : memref<400x128xf32, #tpu.memory_space<vmem_shared>>) target(%dma_start3A_49 : memref<400x128xf32, #tpu.memory_space<hbm>>) target_semaphore(%run_scoped3A : memref<!tpu.dma_semaphore, #tpu.memory_space<semaphore_mem>>)
        %dma_wait3A_53 = arith.constant 9600 : i32
        %dma_wait3A_54 = arith.constant 0 : i32
        %dma_wait3A_55 = tpu.memref_slice %arg6[%arg0, %dma_wait3A_53, %dma_wait3A_54] : memref<2x10000x128xf32, #tpu.memory_space<hbm>> -> memref<1x400x128xf32, #tpu.memory_space<hbm>>
        %dma_wait3A_56 = tpu.memref_squeeze %dma_wait3A_55 : memref<1x400x128xf32, #tpu.memory_space<hbm>> -> memref<400x128xf32, #tpu.memory_space<hbm>>
        %dma_wait3A_57 = arith.constant 9600 : i32
        %dma_wait3A_58 = arith.constant 0 : i32
        %dma_wait3A_59 = tpu.memref_slice %arg10[%dma_wait3A_57, %dma_wait3A_58] : memref<10128x128xf32, #tpu.memory_space<vmem_shared>> -> memref<400x128xf32, #tpu.memory_space<vmem_shared>>
        tpu.wait_dma2 semaphore(%run_scoped3A : memref<!tpu.dma_semaphore, #tpu.memory_space<semaphore_mem>>) src(%dma_wait3A_59 : memref<400x128xf32, #tpu.memory_space<vmem_shared>>) dst(%dma_wait3A_56 : memref<400x128xf32, #tpu.memory_space<hbm>>)
        tpu.yield
      }) : () -> ()
    } else {
    }
    return
  }
}

#map = affine_map<(d0, d1) -> (0, 0)>
#map1 = affine_map<(d0, d1) -> (0, 0, 0)>
module attributes {stable_mosaic.version = 14 : i64} {
  func.func @_edge_pass_body(%arg0: i32, %arg1: i32, %arg2: memref<50000x128xf32, #tpu.memory_space<hbm>>, %arg3: memref<1280x128xi32, #tpu.memory_space<hbm>>, %arg4: memref<1280x128xi32, #tpu.memory_space<hbm>>, %arg5: memref<10000x128xf32, #tpu.memory_space<hbm>>, %arg6: memref<2x10000x128xf32, #tpu.memory_space<hbm>>, %arg7: memref<40x128xi32, #tpu.memory_space<vmem>>, %arg8: memref<40x128xi32, #tpu.memory_space<vmem>>, %arg9: memref<2x128x128xf32, #tpu.memory_space<vmem>>, %arg10: memref<10128x128xf32, #tpu.memory_space<vmem_shared>>, %arg11: memref<!tpu.dma_semaphore, #tpu.memory_space<semaphore_mem>>, %arg12: memref<!tpu.dma_semaphore, #tpu.memory_space<semaphore_mem>>, %arg13: memref<!tpu.dma_semaphore, #tpu.memory_space<semaphore_mem>>, %arg14: memref<!tpu.dma_semaphore, #tpu.memory_space<semaphore_mem>>) attributes {dimension_semantics = [#tpu.dimension_semantics<core_parallel>, #tpu.dimension_semantics<subcore_parallel>], iteration_bounds = array<i64: 2, 16>, scalar_prefetch = 0 : i64, scratch_operands = 8 : i64, tpu.core_type = #tpu.core_type<sc_vector_subcore>, window_params = [{transform_indices = #map}, {transform_indices = #map}, {transform_indices = #map}, {transform_indices = #map}, {transform_indices = #map1}]} {
    %mul3A = arith.constant 2 : i32
    %mul3A_0 = arith.muli %arg1, %mul3A : i32
    %add3A = arith.addi %mul3A_0, %arg0 : i32
    %lt3A = arith.constant 15 : i32
    %lt3A_1 = arith.cmpi slt, %arg1, %lt3A : i32
    %convert_element_type3A = arith.extui %lt3A_1 : i1 to i32
    %cond3A = arith.constant 0 : i32
    %cond3A_2 = arith.cmpi ne, %convert_element_type3A, %cond3A : i32
    scf.if %cond3A_2 {
      %mul3A_46 = arith.constant 640 : i32
      %mul3A_47 = arith.muli %arg1, %mul3A_46 : i32
      "tpu.region"() ({
        %run_scoped3A = tpu.sem_alloc : memref<!tpu.dma_semaphore, #tpu.memory_space<semaphore_mem>>
        %dma_start3A_48 = arith.constant 0 : i32
        %dma_start3A_49 = tpu.memref_slice %arg10[%mul3A_47, %dma_start3A_48] : memref<10128x128xf32, #tpu.memory_space<vmem_shared>> -> memref<640x128xf32, #tpu.memory_space<vmem_shared>>
        %dma_start3A_50 = arith.constant 0 : i32
        %dma_start3A_51 = tpu.memref_slice %arg5[%mul3A_47, %dma_start3A_50] : memref<10000x128xf32, #tpu.memory_space<hbm>> -> memref<640x128xf32, #tpu.memory_space<hbm>>
        tpu.enqueue_dma source(%dma_start3A_51 : memref<640x128xf32, #tpu.memory_space<hbm>>) target(%dma_start3A_49 : memref<640x128xf32, #tpu.memory_space<vmem_shared>>) target_semaphore(%run_scoped3A : memref<!tpu.dma_semaphore, #tpu.memory_space<semaphore_mem>>)
        %dma_wait3A_52 = arith.constant 0 : i32
        %dma_wait3A_53 = tpu.memref_slice %arg10[%mul3A_47, %dma_wait3A_52] : memref<10128x128xf32, #tpu.memory_space<vmem_shared>> -> memref<640x128xf32, #tpu.memory_space<vmem_shared>>
        %dma_wait3A_54 = arith.constant 0 : i32
        %dma_wait3A_55 = tpu.memref_slice %arg5[%mul3A_47, %dma_wait3A_54] : memref<10000x128xf32, #tpu.memory_space<hbm>> -> memref<640x128xf32, #tpu.memory_space<hbm>>
        tpu.wait_dma2 semaphore(%run_scoped3A : memref<!tpu.dma_semaphore, #tpu.memory_space<semaphore_mem>>) src(%dma_wait3A_55 : memref<640x128xf32, #tpu.memory_space<hbm>>) dst(%dma_wait3A_53 : memref<640x128xf32, #tpu.memory_space<vmem_shared>>)
        tpu.yield
      }) : () -> ()
    } else {
    }
    %eq3A = arith.constant 15 : i32
    %eq3A_3 = arith.cmpi eq, %arg1, %eq3A : i32
    %convert_element_type3A_4 = arith.extui %eq3A_3 : i1 to i32
    %cond3A_5 = arith.constant 0 : i32
    %cond3A_6 = arith.cmpi ne, %convert_element_type3A_4, %cond3A_5 : i32
    scf.if %cond3A_6 {
      "tpu.region"() ({
        %run_scoped3A = tpu.sem_alloc : memref<!tpu.dma_semaphore, #tpu.memory_space<semaphore_mem>>
        %dma_start3A_46 = arith.constant 9600 : i32
        %dma_start3A_47 = arith.constant 0 : i32
        %dma_start3A_48 = tpu.memref_slice %arg10[%dma_start3A_46, %dma_start3A_47] : memref<10128x128xf32, #tpu.memory_space<vmem_shared>> -> memref<400x128xf32, #tpu.memory_space<vmem_shared>>
        %dma_start3A_49 = arith.constant 9600 : i32
        %dma_start3A_50 = arith.constant 0 : i32
        %dma_start3A_51 = tpu.memref_slice %arg5[%dma_start3A_49, %dma_start3A_50] : memref<10000x128xf32, #tpu.memory_space<hbm>> -> memref<400x128xf32, #tpu.memory_space<hbm>>
        tpu.enqueue_dma source(%dma_start3A_51 : memref<400x128xf32, #tpu.memory_space<hbm>>) target(%dma_start3A_48 : memref<400x128xf32, #tpu.memory_space<vmem_shared>>) target_semaphore(%run_scoped3A : memref<!tpu.dma_semaphore, #tpu.memory_space<semaphore_mem>>)
        %dma_wait3A_52 = arith.constant 9600 : i32
        %dma_wait3A_53 = arith.constant 0 : i32
        %dma_wait3A_54 = tpu.memref_slice %arg10[%dma_wait3A_52, %dma_wait3A_53] : memref<10128x128xf32, #tpu.memory_space<vmem_shared>> -> memref<400x128xf32, #tpu.memory_space<vmem_shared>>
        %dma_wait3A_55 = arith.constant 9600 : i32
        %dma_wait3A_56 = arith.constant 0 : i32
        %dma_wait3A_57 = tpu.memref_slice %arg5[%dma_wait3A_55, %dma_wait3A_56] : memref<10000x128xf32, #tpu.memory_space<hbm>> -> memref<400x128xf32, #tpu.memory_space<hbm>>
        tpu.wait_dma2 semaphore(%run_scoped3A : memref<!tpu.dma_semaphore, #tpu.memory_space<semaphore_mem>>) src(%dma_wait3A_57 : memref<400x128xf32, #tpu.memory_space<hbm>>) dst(%dma_wait3A_54 : memref<400x128xf32, #tpu.memory_space<vmem_shared>>)
        tpu.yield
      }) : () -> ()
    } else {
    }
    %barrier3A = arith.constant 0 : index
    tpu.barrier barrier_id(%barrier3A)
    %mul3A_7 = arith.constant 40 : i32
    %mul3A_8 = arith.muli %add3A, %mul3A_7 : i32
    "tpu.region"() ({
      %run_scoped3A = tpu.sem_alloc : memref<!tpu.dma_semaphore, #tpu.memory_space<semaphore_mem>>
      %dma_start3A_46 = arith.constant 0 : i32
      %dma_start3A_47 = tpu.memref_slice %arg3[%mul3A_8, %dma_start3A_46] : memref<1280x128xi32, #tpu.memory_space<hbm>> -> memref<40x128xi32, #tpu.memory_space<hbm>>
      %dma_start3A_48 = arith.constant 0 : i32
      %dma_start3A_49 = tpu.memref_slice %arg3[%mul3A_8, %dma_start3A_48] : memref<1280x128xi32, #tpu.memory_space<hbm>> -> memref<40x128xi32, #tpu.memory_space<hbm>>
      tpu.enqueue_dma source(%dma_start3A_49 : memref<40x128xi32, #tpu.memory_space<hbm>>) target(%arg7 : memref<40x128xi32, #tpu.memory_space<vmem>>) target_semaphore(%run_scoped3A : memref<!tpu.dma_semaphore, #tpu.memory_space<semaphore_mem>>)
      %dma_wait3A_50 = arith.constant 0 : i32
      %dma_wait3A_51 = tpu.memref_slice %arg3[%mul3A_8, %dma_wait3A_50] : memref<1280x128xi32, #tpu.memory_space<hbm>> -> memref<40x128xi32, #tpu.memory_space<hbm>>
      %dma_wait3A_52 = arith.constant 0 : i32
      %dma_wait3A_53 = tpu.memref_slice %arg3[%mul3A_8, %dma_wait3A_52] : memref<1280x128xi32, #tpu.memory_space<hbm>> -> memref<40x128xi32, #tpu.memory_space<hbm>>
      tpu.wait_dma2 semaphore(%run_scoped3A : memref<!tpu.dma_semaphore, #tpu.memory_space<semaphore_mem>>) src(%dma_wait3A_53 : memref<40x128xi32, #tpu.memory_space<hbm>>) dst(%arg7 : memref<40x128xi32, #tpu.memory_space<vmem>>)
      tpu.yield
    }) : () -> ()
    "tpu.region"() ({
      %run_scoped3A = tpu.sem_alloc : memref<!tpu.dma_semaphore, #tpu.memory_space<semaphore_mem>>
      %dma_start3A_46 = arith.constant 0 : i32
      %dma_start3A_47 = tpu.memref_slice %arg4[%mul3A_8, %dma_start3A_46] : memref<1280x128xi32, #tpu.memory_space<hbm>> -> memref<40x128xi32, #tpu.memory_space<hbm>>
      %dma_start3A_48 = arith.constant 0 : i32
      %dma_start3A_49 = tpu.memref_slice %arg4[%mul3A_8, %dma_start3A_48] : memref<1280x128xi32, #tpu.memory_space<hbm>> -> memref<40x128xi32, #tpu.memory_space<hbm>>
      tpu.enqueue_dma source(%dma_start3A_49 : memref<40x128xi32, #tpu.memory_space<hbm>>) target(%arg8 : memref<40x128xi32, #tpu.memory_space<vmem>>) target_semaphore(%run_scoped3A : memref<!tpu.dma_semaphore, #tpu.memory_space<semaphore_mem>>)
      %dma_wait3A_50 = arith.constant 0 : i32
      %dma_wait3A_51 = tpu.memref_slice %arg4[%mul3A_8, %dma_wait3A_50] : memref<1280x128xi32, #tpu.memory_space<hbm>> -> memref<40x128xi32, #tpu.memory_space<hbm>>
      %dma_wait3A_52 = arith.constant 0 : i32
      %dma_wait3A_53 = tpu.memref_slice %arg4[%mul3A_8, %dma_wait3A_52] : memref<1280x128xi32, #tpu.memory_space<hbm>> -> memref<40x128xi32, #tpu.memory_space<hbm>>
      tpu.wait_dma2 semaphore(%run_scoped3A : memref<!tpu.dma_semaphore, #tpu.memory_space<semaphore_mem>>) src(%dma_wait3A_53 : memref<40x128xi32, #tpu.memory_space<hbm>>) dst(%arg8 : memref<40x128xi32, #tpu.memory_space<vmem>>)
      tpu.yield
    }) : () -> ()
    %dma_start3A = arith.constant 0 : i32
    %dma_start3A_9 = arith.constant 0 : i32
    %dma_start3A_10 = arith.constant 0 : i32
    %dma_start3A_11 = arith.constant 0 : i32
    %dma_start3A_12 = tpu.memref_slice %arg9[%dma_start3A_9, %dma_start3A_10, %dma_start3A_11] : memref<2x128x128xf32, #tpu.memory_space<vmem>> -> memref<1x128x128xf32, #tpu.memory_space<vmem>>
    %dma_start3A_13 = tpu.memref_squeeze %dma_start3A_12 : memref<1x128x128xf32, #tpu.memory_space<vmem>> -> memref<128x128xf32, #tpu.memory_space<vmem>>
    %dma_start3A_14 = arith.constant 0 : i32
    %dma_start3A_15 = tpu.memref_slice %arg7[%dma_start3A, %dma_start3A_14] : memref<40x128xi32, #tpu.memory_space<vmem>> -> memref<1x128xi32, #tpu.memory_space<vmem>>
    %dma_start3A_16 = tpu.memref_squeeze %dma_start3A_15 : memref<1x128xi32, #tpu.memory_space<vmem>> -> memref<128xi32, #tpu.memory_space<vmem>>
    %dma_start3A_17 = arith.constant 0 : i32
    %dma_start3A_18 = arith.constant 0 : i32
    %dma_start3A_19 = tpu.memref_slice %arg2[%dma_start3A_17, %dma_start3A_18] : memref<50000x128xf32, #tpu.memory_space<hbm>> -> memref<50000x128xf32, #tpu.memory_space<hbm>>
    tpu.enqueue_indirect_dma source(%dma_start3A_19 : memref<50000x128xf32, #tpu.memory_space<hbm>>) target(%dma_start3A_13 : memref<128x128xf32, #tpu.memory_space<vmem>>) offsets(%dma_start3A_16 : memref<128xi32, #tpu.memory_space<vmem>>) semaphore(%arg11 : memref<!tpu.dma_semaphore, #tpu.memory_space<semaphore_mem>>)
    %scan3A = arith.constant 0 : i32
    %scan3A_20 = arith.constant 20 : i32
    %scan3A_21 = arith.addi %scan3A, %scan3A_20 : i32
    %scan3A_22 = arith.constant 1 : i32
    scf.for %scan3A_46 = %scan3A to %scan3A_21 step %scan3A_22  : i32 {
      %mul3A_47 = arith.constant 2 : i32
      %mul3A_48 = arith.muli %scan3A_46, %mul3A_47 : i32
      %add3A_49 = arith.constant 0 : i32
      %add3A_50 = arith.addi %mul3A_48, %add3A_49 : i32
      %dma_wait3A_51 = arith.constant 0 : i32
      %dma_wait3A_52 = arith.constant 0 : i32
      %dma_wait3A_53 = arith.constant 0 : i32
      %dma_wait3A_54 = tpu.memref_slice %arg9[%dma_wait3A_51, %dma_wait3A_52, %dma_wait3A_53] : memref<2x128x128xf32, #tpu.memory_space<vmem>> -> memref<1x128x128xf32, #tpu.memory_space<vmem>>
      %dma_wait3A_55 = tpu.memref_squeeze %dma_wait3A_54 : memref<1x128x128xf32, #tpu.memory_space<vmem>> -> memref<128x128xf32, #tpu.memory_space<vmem>>
      %dma_wait3A_56 = arith.constant 0 : i32
      %dma_wait3A_57 = tpu.memref_slice %arg7[%add3A_50, %dma_wait3A_56] : memref<40x128xi32, #tpu.memory_space<vmem>> -> memref<1x128xi32, #tpu.memory_space<vmem>>
      %dma_wait3A_58 = tpu.memref_squeeze %dma_wait3A_57 : memref<1x128xi32, #tpu.memory_space<vmem>> -> memref<128xi32, #tpu.memory_space<vmem>>
      %dma_wait3A_59 = arith.constant 0 : i32
      %dma_wait3A_60 = arith.constant 0 : i32
      %dma_wait3A_61 = tpu.memref_slice %arg2[%dma_wait3A_59, %dma_wait3A_60] : memref<50000x128xf32, #tpu.memory_space<hbm>> -> memref<50000x128xf32, #tpu.memory_space<hbm>>
      tpu.wait_indirect_dma semaphore(%arg11 : memref<!tpu.dma_semaphore, #tpu.memory_space<semaphore_mem>>) src(%dma_wait3A_61 : memref<50000x128xf32, #tpu.memory_space<hbm>>) dst(%dma_wait3A_55 : memref<128x128xf32, #tpu.memory_space<vmem>>)
      %dma_start3A_62 = arith.constant 0 : i32
      %dma_start3A_63 = arith.constant 0 : i32
      %dma_start3A_64 = arith.constant 0 : i32
      %dma_start3A_65 = tpu.memref_slice %arg9[%dma_start3A_62, %dma_start3A_63, %dma_start3A_64] : memref<2x128x128xf32, #tpu.memory_space<vmem>> -> memref<1x128x128xf32, #tpu.memory_space<vmem>>
      %dma_start3A_66 = tpu.memref_squeeze %dma_start3A_65 : memref<1x128x128xf32, #tpu.memory_space<vmem>> -> memref<128x128xf32, #tpu.memory_space<vmem>>
      %dma_start3A_67 = arith.constant 0 : i32
      %dma_start3A_68 = tpu.memref_slice %arg8[%add3A_50, %dma_start3A_67] : memref<40x128xi32, #tpu.memory_space<vmem>> -> memref<1x128xi32, #tpu.memory_space<vmem>>
      %dma_start3A_69 = tpu.memref_squeeze %dma_start3A_68 : memref<1x128xi32, #tpu.memory_space<vmem>> -> memref<128xi32, #tpu.memory_space<vmem>>
      %dma_start3A_70 = arith.constant 0 : i32
      %dma_start3A_71 = arith.constant 0 : i32
      %dma_start3A_72 = tpu.memref_slice %arg10[%dma_start3A_70, %dma_start3A_71] : memref<10128x128xf32, #tpu.memory_space<vmem_shared>> -> memref<10128x128xf32, #tpu.memory_space<vmem_shared>>
      tpu.enqueue_indirect_dma source(%dma_start3A_66 : memref<128x128xf32, #tpu.memory_space<vmem>>) target(%dma_start3A_72 : memref<10128x128xf32, #tpu.memory_space<vmem_shared>>) offsets(%dma_start3A_69 : memref<128xi32, #tpu.memory_space<vmem>>) semaphore(%arg13 : memref<!tpu.dma_semaphore, #tpu.memory_space<semaphore_mem>>) {add = true}
      %ge3A = arith.constant 1 : i32
      %ge3A_73 = arith.cmpi sge, %add3A_50, %ge3A : i32
      %convert_element_type3A_74 = arith.extui %ge3A_73 : i1 to i32
      %cond3A_75 = arith.constant 0 : i32
      %cond3A_76 = arith.cmpi ne, %convert_element_type3A_74, %cond3A_75 : i32
      scf.if %cond3A_76 {
        %sub3A = arith.constant 1 : i32
        %sub3A_122 = arith.subi %add3A_50, %sub3A : i32
        %dma_wait3A_123 = arith.constant 1 : i32
        %dma_wait3A_124 = arith.constant 0 : i32
        %dma_wait3A_125 = arith.constant 0 : i32
        %dma_wait3A_126 = tpu.memref_slice %arg9[%dma_wait3A_123, %dma_wait3A_124, %dma_wait3A_125] : memref<2x128x128xf32, #tpu.memory_space<vmem>> -> memref<1x128x128xf32, #tpu.memory_space<vmem>>
        %dma_wait3A_127 = tpu.memref_squeeze %dma_wait3A_126 : memref<1x128x128xf32, #tpu.memory_space<vmem>> -> memref<128x128xf32, #tpu.memory_space<vmem>>
        %dma_wait3A_128 = arith.constant 0 : i32
        %dma_wait3A_129 = tpu.memref_slice %arg8[%sub3A_122, %dma_wait3A_128] : memref<40x128xi32, #tpu.memory_space<vmem>> -> memref<1x128xi32, #tpu.memory_space<vmem>>
        %dma_wait3A_130 = tpu.memref_squeeze %dma_wait3A_129 : memref<1x128xi32, #tpu.memory_space<vmem>> -> memref<128xi32, #tpu.memory_space<vmem>>
        %dma_wait3A_131 = arith.constant 0 : i32
        %dma_wait3A_132 = arith.constant 0 : i32
        %dma_wait3A_133 = tpu.memref_slice %arg10[%dma_wait3A_131, %dma_wait3A_132] : memref<10128x128xf32, #tpu.memory_space<vmem_shared>> -> memref<10128x128xf32, #tpu.memory_space<vmem_shared>>
        tpu.wait_indirect_dma semaphore(%arg14 : memref<!tpu.dma_semaphore, #tpu.memory_space<semaphore_mem>>) src(%dma_wait3A_127 : memref<128x128xf32, #tpu.memory_space<vmem>>) dst(%dma_wait3A_133 : memref<10128x128xf32, #tpu.memory_space<vmem_shared>>)
      } else {
      }
      %add3A_77 = arith.constant 1 : i32
      %add3A_78 = arith.addi %add3A_50, %add3A_77 : i32
      %lt3A_79 = arith.constant 40 : i32
      %lt3A_80 = arith.cmpi slt, %add3A_78, %lt3A_79 : i32
      %convert_element_type3A_81 = arith.extui %lt3A_80 : i1 to i32
      %cond3A_82 = arith.constant 0 : i32
      %cond3A_83 = arith.cmpi ne, %convert_element_type3A_81, %cond3A_82 : i32
      scf.if %cond3A_83 {
        %add3A_122 = arith.constant 1 : i32
        %add3A_123 = arith.addi %add3A_50, %add3A_122 : i32
        %dma_start3A_124 = arith.constant 1 : i32
        %dma_start3A_125 = arith.constant 0 : i32
        %dma_start3A_126 = arith.constant 0 : i32
        %dma_start3A_127 = tpu.memref_slice %arg9[%dma_start3A_124, %dma_start3A_125, %dma_start3A_126] : memref<2x128x128xf32, #tpu.memory_space<vmem>> -> memref<1x128x128xf32, #tpu.memory_space<vmem>>
        %dma_start3A_128 = tpu.memref_squeeze %dma_start3A_127 : memref<1x128x128xf32, #tpu.memory_space<vmem>> -> memref<128x128xf32, #tpu.memory_space<vmem>>
        %dma_start3A_129 = arith.constant 0 : i32
        %dma_start3A_130 = tpu.memref_slice %arg7[%add3A_123, %dma_start3A_129] : memref<40x128xi32, #tpu.memory_space<vmem>> -> memref<1x128xi32, #tpu.memory_space<vmem>>
        %dma_start3A_131 = tpu.memref_squeeze %dma_start3A_130 : memref<1x128xi32, #tpu.memory_space<vmem>> -> memref<128xi32, #tpu.memory_space<vmem>>
        %dma_start3A_132 = arith.constant 0 : i32
        %dma_start3A_133 = arith.constant 0 : i32
        %dma_start3A_134 = tpu.memref_slice %arg2[%dma_start3A_132, %dma_start3A_133] : memref<50000x128xf32, #tpu.memory_space<hbm>> -> memref<50000x128xf32, #tpu.memory_space<hbm>>
        tpu.enqueue_indirect_dma source(%dma_start3A_134 : memref<50000x128xf32, #tpu.memory_space<hbm>>) target(%dma_start3A_128 : memref<128x128xf32, #tpu.memory_space<vmem>>) offsets(%dma_start3A_131 : memref<128xi32, #tpu.memory_space<vmem>>) semaphore(%arg12 : memref<!tpu.dma_semaphore, #tpu.memory_space<semaphore_mem>>)
      } else {
      }
      %mul3A_84 = arith.constant 2 : i32
      %mul3A_85 = arith.muli %scan3A_46, %mul3A_84 : i32
      %add3A_86 = arith.constant 1 : i32
      %add3A_87 = arith.addi %mul3A_85, %add3A_86 : i32
      %dma_wait3A_88 = arith.constant 1 : i32
      %dma_wait3A_89 = arith.constant 0 : i32
      %dma_wait3A_90 = arith.constant 0 : i32
      %dma_wait3A_91 = tpu.memref_slice %arg9[%dma_wait3A_88, %dma_wait3A_89, %dma_wait3A_90] : memref<2x128x128xf32, #tpu.memory_space<vmem>> -> memref<1x128x128xf32, #tpu.memory_space<vmem>>
      %dma_wait3A_92 = tpu.memref_squeeze %dma_wait3A_91 : memref<1x128x128xf32, #tpu.memory_space<vmem>> -> memref<128x128xf32, #tpu.memory_space<vmem>>
      %dma_wait3A_93 = arith.constant 0 : i32
      %dma_wait3A_94 = tpu.memref_slice %arg7[%add3A_87, %dma_wait3A_93] : memref<40x128xi32, #tpu.memory_space<vmem>> -> memref<1x128xi32, #tpu.memory_space<vmem>>
      %dma_wait3A_95 = tpu.memref_squeeze %dma_wait3A_94 : memref<1x128xi32, #tpu.memory_space<vmem>> -> memref<128xi32, #tpu.memory_space<vmem>>
      %dma_wait3A_96 = arith.constant 0 : i32
      %dma_wait3A_97 = arith.constant 0 : i32
      %dma_wait3A_98 = tpu.memref_slice %arg2[%dma_wait3A_96, %dma_wait3A_97] : memref<50000x128xf32, #tpu.memory_space<hbm>> -> memref<50000x128xf32, #tpu.memory_space<hbm>>
      tpu.wait_indirect_dma semaphore(%arg12 : memref<!tpu.dma_semaphore, #tpu.memory_space<semaphore_mem>>) src(%dma_wait3A_98 : memref<50000x128xf32, #tpu.memory_space<hbm>>) dst(%dma_wait3A_92 : memref<128x128xf32, #tpu.memory_space<vmem>>)
      %dma_start3A_99 = arith.constant 1 : i32
      %dma_start3A_100 = arith.constant 0 : i32
      %dma_start3A_101 = arith.constant 0 : i32
      %dma_start3A_102 = tpu.memref_slice %arg9[%dma_start3A_99, %dma_start3A_100, %dma_start3A_101] : memref<2x128x128xf32, #tpu.memory_space<vmem>> -> memref<1x128x128xf32, #tpu.memory_space<vmem>>
      %dma_start3A_103 = tpu.memref_squeeze %dma_start3A_102 : memref<1x128x128xf32, #tpu.memory_space<vmem>> -> memref<128x128xf32, #tpu.memory_space<vmem>>
      %dma_start3A_104 = arith.constant 0 : i32
      %dma_start3A_105 = tpu.memref_slice %arg8[%add3A_87, %dma_start3A_104] : memref<40x128xi32, #tpu.memory_space<vmem>> -> memref<1x128xi32, #tpu.memory_space<vmem>>
      %dma_start3A_106 = tpu.memref_squeeze %dma_start3A_105 : memref<1x128xi32, #tpu.memory_space<vmem>> -> memref<128xi32, #tpu.memory_space<vmem>>
      %dma_start3A_107 = arith.constant 0 : i32
      %dma_start3A_108 = arith.constant 0 : i32
      %dma_start3A_109 = tpu.memref_slice %arg10[%dma_start3A_107, %dma_start3A_108] : memref<10128x128xf32, #tpu.memory_space<vmem_shared>> -> memref<10128x128xf32, #tpu.memory_space<vmem_shared>>
      tpu.enqueue_indirect_dma source(%dma_start3A_103 : memref<128x128xf32, #tpu.memory_space<vmem>>) target(%dma_start3A_109 : memref<10128x128xf32, #tpu.memory_space<vmem_shared>>) offsets(%dma_start3A_106 : memref<128xi32, #tpu.memory_space<vmem>>) semaphore(%arg14 : memref<!tpu.dma_semaphore, #tpu.memory_space<semaphore_mem>>) {add = true}
      %ge3A_110 = arith.constant 1 : i32
      %ge3A_111 = arith.cmpi sge, %add3A_87, %ge3A_110 : i32
      %convert_element_type3A_112 = arith.extui %ge3A_111 : i1 to i32
      %cond3A_113 = arith.constant 0 : i32
      %cond3A_114 = arith.cmpi ne, %convert_element_type3A_112, %cond3A_113 : i32
      scf.if %cond3A_114 {
        %sub3A = arith.constant 1 : i32
        %sub3A_122 = arith.subi %add3A_87, %sub3A : i32
        %dma_wait3A_123 = arith.constant 0 : i32
        %dma_wait3A_124 = arith.constant 0 : i32
        %dma_wait3A_125 = arith.constant 0 : i32
        %dma_wait3A_126 = tpu.memref_slice %arg9[%dma_wait3A_123, %dma_wait3A_124, %dma_wait3A_125] : memref<2x128x128xf32, #tpu.memory_space<vmem>> -> memref<1x128x128xf32, #tpu.memory_space<vmem>>
        %dma_wait3A_127 = tpu.memref_squeeze %dma_wait3A_126 : memref<1x128x128xf32, #tpu.memory_space<vmem>> -> memref<128x128xf32, #tpu.memory_space<vmem>>
        %dma_wait3A_128 = arith.constant 0 : i32
        %dma_wait3A_129 = tpu.memref_slice %arg8[%sub3A_122, %dma_wait3A_128] : memref<40x128xi32, #tpu.memory_space<vmem>> -> memref<1x128xi32, #tpu.memory_space<vmem>>
        %dma_wait3A_130 = tpu.memref_squeeze %dma_wait3A_129 : memref<1x128xi32, #tpu.memory_space<vmem>> -> memref<128xi32, #tpu.memory_space<vmem>>
        %dma_wait3A_131 = arith.constant 0 : i32
        %dma_wait3A_132 = arith.constant 0 : i32
        %dma_wait3A_133 = tpu.memref_slice %arg10[%dma_wait3A_131, %dma_wait3A_132] : memref<10128x128xf32, #tpu.memory_space<vmem_shared>> -> memref<10128x128xf32, #tpu.memory_space<vmem_shared>>
        tpu.wait_indirect_dma semaphore(%arg13 : memref<!tpu.dma_semaphore, #tpu.memory_space<semaphore_mem>>) src(%dma_wait3A_127 : memref<128x128xf32, #tpu.memory_space<vmem>>) dst(%dma_wait3A_133 : memref<10128x128xf32, #tpu.memory_space<vmem_shared>>)
      } else {
      }
      %add3A_115 = arith.constant 1 : i32
      %add3A_116 = arith.addi %add3A_87, %add3A_115 : i32
      %lt3A_117 = arith.constant 40 : i32
      %lt3A_118 = arith.cmpi slt, %add3A_116, %lt3A_117 : i32
      %convert_element_type3A_119 = arith.extui %lt3A_118 : i1 to i32
      %cond3A_120 = arith.constant 0 : i32
      %cond3A_121 = arith.cmpi ne, %convert_element_type3A_119, %cond3A_120 : i32
      scf.if %cond3A_121 {
        %add3A_122 = arith.constant 1 : i32
        %add3A_123 = arith.addi %add3A_87, %add3A_122 : i32
        %dma_start3A_124 = arith.constant 0 : i32
        %dma_start3A_125 = arith.constant 0 : i32
        %dma_start3A_126 = arith.constant 0 : i32
        %dma_start3A_127 = tpu.memref_slice %arg9[%dma_start3A_124, %dma_start3A_125, %dma_start3A_126] : memref<2x128x128xf32, #tpu.memory_space<vmem>> -> memref<1x128x128xf32, #tpu.memory_space<vmem>>
        %dma_start3A_128 = tpu.memref_squeeze %dma_start3A_127 : memref<1x128x128xf32, #tpu.memory_space<vmem>> -> memref<128x128xf32, #tpu.memory_space<vmem>>
        %dma_start3A_129 = arith.constant 0 : i32
        %dma_start3A_130 = tpu.memref_slice %arg7[%add3A_123, %dma_start3A_129] : memref<40x128xi32, #tpu.memory_space<vmem>> -> memref<1x128xi32, #tpu.memory_space<vmem>>
        %dma_start3A_131 = tpu.memref_squeeze %dma_start3A_130 : memref<1x128xi32, #tpu.memory_space<vmem>> -> memref<128xi32, #tpu.memory_space<vmem>>
        %dma_start3A_132 = arith.constant 0 : i32
        %dma_start3A_133 = arith.constant 0 : i32
        %dma_start3A_134 = tpu.memref_slice %arg2[%dma_start3A_132, %dma_start3A_133] : memref<50000x128xf32, #tpu.memory_space<hbm>> -> memref<50000x128xf32, #tpu.memory_space<hbm>>
        tpu.enqueue_indirect_dma source(%dma_start3A_134 : memref<50000x128xf32, #tpu.memory_space<hbm>>) target(%dma_start3A_128 : memref<128x128xf32, #tpu.memory_space<vmem>>) offsets(%dma_start3A_131 : memref<128xi32, #tpu.memory_space<vmem>>) semaphore(%arg11 : memref<!tpu.dma_semaphore, #tpu.memory_space<semaphore_mem>>)
      } else {
      }
    }
    %scan3A_23 = arith.constant 20 : i32
    %dma_wait3A = arith.constant 1 : i32
    %dma_wait3A_24 = arith.constant 39 : i32
    %dma_wait3A_25 = arith.constant 0 : i32
    %dma_wait3A_26 = arith.constant 0 : i32
    %dma_wait3A_27 = tpu.memref_slice %arg9[%dma_wait3A, %dma_wait3A_25, %dma_wait3A_26] : memref<2x128x128xf32, #tpu.memory_space<vmem>> -> memref<1x128x128xf32, #tpu.memory_space<vmem>>
    %dma_wait3A_28 = tpu.memref_squeeze %dma_wait3A_27 : memref<1x128x128xf32, #tpu.memory_space<vmem>> -> memref<128x128xf32, #tpu.memory_space<vmem>>
    %dma_wait3A_29 = arith.constant 0 : i32
    %dma_wait3A_30 = tpu.memref_slice %arg8[%dma_wait3A_24, %dma_wait3A_29] : memref<40x128xi32, #tpu.memory_space<vmem>> -> memref<1x128xi32, #tpu.memory_space<vmem>>
    %dma_wait3A_31 = tpu.memref_squeeze %dma_wait3A_30 : memref<1x128xi32, #tpu.memory_space<vmem>> -> memref<128xi32, #tpu.memory_space<vmem>>
    %dma_wait3A_32 = arith.constant 0 : i32
    %dma_wait3A_33 = arith.constant 0 : i32
    %dma_wait3A_34 = tpu.memref_slice %arg10[%dma_wait3A_32, %dma_wait3A_33] : memref<10128x128xf32, #tpu.memory_space<vmem_shared>> -> memref<10128x128xf32, #tpu.memory_space<vmem_shared>>
    tpu.wait_indirect_dma semaphore(%arg14 : memref<!tpu.dma_semaphore, #tpu.memory_space<semaphore_mem>>) src(%dma_wait3A_28 : memref<128x128xf32, #tpu.memory_space<vmem>>) dst(%dma_wait3A_34 : memref<10128x128xf32, #tpu.memory_space<vmem_shared>>)
    %barrier3A_35 = arith.constant 0 : index
    tpu.barrier barrier_id(%barrier3A_35)
    %lt3A_36 = arith.constant 15 : i32
    %lt3A_37 = arith.cmpi slt, %arg1, %lt3A_36 : i32
    %convert_element_type3A_38 = arith.extui %lt3A_37 : i1 to i32
    %cond3A_39 = arith.constant 0 : i32
    %cond3A_40 = arith.cmpi ne, %convert_element_type3A_38, %cond3A_39 : i32
    scf.if %cond3A_40 {
      %mul3A_46 = arith.constant 640 : i32
      %mul3A_47 = arith.muli %arg1, %mul3A_46 : i32
      "tpu.region"() ({
        %run_scoped3A = tpu.sem_alloc : memref<!tpu.dma_semaphore, #tpu.memory_space<semaphore_mem>>
        %dma_start3A_48 = arith.constant 0 : i32
        %dma_start3A_49 = tpu.memref_slice %arg6[%arg0, %mul3A_47, %dma_start3A_48] : memref<2x10000x128xf32, #tpu.memory_space<hbm>> -> memref<1x640x128xf32, #tpu.memory_space<hbm>>
        %dma_start3A_50 = tpu.memref_squeeze %dma_start3A_49 : memref<1x640x128xf32, #tpu.memory_space<hbm>> -> memref<640x128xf32, #tpu.memory_space<hbm>>
        %dma_start3A_51 = arith.constant 0 : i32
        %dma_start3A_52 = tpu.memref_slice %arg10[%mul3A_47, %dma_start3A_51] : memref<10128x128xf32, #tpu.memory_space<vmem_shared>> -> memref<640x128xf32, #tpu.memory_space<vmem_shared>>
        tpu.enqueue_dma source(%dma_start3A_52 : memref<640x128xf32, #tpu.memory_space<vmem_shared>>) target(%dma_start3A_50 : memref<640x128xf32, #tpu.memory_space<hbm>>) target_semaphore(%run_scoped3A : memref<!tpu.dma_semaphore, #tpu.memory_space<semaphore_mem>>)
        %dma_wait3A_53 = arith.constant 0 : i32
        %dma_wait3A_54 = tpu.memref_slice %arg6[%arg0, %mul3A_47, %dma_wait3A_53] : memref<2x10000x128xf32, #tpu.memory_space<hbm>> -> memref<1x640x128xf32, #tpu.memory_space<hbm>>
        %dma_wait3A_55 = tpu.memref_squeeze %dma_wait3A_54 : memref<1x640x128xf32, #tpu.memory_space<hbm>> -> memref<640x128xf32, #tpu.memory_space<hbm>>
        %dma_wait3A_56 = arith.constant 0 : i32
        %dma_wait3A_57 = tpu.memref_slice %arg10[%mul3A_47, %dma_wait3A_56] : memref<10128x128xf32, #tpu.memory_space<vmem_shared>> -> memref<640x128xf32, #tpu.memory_space<vmem_shared>>
        tpu.wait_dma2 semaphore(%run_scoped3A : memref<!tpu.dma_semaphore, #tpu.memory_space<semaphore_mem>>) src(%dma_wait3A_57 : memref<640x128xf32, #tpu.memory_space<vmem_shared>>) dst(%dma_wait3A_55 : memref<640x128xf32, #tpu.memory_space<hbm>>)
        tpu.yield
      }) : () -> ()
    } else {
    }
    %eq3A_41 = arith.constant 15 : i32
    %eq3A_42 = arith.cmpi eq, %arg1, %eq3A_41 : i32
    %convert_element_type3A_43 = arith.extui %eq3A_42 : i1 to i32
    %cond3A_44 = arith.constant 0 : i32
    %cond3A_45 = arith.cmpi ne, %convert_element_type3A_43, %cond3A_44 : i32
    scf.if %cond3A_45 {
      "tpu.region"() ({
        %run_scoped3A = tpu.sem_alloc : memref<!tpu.dma_semaphore, #tpu.memory_space<semaphore_mem>>
        %dma_start3A_46 = arith.constant 9600 : i32
        %dma_start3A_47 = arith.constant 0 : i32
        %dma_start3A_48 = tpu.memref_slice %arg6[%arg0, %dma_start3A_46, %dma_start3A_47] : memref<2x10000x128xf32, #tpu.memory_space<hbm>> -> memref<1x400x128xf32, #tpu.memory_space<hbm>>
        %dma_start3A_49 = tpu.memref_squeeze %dma_start3A_48 : memref<1x400x128xf32, #tpu.memory_space<hbm>> -> memref<400x128xf32, #tpu.memory_space<hbm>>
        %dma_start3A_50 = arith.constant 9600 : i32
        %dma_start3A_51 = arith.constant 0 : i32
        %dma_start3A_52 = tpu.memref_slice %arg10[%dma_start3A_50, %dma_start3A_51] : memref<10128x128xf32, #tpu.memory_space<vmem_shared>> -> memref<400x128xf32, #tpu.memory_space<vmem_shared>>
        tpu.enqueue_dma source(%dma_start3A_52 : memref<400x128xf32, #tpu.memory_space<vmem_shared>>) target(%dma_start3A_49 : memref<400x128xf32, #tpu.memory_space<hbm>>) target_semaphore(%run_scoped3A : memref<!tpu.dma_semaphore, #tpu.memory_space<semaphore_mem>>)
        %dma_wait3A_53 = arith.constant 9600 : i32
        %dma_wait3A_54 = arith.constant 0 : i32
        %dma_wait3A_55 = tpu.memref_slice %arg6[%arg0, %dma_wait3A_53, %dma_wait3A_54] : memref<2x10000x128xf32, #tpu.memory_space<hbm>> -> memref<1x400x128xf32, #tpu.memory_space<hbm>>
        %dma_wait3A_56 = tpu.memref_squeeze %dma_wait3A_55 : memref<1x400x128xf32, #tpu.memory_space<hbm>> -> memref<400x128xf32, #tpu.memory_space<hbm>>
        %dma_wait3A_57 = arith.constant 9600 : i32
        %dma_wait3A_58 = arith.constant 0 : i32
        %dma_wait3A_59 = tpu.memref_slice %arg10[%dma_wait3A_57, %dma_wait3A_58] : memref<10128x128xf32, #tpu.memory_space<vmem_shared>> -> memref<400x128xf32, #tpu.memory_space<vmem_shared>>
        tpu.wait_dma2 semaphore(%run_scoped3A : memref<!tpu.dma_semaphore, #tpu.memory_space<semaphore_mem>>) src(%dma_wait3A_59 : memref<400x128xf32, #tpu.memory_space<vmem_shared>>) dst(%dma_wait3A_56 : memref<400x128xf32, #tpu.memory_space<hbm>>)
        tpu.yield
      }) : () -> ()
    } else {
    }
    return
  }
}

module attributes {stable_mosaic.version = 14 : i64} {
  func.func @_proj_body(%arg0: memref<3000x64xf32, #tpu.memory_space<vmem>>, %arg1: memref<64x128xf32, #tpu.memory_space<vmem>>, %arg2: memref<1x128xf32, #tpu.memory_space<vmem>>, %arg3: memref<3000x128xf32, #tpu.memory_space<vmem>>) attributes {dimension_semantics = [], scalar_prefetch = 0 : i64, scratch_operands = 0 : i64, tpu.core_type = #tpu.core_type<tc>} {
    %get3A = arith.constant 0 : index
    %get3A_0 = arith.constant 0 : index
    %get3A_1 = vector.load %arg0[%get3A, %get3A_0] : memref<3000x64xf32, #tpu.memory_space<vmem>>, vector<3000x64xf32>
    %get3A_2 = arith.constant 0 : index
    %get3A_3 = arith.constant 0 : index
    %get3A_4 = vector.load %arg1[%get3A_2, %get3A_3] : memref<64x128xf32, #tpu.memory_space<vmem>>, vector<64x128xf32>
    %dot_general3A = arith.constant dense<0.000000e+00> : vector<3000x128xf32>
    %dot_general3A_5 = tpu.matmul %get3A_1, %get3A_4, %dot_general3A {dimension_numbers = #tpu.dot_dimension_numbers<[1], [0], [0], [1], [0, 0, 1, 1], [], []>, transpose_lhs_hint = false} : vector<3000x64xf32>, vector<64x128xf32>, vector<3000x128xf32> -> vector<3000x128xf32>
    %get3A_6 = arith.constant 0 : index
    %get3A_7 = arith.constant 0 : index
    %get3A_8 = vector.load %arg2[%get3A_6, %get3A_7] : memref<1x128xf32, #tpu.memory_space<vmem>>, vector<1x128xf32>
    %add3A = vector.broadcast %get3A_8 : vector<1x128xf32> to vector<3000x128xf32>
    %add3A_9 = arith.addf %dot_general3A_5, %add3A : vector<3000x128xf32>
    %swap3A = arith.constant 0 : index
    %swap3A_10 = arith.constant 0 : index
    %swap3A_11 = vector.load %arg3[%swap3A, %swap3A_10] : memref<3000x128xf32, #tpu.memory_space<vmem>>, vector<3000x128xf32>
    tpu.vector_store %arg3[%swap3A, %swap3A_10], %add3A_9 {strides = array<i32>} : memref<3000x128xf32, #tpu.memory_space<vmem>>, vector<3000x128xf32>,
    return
  }
}

module attributes {stable_mosaic.version = 14 : i64} {
  func.func @_proj_body(%arg0: memref<4000x128xf32, #tpu.memory_space<vmem>>, %arg1: memref<128x128xf32, #tpu.memory_space<vmem>>, %arg2: memref<1x128xf32, #tpu.memory_space<vmem>>, %arg3: memref<4000x128xf32, #tpu.memory_space<vmem>>) attributes {dimension_semantics = [], scalar_prefetch = 0 : i64, scratch_operands = 0 : i64, tpu.core_type = #tpu.core_type<tc>} {
    %get3A = arith.constant 0 : index
    %get3A_0 = arith.constant 0 : index
    %get3A_1 = vector.load %arg0[%get3A, %get3A_0] : memref<4000x128xf32, #tpu.memory_space<vmem>>, vector<4000x128xf32>
    %get3A_2 = arith.constant 0 : index
    %get3A_3 = arith.constant 0 : index
    %get3A_4 = vector.load %arg1[%get3A_2, %get3A_3] : memref<128x128xf32, #tpu.memory_space<vmem>>, vector<128x128xf32>
    %dot_general3A = arith.constant dense<0.000000e+00> : vector<4000x128xf32>
    %dot_general3A_5 = tpu.matmul %get3A_1, %get3A_4, %dot_general3A {dimension_numbers = #tpu.dot_dimension_numbers<[1], [0], [0], [1], [0, 0, 1, 1], [], []>, transpose_lhs_hint = false} : vector<4000x128xf32>, vector<128x128xf32>, vector<4000x128xf32> -> vector<4000x128xf32>
    %get3A_6 = arith.constant 0 : index
    %get3A_7 = arith.constant 0 : index
    %get3A_8 = vector.load %arg2[%get3A_6, %get3A_7] : memref<1x128xf32, #tpu.memory_space<vmem>>, vector<1x128xf32>
    %add3A = vector.broadcast %get3A_8 : vector<1x128xf32> to vector<4000x128xf32>
    %add3A_9 = arith.addf %dot_general3A_5, %add3A : vector<4000x128xf32>
    %swap3A = arith.constant 0 : index
    %swap3A_10 = arith.constant 0 : index
    %swap3A_11 = vector.load %arg3[%swap3A, %swap3A_10] : memref<4000x128xf32, #tpu.memory_space<vmem>>, vector<4000x128xf32>
    tpu.vector_store %arg3[%swap3A, %swap3A_10], %add3A_9 {strides = array<i32>} : memref<4000x128xf32, #tpu.memory_space<vmem>>, vector<4000x128xf32>,
    return
  }
}

module attributes {stable_mosaic.version = 14 : i64} {
  func.func @_deg_combine_body(%arg0: memref<2x2x10240xf32, #tpu.memory_space<vmem>>, %arg1: memref<2x10240xf32, #tpu.memory_space<vmem>>) attributes {dimension_semantics = [], scalar_prefetch = 0 : i64, scratch_operands = 0 : i64, tpu.core_type = #tpu.core_type<tc>} {
    %get3A = arith.constant 0 : index
    %get3A_0 = arith.constant 0 : index
    %get3A_1 = arith.constant 0 : index
    %get3A_2 = vector.load %arg0[%get3A, %get3A_0, %get3A_1] : memref<2x2x10240xf32, #tpu.memory_space<vmem>>, vector<2x2x10240xf32>
    %slice3A = vector.extract_strided_slice %get3A_2 {offsets = [0, 0, 0], sizes = [1, 2, 10240], strides = [1, 1, 1]} : vector<2x2x10240xf32> to vector<1x2x10240xf32>
    %squeeze3A = vector.shape_cast %slice3A : vector<1x2x10240xf32> to vector<2x10240xf32>
    %slice3A_3 = vector.extract_strided_slice %get3A_2 {offsets = [1, 0, 0], sizes = [1, 2, 10240], strides = [1, 1, 1]} : vector<2x2x10240xf32> to vector<1x2x10240xf32>
    %squeeze3A_4 = vector.shape_cast %slice3A_3 : vector<1x2x10240xf32> to vector<2x10240xf32>
    %add3A = arith.addf %squeeze3A, %squeeze3A_4 : vector<2x10240xf32>
    %swap3A = arith.constant 0 : index
    %swap3A_5 = arith.constant 0 : index
    %swap3A_6 = vector.load %arg1[%swap3A, %swap3A_5] : memref<2x10240xf32, #tpu.memory_space<vmem>>, vector<2x10240xf32>
    tpu.vector_store %arg1[%swap3A, %swap3A_5], %add3A {strides = array<i32>} : memref<2x10240xf32, #tpu.memory_space<vmem>>, vector<2x10240xf32>,
    return
  }
}

module attributes {stable_mosaic.version = 14 : i64} {
  func.func @_proj_body(%arg0: memref<3000x256xf32, #tpu.memory_space<vmem>>, %arg1: memref<256x128xf32, #tpu.memory_space<vmem>>, %arg2: memref<1x128xf32, #tpu.memory_space<vmem>>, %arg3: memref<3000x128xf32, #tpu.memory_space<vmem>>) attributes {dimension_semantics = [], scalar_prefetch = 0 : i64, scratch_operands = 0 : i64, tpu.core_type = #tpu.core_type<tc>} {
    %get3A = arith.constant 0 : index
    %get3A_0 = arith.constant 0 : index
    %get3A_1 = vector.load %arg0[%get3A, %get3A_0] : memref<3000x256xf32, #tpu.memory_space<vmem>>, vector<3000x256xf32>
    %get3A_2 = arith.constant 0 : index
    %get3A_3 = arith.constant 0 : index
    %get3A_4 = vector.load %arg1[%get3A_2, %get3A_3] : memref<256x128xf32, #tpu.memory_space<vmem>>, vector<256x128xf32>
    %dot_general3A = arith.constant dense<0.000000e+00> : vector<3000x128xf32>
    %dot_general3A_5 = tpu.matmul %get3A_1, %get3A_4, %dot_general3A {dimension_numbers = #tpu.dot_dimension_numbers<[1], [0], [0], [1], [0, 0, 1, 1], [], []>, transpose_lhs_hint = false} : vector<3000x256xf32>, vector<256x128xf32>, vector<3000x128xf32> -> vector<3000x128xf32>
    %get3A_6 = arith.constant 0 : index
    %get3A_7 = arith.constant 0 : index
    %get3A_8 = vector.load %arg2[%get3A_6, %get3A_7] : memref<1x128xf32, #tpu.memory_space<vmem>>, vector<1x128xf32>
    %add3A = vector.broadcast %get3A_8 : vector<1x128xf32> to vector<3000x128xf32>
    %add3A_9 = arith.addf %dot_general3A_5, %add3A : vector<3000x128xf32>
    %swap3A = arith.constant 0 : index
    %swap3A_10 = arith.constant 0 : index
    %swap3A_11 = vector.load %arg3[%swap3A, %swap3A_10] : memref<3000x128xf32, #tpu.memory_space<vmem>>, vector<3000x128xf32>
    tpu.vector_store %arg3[%swap3A, %swap3A_10], %add3A_9 {strides = array<i32>} : memref<3000x128xf32, #tpu.memory_space<vmem>>, vector<3000x128xf32>,
    return
  }
}

module attributes {stable_mosaic.version = 14 : i64} {
  func.func @_gcat_body(%arg0: memref<4000x128xf32, #tpu.memory_space<vmem>>, %arg1: memref<3000x128xf32, #tpu.memory_space<vmem>>, %arg2: memref<3000x128xf32, #tpu.memory_space<vmem>>, %arg3: memref<10000x1xf32, #tpu.memory_space<vmem>>, %arg4: memref<10000x128xf32, #tpu.memory_space<vmem>>) attributes {dimension_semantics = [], scalar_prefetch = 0 : i64, scratch_operands = 0 : i64, tpu.core_type = #tpu.core_type<tc>} {
    %get3A = arith.constant 0 : index
    %get3A_0 = arith.constant 0 : index
    %get3A_1 = vector.load %arg3[%get3A, %get3A_0] : memref<10000x1xf32, #tpu.memory_space<vmem>>, vector<10000x1xf32>
    %max3A = arith.constant 1.000000e+00 : f32
    %max3A_2 = vector.broadcast %max3A : f32 to vector<10000x1xf32>
    %max3A_3 = arith.maximumf %get3A_1, %max3A_2 : vector<10000x1xf32>
    %rsqrt3A = math.rsqrt %max3A_3 : vector<10000x1xf32>
    %get3A_4 = arith.constant 0 : index
    %get3A_5 = arith.constant 0 : index
    %get3A_6 = vector.load %arg0[%get3A_4, %get3A_5] : memref<4000x128xf32, #tpu.memory_space<vmem>>, vector<4000x128xf32>
    %slice3A = vector.extract_strided_slice %rsqrt3A {offsets = [0, 0], sizes = [4000, 1], strides = [1, 1]} : vector<10000x1xf32> to vector<4000x1xf32>
    %mul3A = vector.broadcast %slice3A : vector<4000x1xf32> to vector<4000x128xf32>
    %mul3A_7 = arith.mulf %get3A_6, %mul3A : vector<4000x128xf32>
    %swap3A = arith.constant 0 : index
    %swap3A_8 = arith.constant 0 : index
    %swap3A_9 = vector.load %arg4[%swap3A, %swap3A_8] : memref<10000x128xf32, #tpu.memory_space<vmem>>, vector<4000x128xf32>
    tpu.vector_store %arg4[%swap3A, %swap3A_8], %mul3A_7 {strides = array<i32>} : memref<10000x128xf32, #tpu.memory_space<vmem>>, vector<4000x128xf32>,
    %get3A_10 = arith.constant 0 : index
    %get3A_11 = arith.constant 0 : index
    %get3A_12 = vector.load %arg1[%get3A_10, %get3A_11] : memref<3000x128xf32, #tpu.memory_space<vmem>>, vector<3000x128xf32>
    %slice3A_13 = vector.extract_strided_slice %rsqrt3A {offsets = [4000, 0], sizes = [3000, 1], strides = [1, 1]} : vector<10000x1xf32> to vector<3000x1xf32>
    %mul3A_14 = vector.broadcast %slice3A_13 : vector<3000x1xf32> to vector<3000x128xf32>
    %mul3A_15 = arith.mulf %get3A_12, %mul3A_14 : vector<3000x128xf32>
    %swap3A_16 = arith.constant 4000 : index
    %swap3A_17 = arith.constant 0 : index
    %swap3A_18 = vector.load %arg4[%swap3A_16, %swap3A_17] : memref<10000x128xf32, #tpu.memory_space<vmem>>, vector<3000x128xf32>
    tpu.vector_store %arg4[%swap3A_16, %swap3A_17], %mul3A_15 {strides = array<i32>} : memref<10000x128xf32, #tpu.memory_space<vmem>>, vector<3000x128xf32>,
    %get3A_19 = arith.constant 0 : index
    %get3A_20 = arith.constant 0 : index
    %get3A_21 = vector.load %arg2[%get3A_19, %get3A_20] : memref<3000x128xf32, #tpu.memory_space<vmem>>, vector<3000x128xf32>
    %slice3A_22 = vector.extract_strided_slice %rsqrt3A {offsets = [7000, 0], sizes = [3000, 1], strides = [1, 1]} : vector<10000x1xf32> to vector<3000x1xf32>
    %mul3A_23 = vector.broadcast %slice3A_22 : vector<3000x1xf32> to vector<3000x128xf32>
    %mul3A_24 = arith.mulf %get3A_21, %mul3A_23 : vector<3000x128xf32>
    %swap3A_25 = arith.constant 7000 : index
    %swap3A_26 = arith.constant 0 : index
    %swap3A_27 = vector.load %arg4[%swap3A_25, %swap3A_26] : memref<10000x128xf32, #tpu.memory_space<vmem>>, vector<3000x128xf32>
    tpu.vector_store %arg4[%swap3A_25, %swap3A_26], %mul3A_24 {strides = array<i32>} : memref<10000x128xf32, #tpu.memory_space<vmem>>, vector<3000x128xf32>,
    return
  }
}

module attributes {stable_mosaic.version = 14 : i64} {
  func.func @_rel_body(%arg0: i32, %arg1: memref<2x10000x128xf32, #tpu.memory_space<vmem>>, %arg2: memref<10000x1xf32, #tpu.memory_space<vmem>>, %arg3: memref<10000x1xf32, #tpu.memory_space<vmem>>, %arg4: memref<5x4xf32, #tpu.memory_space<vmem>>, %arg5: memref<4x128x128xf32, #tpu.memory_space<vmem>>, %arg6: memref<10000x128xf32, #tpu.memory_space<vmem>>, %arg7: memref<10000x128xf32, #tpu.memory_space<vmem>>) attributes {dimension_semantics = [#tpu.dimension_semantics<arbitrary>], iteration_bounds = array<i64: 5>, scalar_prefetch = 0 : i64, scratch_operands = 1 : i64, tpu.core_type = #tpu.core_type<tc>, window_params = [{pipeline_mode = #tpu.pipeline_mode<synchronous>, transform_indices = @transform_0, window_bounds = array<i64: 2, 10000, 128>}, {pipeline_mode = #tpu.pipeline_mode<synchronous>, transform_indices = @transform_1, window_bounds = array<i64: 10000, 1>}, {pipeline_mode = #tpu.pipeline_mode<synchronous>, transform_indices = @transform_2, window_bounds = array<i64: 10000, 1>}, {pipeline_mode = #tpu.pipeline_mode<synchronous>, transform_indices = @transform_3, window_bounds = array<i64: 5, 4>}, {pipeline_mode = #tpu.pipeline_mode<synchronous>, transform_indices = @transform_4, window_bounds = array<i64: 4, 128, 128>}, {transform_indices = @transform_5, window_bounds = array<i64: 10000, 128>}]} {
    %eq3A = arith.constant 0 : i32
    %eq3A_0 = arith.cmpi eq, %arg0, %eq3A : i32
    %convert_element_type3A = arith.extui %eq3A_0 : i1 to i32
    %cond3A = arith.constant 0 : i32
    %cond3A_1 = arith.cmpi ne, %convert_element_type3A, %cond3A : i32
    scf.if %cond3A_1 {
      %get3A_17 = arith.constant 0 : index
      %get3A_18 = arith.constant 0 : index
      %get3A_19 = vector.load %arg2[%get3A_17, %get3A_18] : memref<10000x1xf32, #tpu.memory_space<vmem>>, vector<10000x1xf32>
      %max3A = arith.constant 1.000000e+00 : f32
      %max3A_20 = vector.broadcast %max3A : f32 to vector<10000x1xf32>
      %max3A_21 = arith.maximumf %get3A_19, %max3A_20 : vector<10000x1xf32>
      %rsqrt3A = math.rsqrt %max3A_21 : vector<10000x1xf32>
      %get3A_22 = arith.constant 0 : index
      %get3A_23 = arith.constant 0 : index
      %get3A_24 = vector.load %arg3[%get3A_22, %get3A_23] : memref<10000x1xf32, #tpu.memory_space<vmem>>, vector<10000x1xf32>
      %max3A_25 = arith.constant 1.000000e+00 : f32
      %max3A_26 = vector.broadcast %max3A_25 : f32 to vector<10000x1xf32>
      %max3A_27 = arith.maximumf %get3A_24, %max3A_26 : vector<10000x1xf32>
      %rsqrt3A_28 = math.rsqrt %max3A_27 : vector<10000x1xf32>
      %get3A_29 = arith.constant 0 : index
      %get3A_30 = arith.constant 0 : index
      %get3A_31 = arith.constant 0 : index
      %get3A_32 = vector.load %arg1[%get3A_29, %get3A_30, %get3A_31] : memref<2x10000x128xf32, #tpu.memory_space<vmem>>, vector<1x10000x128xf32>
      %get3A_33 = vector.shape_cast %get3A_32 : vector<1x10000x128xf32> to vector<10000x128xf32>
      %get3A_34 = arith.constant 1 : index
      %get3A_35 = arith.constant 0 : index
      %get3A_36 = arith.constant 0 : index
      %get3A_37 = vector.load %arg1[%get3A_34, %get3A_35, %get3A_36] : memref<2x10000x128xf32, #tpu.memory_space<vmem>>, vector<1x10000x128xf32>
      %get3A_38 = vector.shape_cast %get3A_37 : vector<1x10000x128xf32> to vector<10000x128xf32>
      %add3A = arith.addf %get3A_33, %get3A_38 : vector<10000x128xf32>
      %mul3A = arith.mulf %rsqrt3A, %rsqrt3A_28 : vector<10000x1xf32>
      %mul3A_39 = vector.broadcast %mul3A : vector<10000x1xf32> to vector<10000x128xf32>
      %mul3A_40 = arith.mulf %add3A, %mul3A_39 : vector<10000x128xf32>
      %swap3A_41 = arith.constant 0 : index
      %swap3A_42 = arith.constant 0 : index
      %swap3A_43 = vector.load %arg7[%swap3A_41, %swap3A_42] : memref<10000x128xf32, #tpu.memory_space<vmem>>, vector<10000x128xf32>
      tpu.vector_store %arg7[%swap3A_41, %swap3A_42], %mul3A_40 {strides = array<i32>} : memref<10000x128xf32, #tpu.memory_space<vmem>>, vector<10000x128xf32>,
    } else {
    }
    %get3A = arith.constant 0 : index
    %get3A_2 = arith.constant 0 : index
    %get3A_3 = arith.constant 0 : index
    %get3A_4 = vector.load %arg5[%get3A, %get3A_2, %get3A_3] : memref<4x128x128xf32, #tpu.memory_space<vmem>>, vector<4x128x128xf32>
    %reshape3A = vector.shape_cast %get3A_4 : vector<4x128x128xf32> to vector<4x16384xf32>
    %get3A_5 = arith.index_cast %arg0 : i32 to index
    %get3A_6 = arith.constant 0 : index
    %get3A_7 = vector.load %arg4[%get3A_5, %get3A_6] : memref<5x4xf32, #tpu.memory_space<vmem>>, vector<1x4xf32>
    %dot_general3A = arith.constant dense<0.000000e+00> : vector<1x16384xf32>
    %dot_general3A_8 = tpu.matmul %get3A_7, %reshape3A, %dot_general3A {dimension_numbers = #tpu.dot_dimension_numbers<[1], [0], [0], [1], [0, 0, 1, 1], [], []>, transpose_lhs_hint = false} : vector<1x4xf32>, vector<4x16384xf32>, vector<1x16384xf32> -> vector<1x16384xf32>
    %reshape3A_9 = vector.shape_cast %dot_general3A_8 : vector<1x16384xf32> to vector<128x128xf32>
    %get3A_10 = arith.constant 0 : index
    %get3A_11 = arith.constant 0 : index
    %get3A_12 = vector.load %arg7[%get3A_10, %get3A_11] : memref<10000x128xf32, #tpu.memory_space<vmem>>, vector<10000x128xf32>
    %dot_general3A_13 = arith.constant dense<0.000000e+00> : vector<10000x128xf32>
    %dot_general3A_14 = tpu.matmul %get3A_12, %reshape3A_9, %dot_general3A_13 {dimension_numbers = #tpu.dot_dimension_numbers<[1], [0], [0], [1], [0, 0, 1, 1], [], []>, transpose_lhs_hint = false} : vector<10000x128xf32>, vector<128x128xf32>, vector<10000x128xf32> -> vector<10000x128xf32>
    %swap3A = arith.constant 0 : index
    %swap3A_15 = arith.constant 0 : index
    %swap3A_16 = vector.load %arg6[%swap3A, %swap3A_15] : memref<10000x128xf32, #tpu.memory_space<vmem>>, vector<10000x128xf32>
    tpu.vector_store %arg6[%swap3A, %swap3A_15], %dot_general3A_14 {strides = array<i32>} : memref<10000x128xf32, #tpu.memory_space<vmem>>, vector<10000x128xf32>,
    return
  }
  func.func @transform_0(%arg0: i32) -> (i32, i32, i32) {
    %c0_i32 = arith.constant 0 : i32
    %c0_i32_0 = arith.constant 0 : i32
    %c0_i32_1 = arith.constant 0 : i32
    %c0_i32_2 = arith.constant 0 : i32
    return %c0_i32, %c0_i32_0, %c0_i32_1 : i32, i32, i32
  }
  func.func @transform_1(%arg0: i32) -> (i32, i32) {
    %c0_i32 = arith.constant 0 : i32
    %c0_i32_0 = arith.constant 0 : i32
    %c0_i32_1 = arith.constant 0 : i32
    return %c0_i32, %c0_i32_0 : i32, i32
  }
  func.func @transform_2(%arg0: i32) -> (i32, i32) {
    %c0_i32 = arith.constant 0 : i32
    %c0_i32_0 = arith.constant 0 : i32
    %c0_i32_1 = arith.constant 0 : i32
    return %c0_i32, %c0_i32_0 : i32, i32
  }
  func.func @transform_3(%arg0: i32) -> (i32, i32) {
    %c0_i32 = arith.constant 0 : i32
    %c0_i32_0 = arith.constant 0 : i32
    %c0_i32_1 = arith.constant 0 : i32
    return %c0_i32, %c0_i32_0 : i32, i32
  }
  func.func @transform_4(%arg0: i32) -> (i32, i32, i32) {
    %c0_i32 = arith.constant 0 : i32
    %c0_i32_0 = arith.constant 0 : i32
    %c0_i32_1 = arith.constant 0 : i32
    %c0_i32_2 = arith.constant 0 : i32
    return %c0_i32, %c0_i32_0, %c0_i32_1 : i32, i32, i32
  }
  func.func @transform_5(%arg0: i32) -> (i32, i32) {
    %c0_i32 = arith.constant 0 : i32
    %c0_i32_0 = arith.constant 0 : i32
    return %arg0, %c0_i32 : i32, i32
  }
}

module attributes {stable_mosaic.version = 14 : i64} {
  func.func @_relu_body(%arg0: memref<2x10000x128xf32, #tpu.memory_space<vmem>>, %arg1: memref<10000x1xf32, #tpu.memory_space<vmem>>, %arg2: memref<10000x1xf32, #tpu.memory_space<vmem>>, %arg3: memref<1x128xf32, #tpu.memory_space<vmem>>, %arg4: memref<10000x128xf32, #tpu.memory_space<vmem>>) attributes {dimension_semantics = [], scalar_prefetch = 0 : i64, scratch_operands = 0 : i64, tpu.core_type = #tpu.core_type<tc>} {
    %get3A = arith.constant 0 : index
    %get3A_0 = arith.constant 0 : index
    %get3A_1 = vector.load %arg1[%get3A, %get3A_0] : memref<10000x1xf32, #tpu.memory_space<vmem>>, vector<10000x1xf32>
    %max3A = arith.constant 1.000000e+00 : f32
    %max3A_2 = vector.broadcast %max3A : f32 to vector<10000x1xf32>
    %max3A_3 = arith.maximumf %get3A_1, %max3A_2 : vector<10000x1xf32>
    %rsqrt3A = math.rsqrt %max3A_3 : vector<10000x1xf32>
    %get3A_4 = arith.constant 0 : index
    %get3A_5 = arith.constant 0 : index
    %get3A_6 = vector.load %arg2[%get3A_4, %get3A_5] : memref<10000x1xf32, #tpu.memory_space<vmem>>, vector<10000x1xf32>
    %max3A_7 = arith.constant 1.000000e+00 : f32
    %max3A_8 = vector.broadcast %max3A_7 : f32 to vector<10000x1xf32>
    %max3A_9 = arith.maximumf %get3A_6, %max3A_8 : vector<10000x1xf32>
    %rsqrt3A_10 = math.rsqrt %max3A_9 : vector<10000x1xf32>
    %get3A_11 = arith.constant 0 : index
    %get3A_12 = arith.constant 0 : index
    %get3A_13 = arith.constant 0 : index
    %get3A_14 = vector.load %arg0[%get3A_11, %get3A_12, %get3A_13] : memref<2x10000x128xf32, #tpu.memory_space<vmem>>, vector<1x10000x128xf32>
    %get3A_15 = vector.shape_cast %get3A_14 : vector<1x10000x128xf32> to vector<10000x128xf32>
    %get3A_16 = arith.constant 1 : index
    %get3A_17 = arith.constant 0 : index
    %get3A_18 = arith.constant 0 : index
    %get3A_19 = vector.load %arg0[%get3A_16, %get3A_17, %get3A_18] : memref<2x10000x128xf32, #tpu.memory_space<vmem>>, vector<1x10000x128xf32>
    %get3A_20 = vector.shape_cast %get3A_19 : vector<1x10000x128xf32> to vector<10000x128xf32>
    %add3A = arith.addf %get3A_15, %get3A_20 : vector<10000x128xf32>
    %mul3A = vector.broadcast %rsqrt3A_10 : vector<10000x1xf32> to vector<10000x128xf32>
    %mul3A_21 = arith.mulf %mul3A, %add3A : vector<10000x128xf32>
    %get3A_22 = arith.constant 0 : index
    %get3A_23 = arith.constant 0 : index
    %get3A_24 = vector.load %arg3[%get3A_22, %get3A_23] : memref<1x128xf32, #tpu.memory_space<vmem>>, vector<1x128xf32>
    %add3A_25 = vector.broadcast %get3A_24 : vector<1x128xf32> to vector<10000x128xf32>
    %add3A_26 = arith.addf %mul3A_21, %add3A_25 : vector<10000x128xf32>
    %max3A_27 = arith.constant 0.000000e+00 : f32
    %max3A_28 = vector.broadcast %max3A_27 : f32 to vector<10000x128xf32>
    %max3A_29 = arith.maximumf %add3A_26, %max3A_28 : vector<10000x128xf32>
    %mul3A_30 = vector.broadcast %rsqrt3A : vector<10000x1xf32> to vector<10000x128xf32>
    %mul3A_31 = arith.mulf %mul3A_30, %max3A_29 : vector<10000x128xf32>
    %swap3A = arith.constant 0 : index
    %swap3A_32 = arith.constant 0 : index
    %swap3A_33 = vector.load %arg4[%swap3A, %swap3A_32] : memref<10000x128xf32, #tpu.memory_space<vmem>>, vector<10000x128xf32>
    tpu.vector_store %arg4[%swap3A, %swap3A_32], %mul3A_31 {strides = array<i32>} : memref<10000x128xf32, #tpu.memory_space<vmem>>, vector<10000x128xf32>,
    return
  }
}

module attributes {stable_mosaic.version = 14 : i64} {
  func.func @_out_body(%arg0: memref<2x10000x128xf32, #tpu.memory_space<vmem>>, %arg1: memref<10000x1xf32, #tpu.memory_space<vmem>>, %arg2: memref<128x16xf32, #tpu.memory_space<vmem>>, %arg3: memref<1x16xf32, #tpu.memory_space<vmem>>, %arg4: memref<10000x16xf32, #tpu.memory_space<vmem>>, %arg5: memref<10000x128xf32, #tpu.memory_space<vmem>>) attributes {dimension_semantics = [], scalar_prefetch = 0 : i64, scratch_operands = 0 : i64, tpu.core_type = #tpu.core_type<tc>} {
    %get3A = arith.constant 0 : index
    %get3A_0 = arith.constant 0 : index
    %get3A_1 = vector.load %arg1[%get3A, %get3A_0] : memref<10000x1xf32, #tpu.memory_space<vmem>>, vector<10000x1xf32>
    %max3A = arith.constant 1.000000e+00 : f32
    %max3A_2 = vector.broadcast %max3A : f32 to vector<10000x1xf32>
    %max3A_3 = arith.maximumf %get3A_1, %max3A_2 : vector<10000x1xf32>
    %rsqrt3A = math.rsqrt %max3A_3 : vector<10000x1xf32>
    %get3A_4 = arith.constant 0 : index
    %get3A_5 = arith.constant 0 : index
    %get3A_6 = arith.constant 0 : index
    %get3A_7 = vector.load %arg0[%get3A_4, %get3A_5, %get3A_6] : memref<2x10000x128xf32, #tpu.memory_space<vmem>>, vector<1x10000x128xf32>
    %get3A_8 = vector.shape_cast %get3A_7 : vector<1x10000x128xf32> to vector<10000x128xf32>
    %get3A_9 = arith.constant 1 : index
    %get3A_10 = arith.constant 0 : index
    %get3A_11 = arith.constant 0 : index
    %get3A_12 = vector.load %arg0[%get3A_9, %get3A_10, %get3A_11] : memref<2x10000x128xf32, #tpu.memory_space<vmem>>, vector<1x10000x128xf32>
    %get3A_13 = vector.shape_cast %get3A_12 : vector<1x10000x128xf32> to vector<10000x128xf32>
    %add3A = arith.addf %get3A_8, %get3A_13 : vector<10000x128xf32>
    %mul3A = vector.broadcast %rsqrt3A : vector<10000x1xf32> to vector<10000x128xf32>
    %mul3A_14 = arith.mulf %add3A, %mul3A : vector<10000x128xf32>
    %swap3A = arith.constant 0 : index
    %swap3A_15 = arith.constant 0 : index
    %swap3A_16 = vector.load %arg5[%swap3A, %swap3A_15] : memref<10000x128xf32, #tpu.memory_space<vmem>>, vector<10000x128xf32>
    tpu.vector_store %arg5[%swap3A, %swap3A_15], %mul3A_14 {strides = array<i32>} : memref<10000x128xf32, #tpu.memory_space<vmem>>, vector<10000x128xf32>,
    %get3A_17 = arith.constant 0 : index
    %get3A_18 = arith.constant 0 : index
    %get3A_19 = vector.load %arg2[%get3A_17, %get3A_18] : memref<128x16xf32, #tpu.memory_space<vmem>>, vector<128x16xf32>
    %dot_general3A = arith.constant dense<0.000000e+00> : vector<10000x16xf32>
    %dot_general3A_20 = tpu.matmul %mul3A_14, %get3A_19, %dot_general3A {dimension_numbers = #tpu.dot_dimension_numbers<[1], [0], [0], [1], [0, 0, 1, 1], [], []>, transpose_lhs_hint = false} : vector<10000x128xf32>, vector<128x16xf32>, vector<10000x16xf32> -> vector<10000x16xf32>
    %get3A_21 = arith.constant 0 : index
    %get3A_22 = arith.constant 0 : index
    %get3A_23 = vector.load %arg3[%get3A_21, %get3A_22] : memref<1x16xf32, #tpu.memory_space<vmem>>, vector<1x16xf32>
    %add3A_24 = vector.broadcast %get3A_23 : vector<1x16xf32> to vector<10000x16xf32>
    %add3A_25 = arith.addf %dot_general3A_20, %add3A_24 : vector<10000x16xf32>
    %swap3A_26 = arith.constant 0 : index
    %swap3A_27 = arith.constant 0 : index
    %swap3A_28 = vector.load %arg4[%swap3A_26, %swap3A_27] : memref<10000x16xf32, #tpu.memory_space<vmem>>, vector<10000x16xf32>
    tpu.vector_store %arg4[%swap3A_26, %swap3A_27], %add3A_25 {strides = array<i32>} : memref<10000x16xf32, #tpu.memory_space<vmem>>, vector<10000x16xf32>,
    return
  }
}

</mosaic_0001>

<sc_bundles>
// kernel: kernel.14.cloned.1.call-start
scs
__scs_entry_jumppad:
0x0: {  	(pc) =	sbr.rel $0x88, $3  }
0x1: {  	(tag) =	ssettag $0x0;
	lr =	simm.s32 $0x1  }
0x2: {  	[smem:$0x3F90] =	sst lr;
	_ =	strace $0xD0000000  }
0x3: {  	_ = 	snop  }
0x4: {  	_ = 	snop  }
0x5: {  	_ = 	snop  }
0x6: {  	_ = 	snop  }
0x7: {  	_ = 	snop  }
__scs_overlays_trampoline_lowered:
0x8: {  	[smem:$0x3F9F] =	sst s0  }
0x9: {  	[smem:$0x3FA0] =	sst s1  }
0xa: {  	[smem:$0x3FA1] =	sst s2  }
0xb: {  	[smem:$0x3FA2] =	sst s3  }
0xc: {  	[smem:$0x3FA3] =	sst s4  }
0xd: {  	[smem:$0x3FA4] =	sst s5  }
0xe: {  	[smem:$0x3FA5] =	sst s6  }
0xf: {  	[smem:$0x3FA6] =	sst s7  }
0x10: {  	[smem:$0x3FA7] =	sst s8  }
0x11: {  	[smem:$0x3FA8] =	sst s9;
	s0 =	simm.s32 @!p0 $0x0  }
0x12: {  	s1 =	sld [smem:$0x3F8E];
	s0 =	simm.s32 @p0 $0x1  }
0x13: {  	[smem:$0x3FA9] =	sst s0;
	s0 =	simm.s32 @!p1 $0x0  }
0x14: {  	s2 =	sld [smem:$0x3F8D];
	s0 =	simm.s32 @p1 $0x1  }
0x15: {  	[smem:$0x3FAA] =	sst s0;
	s0 =	simm.s32 @!p2 $0x0  }
0x16: {  	s3 =	sld [smem:$0x3FDB];
	s0 =	simm.s32 @p2 $0x1  }
0x17: {  	s4 =	simm.s32 $0x1BF5;
	[smem:$0x3FAC] =	sst s0  }
0x18: {  	s0 =	sld [smem:$0x3F8F];
	_ =	swait.ge [sflag:s4], $0x0  }
0x19: {  	s7 =	sld [smem:$0x3F90]  }
0x1a: {  	s8 =	sadd.s32 $0xFFFFE003, lr  }
0x1b: {  	s9 =	sadd.s32 $0xFFFFFEF7, lr;
	s5 =	simm.s32 $0xFFFFFFFF;
	p2 =	slt.u32 s8, $0xFFFFF086  }
0x1c: {  	p1 =	slt.u32 s9, $0xF7A;
	s5 =	simm.s32 @!p2 $0x0  }
0x1d: {  	s5 =	simm.s32 @p1 $0x1;
	p0 =	seq.s32 s7, s2  }
0x1e: {  	s7 =	smul.u32 @!p0 $0xF7A, s2;
	p2 =	seq.s32 @!p0 s5, $0x0  }
0x1f: {  	s9 =	smul.u32 $0xF7A, s1;
	s8 =	simm.s32 @!p0 $0x1BF5;
	p2 =	por !p2, p0  }
0x20: {  	[sflag:s8] =	ssyncset.s32 @!p0 $0xFFFFF086;
	s6 =	sadd.s32 @!p0 s3, s7;
	s7 =	simm.s32 @!p0 $0x108  }
0x21: {  	s3 =	sadd.s32 s3, s9;
	s6 =	sadd.s32 @!p0 $0x88, s6;
	s7 =	simm.s32 @p2 $0x1082  }
0x22: {  	[simem:s7], [sflag:s8] =	dma.local @!p0 [hbm:s6], $0xF7A  }
0x23: {  	s9 =	sor.u32 $0xD0000000, s2;
	s6 =	simm.s32 $0x108;
	_ =	swait.ge @!p0 [sflag:s8], $0x0  }
0x24: {  	s3 =	sadd.s32 $0x88, s3;
	s6 =	simm.s32 @!p1 $0x1082;
	[sflag:s4] =	ssyncset.s32 $0xFFFFF086  }
0x25: {  	[simem:s6], [sflag:s4] =	dma.local [hbm:s3], $0xF7A  }
0x26: {  	[smem:$0x3F90] =	sst s1;
	(tag) =	ssettag s2;
	_ =	strace s9  }
0x27: {  	s1 =	sld [smem:$0x3FA0]  }
0x28: {  	s2 =	sld [smem:$0x3FA1]  }
0x29: {  	s4 =	sld [smem:$0x3FA3]  }
0x2a: {  	p0 =	seq.s32 s5, $0x0;
	s5 =	sld [smem:$0x3FA4]  }
0x2b: {  	s6 =	sld [smem:$0x3FA5]  }
0x2c: {  	s7 =	sld [smem:$0x3FA6]  }
0x2d: {  	s3 =	simm.s32 $0x108;
	s8 =	sld [smem:$0x3FA7]  }
0x2e: {  	s3 =	simm.s32 @!p0 $0x1082;
	s9 =	sld [smem:$0x3FA8]  }
0x2f: {  	lr =	sadd.s32 s0, s3;
	s0 =	sld [smem:$0x3F9F]  }
0x30: {  	s3 =	sld [smem:$0x3FA2]  }
0x31: {  	[smem:$0x3FAB] =	sst s10  }
0x32: {  	s10 =	sld [smem:$0x3FA9];
	_ =	sdelay $0x3  }
0x33: {  	p0 =	seq.s32 s10, $0x1;
	s10 =	sld [smem:$0x3FAB];
	_ =	sdelay $0x3  }
0x34: {  	[smem:$0x3FAB] =	sst s10  }
0x35: {  	s10 =	sld [smem:$0x3FAA];
	_ =	sdelay $0x3  }
0x36: {  	p1 =	seq.s32 s10, $0x1;
	s10 =	sld [smem:$0x3FAB];
	_ =	sdelay $0x3  }
0x37: {  	[smem:$0x3FAB] =	sst s10  }
0x38: {  	s10 =	sld [smem:$0x3FAC]  }
0x39: {  	_ = 	snop;
	(pc) =	sbr.ind lr, $3  }
0x3a: {  	_ = 	snop  }
0x3b: {  	_ = 	snop  }
0x3c: {  	p2 =	seq.s32 s10, $0x1;
	s10 =	sld [smem:$0x3FAB]  }
0x3d: {  	_ =	shalt  }
0x3e: {  	_ =	shalt  }
0x3f: {  	_ =	shalt  }
0x40: {  	_ =	shalt  }
0x41: {  	_ =	shalt  }
0x42: {  	_ =	shalt  }
0x43: {  	_ =	shalt  }
0x44: {  	_ =	shalt  }
0x45: {  	_ =	shalt  }
0x46: {  	_ =	shalt  }
0x47: {  	_ =	shalt  }
0x48: {  	_ =	shalt  }
0x49: {  	_ =	shalt  }
0x4a: {  	_ =	shalt  }
0x4b: {  	_ =	shalt  }
0x4c: {  	_ =	shalt  }
0x4d: {  	_ =	shalt  }
0x4e: {  	_ =	shalt  }
0x4f: {  	_ =	shalt  }
0x50: {  	_ =	shalt  }
0x51: {  	_ =	shalt  }
0x52: {  	_ =	shalt  }
0x53: {  	_ =	shalt  }
0x54: {  	_ =	shalt  }
0x55: {  	_ =	shalt  }
0x56: {  	_ =	shalt  }
0x57: {  	_ =	shalt  }
0x58: {  	_ =	shalt  }
0x59: {  	_ =	shalt  }
0x5a: {  	_ =	shalt  }
0x5b: {  	_ =	shalt  }
0x5c: {  	_ =	shalt  }
0x5d: {  	_ =	shalt  }
0x5e: {  	_ =	shalt  }
0x5f: {  	_ =	shalt  }
0x60: {  	_ =	shalt  }
0x61: {  	_ =	shalt  }
0x62: {  	_ =	shalt  }
0x63: {  	_ =	shalt  }
0x64: {  	_ =	shalt  }
0x65: {  	_ =	shalt  }
0x66: {  	_ =	shalt  }
0x67: {  	_ =	shalt  }
0x68: {  	_ =	shalt  }
0x69: {  	_ =	shalt  }
0x6a: {  	_ =	shalt  }
0x6b: {  	_ =	shalt  }
0x6c: {  	_ =	shalt  }
0x6d: {  	_ =	shalt  }
0x6e: {  	_ =	shalt  }
0x6f: {  	_ =	shalt  }
0x70: {  	_ =	shalt  }
0x71: {  	_ =	shalt  }
0x72: {  	_ =	shalt  }
0x73: {  	_ =	shalt  }
0x74: {  	_ =	shalt  }
0x75: {  	_ =	shalt  }
0x76: {  	_ =	shalt  }
0x77: {  	_ =	shalt  }
0x78: {  	_ =	shalt  }
0x79: {  	_ =	shalt  }
0x7a: {  	_ =	shalt  }
0x7b: {  	_ =	shalt  }
0x7c: {  	_ =	shalt  }
0x7d: {  	_ =	shalt  }
0x7e: {  	_ =	shalt  }
0x7f: {  	_ =	shalt  }
0x80: {  	_ =	shalt  }
0x81: {  	_ =	shalt  }
0x82: {  	_ =	shalt  }
0x83: {  	_ =	shalt  }
0x84: {  	_ =	shalt  }
0x85: {  	_ =	shalt  }
0x86: {  	_ =	shalt  }
0x87: {  	_ =	shalt  }
.Lfunc_end0:
.L_simem_size_0:
called_computation_lowered:
.L_overlay_start_0:
0x88: {  	s2 =	sld [smem:$0x3FD9]  }
0x89: {  	s3 =	sld [smem:$0x3FFE];
	_ =	sdelay $0x1  }
0x8a: {  	s1 =	srdreg.scid  }
0x8b: {  	s0 =	sand.u32 $0x1, s1  }
0x8c: {  	s14 =	sshll.u32 s0, $0xA;
	s2 =	sadd.s32 s3, s2  }
0x8d: {  	s2 =	sadd.s32 s2, s14  }
0x8e: {  	[smem:$0x3FB7] =	sst s2  }
0x8f: {  	_ = 	snop  }
0x90: {  	s2 =	sld [smem:$0x3FD0];
	_ =	sdelay $0x2  }
0x91: {  	s15 =	simm.s32 $0xA;
	s4 =	simm.s32 $0x10  }
0x92: {  	[smem:s4], [sflag:s15] =	dma.local [hbm:s2], $0x1  }
0x93: {  	_ =	swait.eq [sflag:s15], $0x1  }
0x94: {  	[sflag:s15] =	ssyncset.done $0x0  }
0x95: {  	s16 =	sld [smem:$0x10];
	[sflag:s15] =	ssyncadd.s32 $0xFFFFFFFF  }
0x96: {  	s17 =	sld [smem:$0x11];
	(tm) =	ssettm $0x1  }
0x97: {  	s18 =	sld [smem:$0x3FFB];
	_ =	sdelay $0x3  }
0x98: {  	_ =	strace s18  }
0x99: {  	s4 =	sld [smem:$0x3FFC];
	_ =	sdelay $0x3  }
0x9a: {  	_ =	strace s4  }
0x9b: {  	s4 =	sld [smem:$0x3FFD];
	_ =	sdelay $0x3  }
0x9c: {  	_ =	strace s4  }
0x9d: {  	_ =	strace $0x8FFFFFFF  }
0x9e: {  	s19 =	sld [smem:$0x3FDB];
	_ =	sdelay $0x1  }
0x9f: {  	s5 =	simm.s32 $_scs_section_size  }
0xa0: {  	s6 =	simm.s32 $_size__tile_overlayer_lowered;
	s7 =	simm.s32 $_tile_overlayer_lowered  }
0xa1: {  	s22 =	simm.s32 $0x1BFF;
	s21 =	sshll.u32 s7, $0x1;
	s4 =	sadd.s32 s5, s19  }
0xa2: {  	s8 =	simm.s32 $0x0;
	s20 =	sshll.u32 s6, $0x1;
	s6 =	sadd.s32 s21, s4  }
0xa3: {  	[timem:s8], [sflag:s22] =	dma.local [hbm:s6], s20  }
0xa4: {  	_ =	swait.ge [sflag:s22], s20  }
0xa5: {  	s5 =	ssub.s32 $0x0, s20;
	[sflag:s22] =	ssyncset.done $0x0  }
0xa6: {  	[sflag:s22] =	ssyncadd.s32 s5;
	_ =	sdelay $0x1  }
0xa7: {  	s23 =	simm.s32 $0x1B8B  }
0xa8: {  	_ =	swait.ge [sflag:s23], $0x1  }
0xa9: {  	[sflag:s23] =	ssyncset.done $0x0  }
0xaa: {  	s25 =	simm.s32 $0x1B8E;
	s24 =	sld [smem:$0x3FFE];
	[sflag:s23] =	ssyncadd.s32 $0xFFFFFFFF  }
0xab: {  	s26 =	simm.s32 $execute0_lowered;
	[smem:$0x3FD2] =	sst s25  }
0xac: {  	s6 =	sshll.u32 s26, $0x1;
	_ =	strace $0x80000046;
	[dreg:$0x1] =	wrdreg $0xFFFFFFFF  }
0xad: {  	s28 =	simm.s32 $_size_execute0_lowered;
	s4 =	sadd.s32 s4, s6;
	[dreg:$0x0] =	wrdreg $0x0  }
0xae: {  	s6 =	sshll.u32 s28, $0x1;
	[dreg:$0x2] =	wrdreg s4  }
0xaf: {  	[dreg:$0x3] =	wrdreg s6  }
0xb0: {  	[dreg:$0x4] =	wrdreg $0xC0  }
0xb1: {  	_ =	task [dreg:s8], $0x5FFFF  }
0xb2: {  	[dreg:$0x1] =	wrdreg $0xFFFFFFFF  }
0xb3: {  	[dreg:$0x0] =	wrdreg $0x60  }
0xb4: {  	[dreg:$0x2] =	wrdreg s24  }
0xb5: {  	[dreg:$0x3] =	wrdreg s17  }
0xb6: {  	[dreg:$0x4] =	wrdreg s16  }
0xb7: {  	[dreg:$0x5] =	wrdreg $0x2B000  }
0xb8: {  	[dreg:$0x6] =	wrdreg $0x2D800  }
0xb9: {  	[dreg:$0x7] =	wrdreg $0x9  }
0xba: {  	_ =	task.clear_ibuf [dreg:s8], $0x8FFFF;
	_ =	strace $0x90000046  }
0xbb: {  	s29 =	simm.s32 $0x9;
	_ =	strace $0x80000048  }
0xbc: {  	_ =	swait.ge [sflag:s29], $0x1  }
0xbd: {  	[sflag:s29] =	ssyncadd.s32 $0xFFFFFFFF  }
0xbe: {  	_ =	strace $0x90000048  }
0xbf: {  	_ =	sfence  }
0xc0: {  	s30 =	sld [smem:$0x0];
	_ =	sdelay $0x2  }
0xc1: {  	s31 =	sshll.u32 s1, $0xD;
	s1 =	sshrl.u32 s1, $0x2  }
0xc2: {  	s3 =	sand.u32 $0x4000, s31;
	s1 =	sadd.s32 s1, s30  }
0xc3: {  	s0 =	sor.u32 s3, s0;
	s1 =	sshll.u32 s1, $0x11  }
0xc4: {  	s0 =	sor.u32 s1, s0  }
0xc5: {  	s0 =	sadd.s32 $0x8F2B, s0  }
0xc6: {  	[sflag:s0] =	ssyncadd.remote.s32 $0x1  }
0xc7: {  	_ =	sfence.sel $0xFFFF  }
0xc8: {  	[dreg:$0x0] =	wrdreg $0xFFFFFFFF;
	(pc) =	sbr.abs _section_cstart, $3  }
0xc9: {  	[dreg:$0x1] =	wrdreg $0xFFFFFFFF  }
0xca: {  	_ =	task.clear_ibuf [dreg:s8], $0x2FFFF;
	_ =	strace $0x9FFFFFFF  }
0xcb: {  	(tm) =	ssettm $0x7FFFFFFF  }
tec
execute0_lowered:
.L_overlay_start_1:
0x0: {  	(tag) =	ssettag $0x1  }
0x1: {  	s6 =	rddreg [dreg:$0x0]  }
0x2: {  	s1 =	rddreg [dreg:$0x1]  }
0x3: {  	s9 =	rddreg [dreg:$0x2]  }
0x4: {  	s2 =	srdreg.scid;
	s3 =	rddreg [dreg:$0x3]  }
0x5: {  	s0 =	stileid.u32;
	s4 =	rddreg [dreg:$0x4];
	s5 =	simm.s32 $0x0  }
0x6: {  	s15 =	simm.s32 $0x1;
	s16 =	simm.s32 $0x2880;
	s18 =	simm.s32 $0x20  }
0x7: {  	s19 =	simm.s32 $0x10;
	s20 =	simm.s32 $0x0;
	s7 =	sand.u32 $0x1, s2  }
0x8: {  	s26 =	sshll.u32 s0, $0x1;
	s2 =	rddreg [dreg:$0x5];
	s12 =	smul.u32 $0x500, s0  }
0x9: {  	[smem:$0x7FF] =	sst s5;
	s29 =	smul.u32 $0x280, s0;
	s17 =	sshll.u32 s0, $0x6  }
0xa: {  	s8 =	sor.u32 s7, s26;
	s11 =	smul.u32 $0x5000, s7;
	_ =	strace $0x80000047  }
0xb: {  	s28 =	ssub.s32 $0x2, s7;
	s17 =	sor.u32 $0x1C01, s17;
	s10 =	smul.u32 $0x280, s8  }
0xc: {  	s30 =	sshrl.u32 s28, $0x1;
	s8 =	smul.u32 $0xFFFFFFD8, s8;
	s7 =	sadd.s32 s29, s4  }
0xd: {  	s11 =	sadd.s32 s12, s11;
	s14 =	ssub.s32 s28, s30;
	s13 =	sadd.s32 s10, s6  }
0xe: {  	s6 =	sadd.s32 s29, s3;
	s31 =	sshrl.u32 s11, $0x3;
	s8 =	sadd.s32 $0x4E2, s8  }
0xf: {  	s9 =	sadd.s32 s9, s31;
	s10 =	sadd.s32 $0x8C00, s13;
	s11 =	sadd.s32 $0xDC00, s13  }
0x10: {  	v0 =	vimm.f32 $0.0e+00;
	s13 =	smax.u32 s14, $0x1;
	s14 =	simm.s32 $0x2800;
	s12 =	sadd.s32 $0x10, s9  }
.LBB2_1:
0x11: {  	[tilespmem:s14], [sflag:$0x1] =	stream.linear.gather [hbm4b:s1+s5], $0x80, $0x38;
	[tilespmem:$0x3000] =	vst v63  }
0x12: {  	_ =	swait.ge [sflag:s15], $0x80  }
0x13: {  	[sflag:s15] =	ssyncset.done $0x0  }
0x14: {  	[sflag:s15] =	ssyncadd.s32 $0xFFFFFF80  }
0x15: {  	[tilespmem:$0x2880] =	vst v0  }
0x16: {  	[tilespmem:$0x2890] =	vst v0  }
0x17: {  	[tilespmem:$0x28A0] =	vst v0  }
0x18: {  	[tilespmem:$0x28B0] =	vst v0  }
0x19: {  	[tilespmem:$0x28C0] =	vst v0  }
0x1a: {  	[tilespmem:$0x28D0] =	vst v0  }
0x1b: {  	[tilespmem:$0x28E0] =	vst v0  }
0x1c: {  	[tilespmem:$0x28F0] =	vst v0  }
0x1d: {  	[tilespmem:$0x2900] =	vst v0  }
0x1e: {  	[tilespmem:$0x2910] =	vst v0  }
0x1f: {  	[tilespmem:$0x2920] =	vst v0  }
0x20: {  	[tilespmem:$0x2930] =	vst v0  }
0x21: {  	[tilespmem:$0x2940] =	vst v0  }
0x22: {  	[tilespmem:$0x2950] =	vst v0  }
0x23: {  	[tilespmem:$0x2960] =	vst v0  }
0x24: {  	[tilespmem:$0x2970] =	vst v0  }
0x25: {  	[tilespmem:$0x2980] =	vst v0  }
0x26: {  	[tilespmem:$0x2990] =	vst v0  }
0x27: {  	[tilespmem:$0x29A0] =	vst v0  }
0x28: {  	[tilespmem:$0x29B0] =	vst v0  }
0x29: {  	[tilespmem:$0x29C0] =	vst v0  }
0x2a: {  	[tilespmem:$0x29D0] =	vst v0  }
0x2b: {  	[tilespmem:$0x29E0] =	vst v0  }
0x2c: {  	[tilespmem:$0x29F0] =	vst v0  }
0x2d: {  	[tilespmem:$0x2A00] =	vst v0  }
0x2e: {  	[tilespmem:$0x2A10] =	vst v0  }
0x2f: {  	[tilespmem:$0x2A20] =	vst v0  }
0x30: {  	[tilespmem:$0x2A30] =	vst v0  }
0x31: {  	[tilespmem:$0x2A40] =	vst v0  }
0x32: {  	[tilespmem:$0x2A50] =	vst v0  }
0x33: {  	[tilespmem:$0x2A60] =	vst v0  }
0x34: {  	[tilespmem:$0x2A70] =	vst v0  }
0x35: {  	[tilespmem:$0x2A80] =	vst v0  }
0x36: {  	[tilespmem:$0x2A90] =	vst v0  }
0x37: {  	[tilespmem:$0x2AA0] =	vst v0  }
0x38: {  	[tilespmem:$0x2AB0] =	vst v0  }
0x39: {  	[tilespmem:$0x2AC0] =	vst v0  }
0x3a: {  	[tilespmem:$0x2AD0] =	vst v0  }
0x3b: {  	[tilespmem:$0x2AE0] =	vst v0  }
0x3c: {  	[tilespmem:$0x2AF0] =	vst v0  }
0x3d: {  	[spmem:s6] =	stream.linear.scatter [tilespmem:s16], [sflag:$0x1], $0x280, $0x38;
	[tilespmem:$0x3000] =	vst v63  }
0x3e: {  	_ =	swait.ge [sflag:s15], $0x280  }
0x3f: {  	[sflag:s15] =	ssyncset.done $0x0  }
0x40: {  	[sflag:s15] =	ssyncadd.s32 $0xFFFFFD80  }
0x41: {  	[spmem:s7] =	stream.linear.scatter [tilespmem:s16], [sflag:$0x1], $0x280, $0x38;
	[tilespmem:$0x3000] =	vst v63  }
0x42: {  	_ =	swait.ge [sflag:s15], $0x280  }
0x43: {  	[sflag:s15] =	ssyncset.done $0x0  }
0x44: {  	[sflag:s15] =	ssyncadd.s32 $0xFFFFFD80  }
0x45: {  	[bflag:$0x0] =	sbarrier.arrive $0xFFFF  }
0x46: {  	[tilespmem:s5], [sflag:$0x1] =	stream.linear.gather [hbm4b:s10+s5], $0x1400, $0x38;
	[tilespmem:$0x3000] =	vst v63  }
0x47: {  	_ =	swait.ge [sflag:s15], $0x1400  }
0x48: {  	[sflag:s15] =	ssyncset.done $0x0  }
0x49: {  	s21 =	simm.s32 $0x1400;
	[sflag:s15] =	ssyncadd.s32 $0xFFFFEC00  }
0x4a: {  	[tilespmem:s21], [sflag:$0x1] =	stream.linear.gather [hbm4b:s11+s5], $0x1400, $0x38;
	[tilespmem:$0x3000] =	vst v63  }
0x4b: {  	p0 =	sle.u32 s8, $0x0;
	_ =	swait.ge [sflag:s15], $0x1400  }
0x4c: {  	s22 =	simm.s32 @!p0 $0x80;
	[sflag:s15] =	ssyncset.done $0x0  }
0x4d: {  	s23 =	simm.s32 @!p0 $0x2800;
	s24 =	simm.s32 @!p0 $0x2;
	[sflag:s15] =	ssyncadd.s32 $0xFFFFEC00  }
0x4e: {  	[spmem:s3] =	stream.indirect.scatter.add.f32 @!p0 [tilespmem:s23], [sflag:$0x2], $0x1, s5, s22, $0xb8;
	[tilespmem:$0x3000] =	vst v63  }
0x4f: {  	_ =	swait.ge @!p0 [sflag:s24], $0x80  }
0x50: {  	[sflag:s24] =	ssyncset.done @!p0 $0x0;
	p0 =	por p0, p0  }
0x51: {  	[sflag:s24] =	ssyncadd.s32 @!p0 $0xFFFFFF80  }
0x52: {  	[spmem:s4] =	stream.indirect.scatter.add.f32 @!p0 [tilespmem:s23], [sflag:$0x1], $0x1, s21, s22, $0xb8;
	[tilespmem:$0x3000] =	vst v63  }
0x53: {  	p1 =	sle.u32 s8, $0x1;
	s24 =	simm.s32 @!p0 $0x1;
	s23 =	simm.s32 $0x2  }
0x54: {  	s21 =	simm.s32 $0x1480;
	s22 =	simm.s32 $0x80;
	_ =	swait.ge @!p0 [sflag:s24], $0x80  }
.LBB2_2:
0x55: {  	s25 =	simm.s32 @!p1 $0x80;
	s26 =	simm.s32 @!p1 $0x2800;
	[sflag:s24] =	ssyncset.done @!p0 $0x0  }
0x56: {  	s28 =	smov.u32 s23;
	s29 =	smov.u32 s21;
	s23 =	sadd.s32 $0x1, s23  }
0x57: {  	s30 =	simm.s32 @!p1 $0x2;
	[sflag:s24] =	ssyncadd.s32 @!p0 $0xFFFFFF80;
	p2 =	sne.s32 s23, $0x28  }
0x58: {  	[spmem:s3] =	stream.indirect.scatter.add.f32 @!p1 [tilespmem:s26], [sflag:$0x2], $0x1, s22, s25, $0xb8;
	[tilespmem:$0x3000] =	vst v63  }
.Ltmp0:
0x59: {  	_ =	swait.ge @!p1 [sflag:s30], $0x80;
	(pc) =	sbr.rel @p2 .LBB2_2-.Ltmp0, $4  }
0x5a: {  	p0 =	por p1, p1;
	[sflag:s30] =	ssyncset.done @!p1 $0x0  }
0x5b: {  	s21 =	sadd.s32 $0x80, s21;
	s24 =	simm.s32 @!p0 $0x1;
	[sflag:s30] =	ssyncadd.s32 @!p0 $0xFFFFFF80  }
0x5c: {  	[spmem:s4] =	stream.indirect.scatter.add.f32 @!p0 [tilespmem:s26], [sflag:$0x1], $0x1, s29, s25, $0xb8;
	[tilespmem:$0x3000] =	vst v63  }
0x5d: {  	s22 =	sadd.s32 $0x80, s22;
	p1 =	sle.u32 s8, s28;
	_ =	swait.ge @!p0 [sflag:s24], $0x80  }
0x5e: {  	s23 =	simm.s32 @!p1 $0x80;
	[sflag:s24] =	ssyncset.done @!p0 $0x0  }
0x5f: {  	s25 =	simm.s32 @!p1 $0x2800;
	s26 =	simm.s32 @!p1 $0x2;
	[sflag:s24] =	ssyncadd.s32 @!p0 $0xFFFFFF80  }
0x60: {  	[spmem:s3] =	stream.indirect.scatter.add.f32 @!p1 [tilespmem:s25], [sflag:$0x2], $0x1, s22, s23, $0xb8;
	[tilespmem:$0x3000] =	vst v63  }
0x61: {  	_ =	swait.ge @!p1 [sflag:s26], $0x80  }
0x62: {  	p0 =	por p1, p1;
	[sflag:s26] =	ssyncset.done @!p1 $0x0  }
0x63: {  	s22 =	simm.s32 @!p0 $0x1;
	[sflag:s26] =	ssyncadd.s32 @!p0 $0xFFFFFF80  }
0x64: {  	[spmem:s4] =	stream.indirect.scatter.add.f32 @!p0 [tilespmem:s25], [sflag:$0x1], $0x1, s21, s23, $0xb8;
	[tilespmem:$0x3000] =	vst v63  }
0x65: {  	_ =	swait.ge @!p0 [sflag:s22], $0x80  }
0x66: {  	[sflag:s22] =	ssyncset.done @!p0 $0x0  }
0x67: {  	[sflag:s22] =	ssyncadd.s32 @!p0 $0xFFFFFF80  }
0x68: {  	s30 =	sshrl.u32 s6, $0x3;
	[bflag:$0x0] =	sbarrier.arrive $0xFFFF  }
0x69: {  	[hbm:s9@s18], [sflag:s17] =	dma.strided [spmem:s30@s19], $0x50, s15, $0x10   }
0x6a: {  	s20 =	sadd.s32 $0x1, s20;
	_ =	swait.ge [sflag:s15], $0x50  }
0x6b: {  	p0 =	sne.s32 s20, s13;
	[sflag:s15] =	ssyncset.done $0x0  }
.Ltmp1:
0x6c: {  	s31 =	sshrl.u32 s7, $0x3;
	[sflag:s15] =	ssyncadd.s32 $0xFFFFFFB0;
	(pc) =	sbr.rel @p0 .LBB2_1-.Ltmp1, $4  }
0x6d: {  	[hbm:s12@s18], [sflag:s17] =	dma.strided [spmem:s31@s19], $0x50, s15, $0x10   }
0x6e: {  	_ =	swait.ge [sflag:s15], $0x50  }
0x6f: {  	[sflag:s15] =	ssyncset.done $0x0  }
0x70: {  	[sflag:s15] =	ssyncadd.s32 $0xFFFFFFB0  }
0x71: {  	_ =	sfence.sel $0x180000  }
0x72: {  	[bflag:$0x0] =	sbarrier.arrive $0xFFFF  }
0x73: {  	p0 =	sne.s32 s0, $0x0;
	_ =	strace $0x90000047  }
0x74: {  	s0 =	sadd.s32 @!p0 $0x100000, s2;
	[bflag:$0x2] =	sbarrier.arrive $0xFFFF  }
0x75: {  	[sflag:s0] =	ssyncadd.tile.s32 @!p0 $0x1;
	_ =	shalt  }
.Lfunc_end2:
_tile_overlayer_lowered:
.L_overlay_start_2:
0x76: {  	(tag) =	ssettag $0x2  }
0x77: {  	s0 =	rddreg [dreg:$0x0];
	s2 =	stileid.u32  }
0x78: {  	s1 =	rddreg [dreg:$0x1];
	p0 =	sne.s32 s2, $0x0  }
0x79: {  	s3 =	rddreg [dreg:$0x2];
	[bflag:$0x3] =	sbarrier.arrive $0xFFFF;
	s2 =	simm.s32 @!p0 $0x1C01  }
0x7a: {  	[timem:s3], [sflag:s2] =	dma.local @!p0 [hbm:s0], s1  }
0x7b: {  	s0 =	simm.s32 @!p0 $0x1  }
0x7c: {  	_ =	swait.ge @!p0 [sflag:s0], s1  }
0x7d: {  	s1 =	ssub.s32 @!p0 $0x0, s1;
	[sflag:s0] =	ssyncset.done @!p0 $0x0  }
0x7e: {  	[sflag:s0] =	ssyncadd.s32 @!p0 s1  }
0x7f: {  	[bflag:$0x3] =	sbarrier.arrive $0xFFFF  }
0x80: {  	_ =	shalt  }

// kernel: kernel.17.cloned.1.call-start
scs
__scs_entry_jumppad:
0x0: {  	(pc) =	sbr.rel $0x88, $3  }
0x1: {  	(tag) =	ssettag $0x0;
	lr =	simm.s32 $0x1  }
0x2: {  	[smem:$0x3F90] =	sst lr;
	_ =	strace $0xD0000000  }
0x3: {  	_ = 	snop  }
0x4: {  	_ = 	snop  }
0x5: {  	_ = 	snop  }
0x6: {  	_ = 	snop  }
0x7: {  	_ = 	snop  }
__scs_overlays_trampoline_lowered:
0x8: {  	[smem:$0x3F9F] =	sst s0  }
0x9: {  	[smem:$0x3FA0] =	sst s1  }
0xa: {  	[smem:$0x3FA1] =	sst s2  }
0xb: {  	[smem:$0x3FA2] =	sst s3  }
0xc: {  	[smem:$0x3FA3] =	sst s4  }
0xd: {  	[smem:$0x3FA4] =	sst s5  }
0xe: {  	[smem:$0x3FA5] =	sst s6  }
0xf: {  	[smem:$0x3FA6] =	sst s7  }
0x10: {  	[smem:$0x3FA7] =	sst s8  }
0x11: {  	[smem:$0x3FA8] =	sst s9;
	s0 =	simm.s32 @!p0 $0x0  }
0x12: {  	s1 =	sld [smem:$0x3F8E];
	s0 =	simm.s32 @p0 $0x1  }
0x13: {  	[smem:$0x3FA9] =	sst s0;
	s0 =	simm.s32 @!p1 $0x0  }
0x14: {  	s2 =	sld [smem:$0x3F8D];
	s0 =	simm.s32 @p1 $0x1  }
0x15: {  	[smem:$0x3FAA] =	sst s0;
	s0 =	simm.s32 @!p2 $0x0  }
0x16: {  	s3 =	sld [smem:$0x3FDB];
	s0 =	simm.s32 @p2 $0x1  }
0x17: {  	s4 =	simm.s32 $0x1BF5;
	[smem:$0x3FAC] =	sst s0  }
0x18: {  	s0 =	sld [smem:$0x3F8F];
	_ =	swait.ge [sflag:s4], $0x0  }
0x19: {  	s7 =	sld [smem:$0x3F90]  }
0x1a: {  	s8 =	sadd.s32 $0xFFFFE003, lr  }
0x1b: {  	s9 =	sadd.s32 $0xFFFFFEF7, lr;
	s5 =	simm.s32 $0xFFFFFFFF;
	p2 =	slt.u32 s8, $0xFFFFF086  }
0x1c: {  	p1 =	slt.u32 s9, $0xF7A;
	s5 =	simm.s32 @!p2 $0x0  }
0x1d: {  	s5 =	simm.s32 @p1 $0x1;
	p0 =	seq.s32 s7, s2  }
0x1e: {  	s7 =	smul.u32 @!p0 $0xF7A, s2;
	p2 =	seq.s32 @!p0 s5, $0x0  }
0x1f: {  	s9 =	smul.u32 $0xF7A, s1;
	s8 =	simm.s32 @!p0 $0x1BF5;
	p2 =	por !p2, p0  }
0x20: {  	[sflag:s8] =	ssyncset.s32 @!p0 $0xFFFFF086;
	s6 =	sadd.s32 @!p0 s3, s7;
	s7 =	simm.s32 @!p0 $0x108  }
0x21: {  	s3 =	sadd.s32 s3, s9;
	s6 =	sadd.s32 @!p0 $0x88, s6;
	s7 =	simm.s32 @p2 $0x1082  }
0x22: {  	[simem:s7], [sflag:s8] =	dma.local @!p0 [hbm:s6], $0xF7A  }
0x23: {  	s9 =	sor.u32 $0xD0000000, s2;
	s6 =	simm.s32 $0x108;
	_ =	swait.ge @!p0 [sflag:s8], $0x0  }
0x24: {  	s3 =	sadd.s32 $0x88, s3;
	s6 =	simm.s32 @!p1 $0x1082;
	[sflag:s4] =	ssyncset.s32 $0xFFFFF086  }
0x25: {  	[simem:s6], [sflag:s4] =	dma.local [hbm:s3], $0xF7A  }
0x26: {  	[smem:$0x3F90] =	sst s1;
	(tag) =	ssettag s2;
	_ =	strace s9  }
0x27: {  	s1 =	sld [smem:$0x3FA0]  }
0x28: {  	s2 =	sld [smem:$0x3FA1]  }
0x29: {  	s4 =	sld [smem:$0x3FA3]  }
0x2a: {  	p0 =	seq.s32 s5, $0x0;
	s5 =	sld [smem:$0x3FA4]  }
0x2b: {  	s6 =	sld [smem:$0x3FA5]  }
0x2c: {  	s7 =	sld [smem:$0x3FA6]  }
0x2d: {  	s3 =	simm.s32 $0x108;
	s8 =	sld [smem:$0x3FA7]  }
0x2e: {  	s3 =	simm.s32 @!p0 $0x1082;
	s9 =	sld [smem:$0x3FA8]  }
0x2f: {  	lr =	sadd.s32 s0, s3;
	s0 =	sld [smem:$0x3F9F]  }
0x30: {  	s3 =	sld [smem:$0x3FA2]  }
0x31: {  	[smem:$0x3FAB] =	sst s10  }
0x32: {  	s10 =	sld [smem:$0x3FA9];
	_ =	sdelay $0x3  }
0x33: {  	p0 =	seq.s32 s10, $0x1;
	s10 =	sld [smem:$0x3FAB];
	_ =	sdelay $0x3  }
0x34: {  	[smem:$0x3FAB] =	sst s10  }
0x35: {  	s10 =	sld [smem:$0x3FAA];
	_ =	sdelay $0x3  }
0x36: {  	p1 =	seq.s32 s10, $0x1;
	s10 =	sld [smem:$0x3FAB];
	_ =	sdelay $0x3  }
0x37: {  	[smem:$0x3FAB] =	sst s10  }
0x38: {  	s10 =	sld [smem:$0x3FAC]  }
0x39: {  	_ = 	snop;
	(pc) =	sbr.ind lr, $3  }
0x3a: {  	_ = 	snop  }
0x3b: {  	_ = 	snop  }
0x3c: {  	p2 =	seq.s32 s10, $0x1;
	s10 =	sld [smem:$0x3FAB]  }
0x3d: {  	_ =	shalt  }
0x3e: {  	_ =	shalt  }
0x3f: {  	_ =	shalt  }
0x40: {  	_ =	shalt  }
0x41: {  	_ =	shalt  }
0x42: {  	_ =	shalt  }
0x43: {  	_ =	shalt  }
0x44: {  	_ =	shalt  }
0x45: {  	_ =	shalt  }
0x46: {  	_ =	shalt  }
0x47: {  	_ =	shalt  }
0x48: {  	_ =	shalt  }
0x49: {  	_ =	shalt  }
0x4a: {  	_ =	shalt  }
0x4b: {  	_ =	shalt  }
0x4c: {  	_ =	shalt  }
0x4d: {  	_ =	shalt  }
0x4e: {  	_ =	shalt  }
0x4f: {  	_ =	shalt  }
0x50: {  	_ =	shalt  }
0x51: {  	_ =	shalt  }
0x52: {  	_ =	shalt  }
0x53: {  	_ =	shalt  }
0x54: {  	_ =	shalt  }
0x55: {  	_ =	shalt  }
0x56: {  	_ =	shalt  }
0x57: {  	_ =	shalt  }
0x58: {  	_ =	shalt  }
0x59: {  	_ =	shalt  }
0x5a: {  	_ =	shalt  }
0x5b: {  	_ =	shalt  }
0x5c: {  	_ =	shalt  }
0x5d: {  	_ =	shalt  }
0x5e: {  	_ =	shalt  }
0x5f: {  	_ =	shalt  }
0x60: {  	_ =	shalt  }
0x61: {  	_ =	shalt  }
0x62: {  	_ =	shalt  }
0x63: {  	_ =	shalt  }
0x64: {  	_ =	shalt  }
0x65: {  	_ =	shalt  }
0x66: {  	_ =	shalt  }
0x67: {  	_ =	shalt  }
0x68: {  	_ =	shalt  }
0x69: {  	_ =	shalt  }
0x6a: {  	_ =	shalt  }
0x6b: {  	_ =	shalt  }
0x6c: {  	_ =	shalt  }
0x6d: {  	_ =	shalt  }
0x6e: {  	_ =	shalt  }
0x6f: {  	_ =	shalt  }
0x70: {  	_ =	shalt  }
0x71: {  	_ =	shalt  }
0x72: {  	_ =	shalt  }
0x73: {  	_ =	shalt  }
0x74: {  	_ =	shalt  }
0x75: {  	_ =	shalt  }
0x76: {  	_ =	shalt  }
0x77: {  	_ =	shalt  }
0x78: {  	_ =	shalt  }
0x79: {  	_ =	shalt  }
0x7a: {  	_ =	shalt  }
0x7b: {  	_ =	shalt  }
0x7c: {  	_ =	shalt  }
0x7d: {  	_ =	shalt  }
0x7e: {  	_ =	shalt  }
0x7f: {  	_ =	shalt  }
0x80: {  	_ =	shalt  }
0x81: {  	_ =	shalt  }
0x82: {  	_ =	shalt  }
0x83: {  	_ =	shalt  }
0x84: {  	_ =	shalt  }
0x85: {  	_ =	shalt  }
0x86: {  	_ =	shalt  }
0x87: {  	_ =	shalt  }
.Lfunc_end0:
.L_simem_size_0:
called_computation.1_lowered:
.L_overlay_start_0:
0x88: {  	s2 =	sld [smem:$0x3FD9]  }
0x89: {  	s3 =	sld [smem:$0x3FFE];
	_ =	sdelay $0x1  }
0x8a: {  	s1 =	srdreg.scid  }
0x8b: {  	s0 =	sand.u32 $0x1, s1  }
0x8c: {  	s14 =	sshll.u32 s0, $0xA;
	s2 =	sadd.s32 s3, s2  }
0x8d: {  	s2 =	sadd.s32 s2, s14  }
0x8e: {  	[smem:$0x3FB7] =	sst s2  }
0x8f: {  	_ = 	snop  }
0x90: {  	s2 =	sld [smem:$0x3FD0];
	_ =	sdelay $0x2  }
0x91: {  	s15 =	simm.s32 $0xA;
	s4 =	simm.s32 $0x10  }
0x92: {  	[smem:s4], [sflag:s15] =	dma.local [hbm:s2], $0x1  }
0x93: {  	_ =	swait.eq [sflag:s15], $0x1  }
0x94: {  	[sflag:s15] =	ssyncset.done $0x0  }
0x95: {  	[sflag:s15] =	ssyncadd.s32 $0xFFFFFFFF  }
0x96: {  	s16 =	sld [smem:$0x11];
	(tm) =	ssettm $0x1  }
0x97: {  	s17 =	sld [smem:$0x3FFB];
	_ =	sdelay $0x3  }
0x98: {  	_ =	strace s17  }
0x99: {  	s3 =	sld [smem:$0x3FFC];
	_ =	sdelay $0x3  }
0x9a: {  	_ =	strace s3  }
0x9b: {  	s3 =	sld [smem:$0x3FFD];
	_ =	sdelay $0x3  }
0x9c: {  	_ =	strace s3  }
0x9d: {  	_ =	strace $0x8FFFFFFF  }
0x9e: {  	s18 =	sld [smem:$0x3FDB];
	_ =	sdelay $0x1  }
0x9f: {  	s19 =	simm.s32 $_scs_section_size  }
0xa0: {  	s5 =	simm.s32 $_size__tile_overlayer_lowered;
	s6 =	simm.s32 $_tile_overlayer_lowered  }
0xa1: {  	s22 =	simm.s32 $0x1BFF;
	s21 =	sshll.u32 s6, $0x1;
	s3 =	sadd.s32 s19, s18  }
0xa2: {  	s7 =	simm.s32 $0x0;
	s20 =	sshll.u32 s5, $0x1;
	s5 =	sadd.s32 s21, s3  }
0xa3: {  	[timem:s7], [sflag:s22] =	dma.local [hbm:s5], s20  }
0xa4: {  	_ =	swait.ge [sflag:s22], s20  }
0xa5: {  	s4 =	ssub.s32 $0x0, s20;
	[sflag:s22] =	ssyncset.done $0x0  }
0xa6: {  	[sflag:s22] =	ssyncadd.s32 s4;
	_ =	sdelay $0x1  }
0xa7: {  	s23 =	simm.s32 $0x1B8B  }
0xa8: {  	_ =	swait.ge [sflag:s23], $0x1  }
0xa9: {  	[sflag:s23] =	ssyncset.done $0x0  }
0xaa: {  	s25 =	simm.s32 $0x1B8E;
	s24 =	sld [smem:$0x3FFE];
	[sflag:s23] =	ssyncadd.s32 $0xFFFFFFFF  }
0xab: {  	s26 =	simm.s32 $execute0_lowered;
	[smem:$0x3FD2] =	sst s25  }
0xac: {  	s5 =	sshll.u32 s26, $0x1;
	_ =	strace $0x80000049;
	[dreg:$0x1] =	wrdreg $0xFFFFFFFF  }
0xad: {  	s28 =	simm.s32 $_size_execute0_lowered;
	s3 =	sadd.s32 s3, s5;
	[dreg:$0x0] =	wrdreg $0x0  }
0xae: {  	s5 =	sshll.u32 s28, $0x1;
	[dreg:$0x2] =	wrdreg s3  }
0xaf: {  	[dreg:$0x3] =	wrdreg s5  }
0xb0: {  	[dreg:$0x4] =	wrdreg $0xC0  }
0xb1: {  	_ =	task [dreg:s7], $0x5FFFF  }
0xb2: {  	[dreg:$0x1] =	wrdreg $0xFFFFFFFF  }
0xb3: {  	[dreg:$0x0] =	wrdreg $0x60  }
0xb4: {  	[dreg:$0x2] =	wrdreg s16  }
0xb5: {  	[dreg:$0x3] =	wrdreg s24  }
0xb6: {  	[dreg:$0x4] =	wrdreg $0xA8000  }
0xb7: {  	[dreg:$0x5] =	wrdreg $0x9  }
0xb8: {  	_ =	task.clear_ibuf [dreg:s7], $0x6FFFF;
	_ =	strace $0x90000049  }
0xb9: {  	s29 =	simm.s32 $0x9;
	_ =	strace $0x8000004B  }
0xba: {  	_ =	swait.ge [sflag:s29], $0x1  }
0xbb: {  	[sflag:s29] =	ssyncadd.s32 $0xFFFFFFFF  }
0xbc: {  	_ =	strace $0x9000004B  }
0xbd: {  	_ =	sfence  }
0xbe: {  	s30 =	sld [smem:$0x0];
	_ =	sdelay $0x2  }
0xbf: {  	s31 =	sshll.u32 s1, $0xD;
	s1 =	sshrl.u32 s1, $0x2  }
0xc0: {  	s3 =	sand.u32 $0x4000, s31;
	s1 =	sadd.s32 s1, s30  }
0xc1: {  	s0 =	sor.u32 s3, s0;
	s1 =	sshll.u32 s1, $0x11  }
0xc2: {  	s0 =	sor.u32 s1, s0  }
0xc3: {  	s0 =	sadd.s32 $0x8F2B, s0  }
0xc4: {  	[sflag:s0] =	ssyncadd.remote.s32 $0x1  }
0xc5: {  	_ =	sfence.sel $0xFFFF  }
0xc6: {  	[dreg:$0x0] =	wrdreg $0xFFFFFFFF;
	(pc) =	sbr.abs _section_cstart, $3  }
0xc7: {  	[dreg:$0x1] =	wrdreg $0xFFFFFFFF  }
0xc8: {  	_ =	task.clear_ibuf [dreg:s7], $0x2FFFF;
	_ =	strace $0x9FFFFFFF  }
0xc9: {  	(tm) =	ssettm $0x7FFFFFFF  }
tec
execute0_lowered:
.L_overlay_start_1:
0x0: {  	(tag) =	ssettag $0x1  }
0x1: {  	s1 =	rddreg [dreg:$0x0];
	s2 =	srdreg.scid  }
0x2: {  	s0 =	stileid.u32;
	s6 =	rddreg [dreg:$0x1]  }
0x3: {  	s3 =	rddreg [dreg:$0x2];
	s4 =	simm.s32 $0x0;
	s16 =	simm.s32 $0x1400  }
0x4: {  	s17 =	simm.s32 $0x80;
	s18 =	simm.s32 $0x2800;
	s19 =	simm.s32 $0x1  }
0x5: {  	s20 =	simm.s32 $0x6800;
	s21 =	simm.s32 $0x2;
	s22 =	simm.s32 $0x1480  }
0x6: {  	s5 =	sand.u32 $0x1, s2;
	s2 =	rddreg [dreg:$0x3];
	s8 =	smul.u32 $0x2800, s0  }
0x7: {  	s23 =	sshll.u32 s0, $0x1;
	[smem:$0x7FF] =	sst s4;
	s10 =	smul.u32 $0x50000, s0  }
0x8: {  	s11 =	sadd.s32 $0x39E00, s6;
	s28 =	smul.u32 $0x14000, s0;
	s15 =	sadd.s32 $0x12C000, s3  }
0x9: {  	p0 =	seq.s32 s0, $0xF;
	s7 =	sor.u32 s5, s23;
	_ =	strace $0x8000004A  }
0xa: {  	s25 =	ssub.s32 $0x2, s5;
	s13 =	smul.u32 $0x138800, s5;
	s23 =	simm.s32 $0x3  }
0xb: {  	s7 =	smul.u32 $0x280, s7;
	s12 =	sshrl.u32 s25, $0x1;
	s26 =	sshrl.u32 s10, $0x2  }
0xc: {  	s24 =	sadd.s32 s8, s6;
	s12 =	ssub.s32 s25, s12;
	s14 =	sadd.s32 s26, s3  }
0xd: {  	s5 =	sadd.s32 $0x12C00, s24;
	s29 =	sadd.s32 s28, s13;
	s31 =	sshrl.u32 s13, $0x3  }
0xe: {  	s13 =	sshll.u32 @!p0 s0, $0x6;
	s24 =	simm.s32 $0x100;
	s25 =	simm.s32 $0x4  }
.Ltmp0:
0xf: {  	s26 =	simm.s32 $0x0;
	s9 =	sadd.s32 s7, s6;
	(pc) =	sbr.rel .LBB2_1-.Ltmp0, $4  }
0x10: {  	s6 =	sadd.s32 $0x38400, s6;
	s30 =	sshrl.u32 s29, $0x3;
	s10 =	sadd.s32 s11, s31  }
0x11: {  	s13 =	sor.u32 @!p0 $0x1C05, s13;
	s14 =	sshrl.u32 @!p0 s14, $0x3;
	s7 =	sadd.s32 $0x8C00, s9  }
0x12: {  	s8 =	sadd.s32 $0xDC00, s9;
	s9 =	sadd.s32 s11, s30;
	s10 =	sadd.s32 $0x25800, s10  }
0x13: {  	s11 =	smax.u32 s12, $0x1;
	s12 =	sshrl.u32 @p0 s15, $0x3;
	s15 =	simm.s32 $0x5  }
.LBB2_4:
0x14: {  	_ =	swait.ge [sflag:s25], $0x4000  }
0x15: {  	[sflag:s25] =	ssyncset.done $0x0  }
0x16: {  	[sflag:s25] =	ssyncadd.s32 $0xFFFFC000  }
0x17: {  	s28 =	simm.s32 @p0 $0x1FC5;
	[bflag:$0x0] =	sbarrier.arrive $0xFFFF  }
0x18: {  	[hbm:s10], [sflag:s28] =	dma.local @p0 [spmem:s12], $0x1900  }
0x19: {  	s28 =	simm.s32 @p0 $0x5  }
0x1a: {  	s26 =	sadd.s32 $0x1, s26;
	_ =	swait.ge @p0 [sflag:s28], $0x1900  }
0x1b: {  	p1 =	sne.s32 s26, s11;
	[sflag:s28] =	ssyncset.done @p0 $0x0  }
.Ltmp1:
0x1c: {  	[sflag:s28] =	ssyncadd.s32 @p0 $0xFFFFE700;
	s28 =	simm.s32 @!p0 $0x5;
	(pc) =	sbr.rel @!p1 .LBB2_5-.Ltmp1, $4  }
0x1d: {  	[hbm:s9], [sflag:s13] =	dma.local @!p0 [spmem:s14], $0x2800  }
0x1e: {  	_ =	swait.ge @!p0 [sflag:s28], $0x2800  }
0x1f: {  	[sflag:s28] =	ssyncset.done @!p0 $0x0  }
0x20: {  	[sflag:s28] =	ssyncadd.s32 @!p0 $0xFFFFD800  }
.LBB2_1:
0x21: {  	s28 =	simm.s32 @p0 $0x1FC5  }
0x22: {  	[spmem:s12], [sflag:s28] =	dma.local @p0 [hbm:s6], $0x1900  }
0x23: {  	s28 =	simm.s32 @p0 $0x5  }
0x24: {  	_ =	swait.ge @p0 [sflag:s28], $0x1900  }
0x25: {  	[sflag:s28] =	ssyncset.done @p0 $0x0  }
0x26: {  	[sflag:s28] =	ssyncadd.s32 @p0 $0xFFFFE700;
	s28 =	simm.s32 @!p0 $0x5  }
0x27: {  	[spmem:s14], [sflag:s13] =	dma.local @!p0 [hbm:s5], $0x2800  }
0x28: {  	_ =	swait.ge @!p0 [sflag:s28], $0x2800  }
0x29: {  	[sflag:s28] =	ssyncset.done @!p0 $0x0  }
0x2a: {  	[sflag:s28] =	ssyncadd.s32 @!p0 $0xFFFFD800  }
0x2b: {  	[bflag:$0x0] =	sbarrier.arrive $0xFFFF  }
0x2c: {  	[tilespmem:s4], [sflag:$0x5] =	stream.linear.gather [hbm4b:s7+s4], $0x1400, $0x38;
	[tilespmem:$0x1E480] =	vst v63  }
0x2d: {  	_ =	swait.ge [sflag:s15], $0x1400  }
0x2e: {  	[sflag:s15] =	ssyncset.done $0x0  }
0x2f: {  	[sflag:s15] =	ssyncadd.s32 $0xFFFFEC00  }
0x30: {  	[tilespmem:s16], [sflag:$0x5] =	stream.linear.gather [hbm4b:s8+s4], $0x1400, $0x38;
	[tilespmem:$0x1E480] =	vst v63  }
0x31: {  	_ =	swait.ge [sflag:s15], $0x1400  }
0x32: {  	[sflag:s15] =	ssyncset.done $0x0  }
0x33: {  	[sflag:s15] =	ssyncadd.s32 $0xFFFFEC00  }
0x34: {  	[tilespmem:s18], [sflag:$0x1] =	stream.indirect.gather [hbm4b:s1+s17], $0x80, s4, s17, $0xb8;
	[tilespmem:$0x1E480] =	vst v63  }
0x35: {  	_ =	swait.ge [sflag:s19], $0x4000  }
0x36: {  	[sflag:s19] =	ssyncset.done $0x0  }
0x37: {  	[sflag:s19] =	ssyncadd.s32 $0xFFFFC000  }
0x38: {  	[spmem:s3] =	stream.indirect.scatter.add.f32 [tilespmem:s18], [sflag:$0x3], $0x80, s16, s17, $0xb8;
	[tilespmem:$0x1E480] =	vst v63  }
0x39: {  	_ = 	snop  }
0x3a: {  	[tilespmem:s20], [sflag:$0x2] =	stream.indirect.gather [hbm4b:s1+s17], $0x80, s17, s17, $0xb8;
	[tilespmem:$0x1E480] =	vst v63  }
0x3b: {  	_ =	swait.ge [sflag:s21], $0x4000  }
0x3c: {  	[sflag:s21] =	ssyncset.done $0x0  }
0x3d: {  	[sflag:s21] =	ssyncadd.s32 $0xFFFFC000  }
0x3e: {  	[spmem:s3] =	stream.indirect.scatter.add.f32 [tilespmem:s20], [sflag:$0x4], $0x80, s22, s17, $0xb8;
	[tilespmem:$0x1E480] =	vst v63  }
0x3f: {  	_ =	swait.ge [sflag:s23], $0x4000  }
0x40: {  	[sflag:s23] =	ssyncset.done $0x0  }
0x41: {  	s28 =	simm.s32 $0xFFFFB800;
	[sflag:s23] =	ssyncadd.s32 $0xFFFFC000  }
0x42: {  	[tilespmem:s18], [sflag:$0x1] =	stream.indirect.gather [hbm4b:s1+s17], $0x80, s24, s17, $0xb8;
	[tilespmem:$0x1E480] =	vst v63  }
.LBB2_2:
0x43: {  	_ =	swait.ge [sflag:s19], $0x4000  }
0x44: {  	s29 =	sshra.s32 s28, $0x2;
	[sflag:s19] =	ssyncset.done $0x0  }
0x45: {  	s30 =	sadd.s32 $0x2700, s29;
	[sflag:s19] =	ssyncadd.s32 $0xFFFFC000  }
0x46: {  	[spmem:s3] =	stream.indirect.scatter.add.f32 [tilespmem:s18], [sflag:$0x3], $0x80, s30, s17, $0xb8;
	[tilespmem:$0x1E480] =	vst v63  }
0x47: {  	_ =	swait.ge [sflag:s25], $0x4000  }
0x48: {  	[sflag:s25] =	ssyncset.done $0x0  }
0x49: {  	s31 =	sadd.s32 $0x1380, s29;
	[sflag:s25] =	ssyncadd.s32 $0xFFFFC000  }
0x4a: {  	[tilespmem:s20], [sflag:$0x2] =	stream.indirect.gather [hbm4b:s1+s17], $0x80, s31, s17, $0xb8;
	[tilespmem:$0x1E480] =	vst v63  }
0x4b: {  	_ =	swait.ge [sflag:s21], $0x4000  }
0x4c: {  	p1 =	seq.s32 s28, $0x0;
	[sflag:s21] =	ssyncset.done $0x0  }
.Ltmp2:
0x4d: {  	s31 =	sadd.s32 $0x2780, s29;
	[sflag:s21] =	ssyncadd.s32 $0xFFFFC000;
	(pc) =	sbr.rel @p1 .LBB2_4-.Ltmp2, $4  }
0x4e: {  	[spmem:s3] =	stream.indirect.scatter.add.f32 [tilespmem:s20], [sflag:$0x4], $0x80, s31, s17, $0xb8;
	[tilespmem:$0x1E480] =	vst v63  }
0x4f: {  	_ =	swait.ge [sflag:s23], $0x4000  }
0x50: {  	[sflag:s23] =	ssyncset.done $0x0  }
0x51: {  	[sflag:s23] =	ssyncadd.s32 $0xFFFFC000  }
.Ltmp3:
0x52: {  	(pc) =	sbr.rel .LBB2_2-.Ltmp3, $3  }
0x53: {  	_ =	sdelay $0x1  }
0x54: {  	s29 =	sadd.s32 $0x1400, s29;
	s28 =	sadd.s32 $0x400, s28  }
0x55: {  	[tilespmem:s18], [sflag:$0x1] =	stream.indirect.gather [hbm4b:s1+s17], $0x80, s29, s17, $0xb8;
	[tilespmem:$0x1E480] =	vst v63  }
.LBB2_5:
0x56: {  	_ =	sfence.sel $0x180000  }
0x57: {  	[bflag:$0x0] =	sbarrier.arrive $0xFFFF  }
0x58: {  	p0 =	sne.s32 s0, $0x0;
	_ =	strace $0x9000004A  }
0x59: {  	s0 =	sadd.s32 @!p0 $0x100000, s2;
	[bflag:$0x2] =	sbarrier.arrive $0xFFFF  }
0x5a: {  	[sflag:s0] =	ssyncadd.tile.s32 @!p0 $0x1;
	_ =	shalt  }
.Lfunc_end2:
_tile_overlayer_lowered:
.L_overlay_start_2:
0x5b: {  	(tag) =	ssettag $0x2  }
0x5c: {  	s0 =	rddreg [dreg:$0x0];
	s2 =	stileid.u32  }
0x5d: {  	s1 =	rddreg [dreg:$0x1];
	p0 =	sne.s32 s2, $0x0  }
0x5e: {  	s3 =	rddreg [dreg:$0x2];
	[bflag:$0x3] =	sbarrier.arrive $0xFFFF;
	s2 =	simm.s32 @!p0 $0x1C05  }
0x5f: {  	[timem:s3], [sflag:s2] =	dma.local @!p0 [hbm:s0], s1  }
0x60: {  	s0 =	simm.s32 @!p0 $0x5  }
0x61: {  	_ =	swait.ge @!p0 [sflag:s0], s1  }
0x62: {  	s1 =	ssub.s32 @!p0 $0x0, s1;
	[sflag:s0] =	ssyncset.done @!p0 $0x0  }
0x63: {  	[sflag:s0] =	ssyncadd.s32 @!p0 s1  }
0x64: {  	[bflag:$0x3] =	sbarrier.arrive $0xFFFF  }
0x65: {  	_ =	shalt  }

// kernel: kernel.20.cloned.1.call-start
scs
__scs_entry_jumppad:
0x0: {  	(pc) =	sbr.rel $0x88, $3  }
0x1: {  	(tag) =	ssettag $0x0;
	lr =	simm.s32 $0x1  }
0x2: {  	[smem:$0x3F90] =	sst lr;
	_ =	strace $0xD0000000  }
0x3: {  	_ = 	snop  }
0x4: {  	_ = 	snop  }
0x5: {  	_ = 	snop  }
0x6: {  	_ = 	snop  }
0x7: {  	_ = 	snop  }
__scs_overlays_trampoline_lowered:
0x8: {  	[smem:$0x3F9F] =	sst s0  }
0x9: {  	[smem:$0x3FA0] =	sst s1  }
0xa: {  	[smem:$0x3FA1] =	sst s2  }
0xb: {  	[smem:$0x3FA2] =	sst s3  }
0xc: {  	[smem:$0x3FA3] =	sst s4  }
0xd: {  	[smem:$0x3FA4] =	sst s5  }
0xe: {  	[smem:$0x3FA5] =	sst s6  }
0xf: {  	[smem:$0x3FA6] =	sst s7  }
0x10: {  	[smem:$0x3FA7] =	sst s8  }
0x11: {  	[smem:$0x3FA8] =	sst s9;
	s0 =	simm.s32 @!p0 $0x0  }
0x12: {  	s1 =	sld [smem:$0x3F8E];
	s0 =	simm.s32 @p0 $0x1  }
0x13: {  	[smem:$0x3FA9] =	sst s0;
	s0 =	simm.s32 @!p1 $0x0  }
0x14: {  	s2 =	sld [smem:$0x3F8D];
	s0 =	simm.s32 @p1 $0x1  }
0x15: {  	[smem:$0x3FAA] =	sst s0;
	s0 =	simm.s32 @!p2 $0x0  }
0x16: {  	s3 =	sld [smem:$0x3FDB];
	s0 =	simm.s32 @p2 $0x1  }
0x17: {  	s4 =	simm.s32 $0x1BF5;
	[smem:$0x3FAC] =	sst s0  }
0x18: {  	s0 =	sld [smem:$0x3F8F];
	_ =	swait.ge [sflag:s4], $0x0  }
0x19: {  	s7 =	sld [smem:$0x3F90]  }
0x1a: {  	s8 =	sadd.s32 $0xFFFFE003, lr  }
0x1b: {  	s9 =	sadd.s32 $0xFFFFFEF7, lr;
	s5 =	simm.s32 $0xFFFFFFFF;
	p2 =	slt.u32 s8, $0xFFFFF086  }
0x1c: {  	p1 =	slt.u32 s9, $0xF7A;
	s5 =	simm.s32 @!p2 $0x0  }
0x1d: {  	s5 =	simm.s32 @p1 $0x1;
	p0 =	seq.s32 s7, s2  }
0x1e: {  	s7 =	smul.u32 @!p0 $0xF7A, s2;
	p2 =	seq.s32 @!p0 s5, $0x0  }
0x1f: {  	s9 =	smul.u32 $0xF7A, s1;
	s8 =	simm.s32 @!p0 $0x1BF5;
	p2 =	por !p2, p0  }
0x20: {  	[sflag:s8] =	ssyncset.s32 @!p0 $0xFFFFF086;
	s6 =	sadd.s32 @!p0 s3, s7;
	s7 =	simm.s32 @!p0 $0x108  }
0x21: {  	s3 =	sadd.s32 s3, s9;
	s6 =	sadd.s32 @!p0 $0x88, s6;
	s7 =	simm.s32 @p2 $0x1082  }
0x22: {  	[simem:s7], [sflag:s8] =	dma.local @!p0 [hbm:s6], $0xF7A  }
0x23: {  	s9 =	sor.u32 $0xD0000000, s2;
	s6 =	simm.s32 $0x108;
	_ =	swait.ge @!p0 [sflag:s8], $0x0  }
0x24: {  	s3 =	sadd.s32 $0x88, s3;
	s6 =	simm.s32 @!p1 $0x1082;
	[sflag:s4] =	ssyncset.s32 $0xFFFFF086  }
0x25: {  	[simem:s6], [sflag:s4] =	dma.local [hbm:s3], $0xF7A  }
0x26: {  	[smem:$0x3F90] =	sst s1;
	(tag) =	ssettag s2;
	_ =	strace s9  }
0x27: {  	s1 =	sld [smem:$0x3FA0]  }
0x28: {  	s2 =	sld [smem:$0x3FA1]  }
0x29: {  	s4 =	sld [smem:$0x3FA3]  }
0x2a: {  	p0 =	seq.s32 s5, $0x0;
	s5 =	sld [smem:$0x3FA4]  }
0x2b: {  	s6 =	sld [smem:$0x3FA5]  }
0x2c: {  	s7 =	sld [smem:$0x3FA6]  }
0x2d: {  	s3 =	simm.s32 $0x108;
	s8 =	sld [smem:$0x3FA7]  }
0x2e: {  	s3 =	simm.s32 @!p0 $0x1082;
	s9 =	sld [smem:$0x3FA8]  }
0x2f: {  	lr =	sadd.s32 s0, s3;
	s0 =	sld [smem:$0x3F9F]  }
0x30: {  	s3 =	sld [smem:$0x3FA2]  }
0x31: {  	[smem:$0x3FAB] =	sst s10  }
0x32: {  	s10 =	sld [smem:$0x3FA9];
	_ =	sdelay $0x3  }
0x33: {  	p0 =	seq.s32 s10, $0x1;
	s10 =	sld [smem:$0x3FAB];
	_ =	sdelay $0x3  }
0x34: {  	[smem:$0x3FAB] =	sst s10  }
0x35: {  	s10 =	sld [smem:$0x3FAA];
	_ =	sdelay $0x3  }
0x36: {  	p1 =	seq.s32 s10, $0x1;
	s10 =	sld [smem:$0x3FAB];
	_ =	sdelay $0x3  }
0x37: {  	[smem:$0x3FAB] =	sst s10  }
0x38: {  	s10 =	sld [smem:$0x3FAC]  }
0x39: {  	_ = 	snop;
	(pc) =	sbr.ind lr, $3  }
0x3a: {  	_ = 	snop  }
0x3b: {  	_ = 	snop  }
0x3c: {  	p2 =	seq.s32 s10, $0x1;
	s10 =	sld [smem:$0x3FAB]  }
0x3d: {  	_ =	shalt  }
0x3e: {  	_ =	shalt  }
0x3f: {  	_ =	shalt  }
0x40: {  	_ =	shalt  }
0x41: {  	_ =	shalt  }
0x42: {  	_ =	shalt  }
0x43: {  	_ =	shalt  }
0x44: {  	_ =	shalt  }
0x45: {  	_ =	shalt  }
0x46: {  	_ =	shalt  }
0x47: {  	_ =	shalt  }
0x48: {  	_ =	shalt  }
0x49: {  	_ =	shalt  }
0x4a: {  	_ =	shalt  }
0x4b: {  	_ =	shalt  }
0x4c: {  	_ =	shalt  }
0x4d: {  	_ =	shalt  }
0x4e: {  	_ =	shalt  }
0x4f: {  	_ =	shalt  }
0x50: {  	_ =	shalt  }
0x51: {  	_ =	shalt  }
0x52: {  	_ =	shalt  }
0x53: {  	_ =	shalt  }
0x54: {  	_ =	shalt  }
0x55: {  	_ =	shalt  }
0x56: {  	_ =	shalt  }
0x57: {  	_ =	shalt  }
0x58: {  	_ =	shalt  }
0x59: {  	_ =	shalt  }
0x5a: {  	_ =	shalt  }
0x5b: {  	_ =	shalt  }
0x5c: {  	_ =	shalt  }
0x5d: {  	_ =	shalt  }
0x5e: {  	_ =	shalt  }
0x5f: {  	_ =	shalt  }
0x60: {  	_ =	shalt  }
0x61: {  	_ =	shalt  }
0x62: {  	_ =	shalt  }
0x63: {  	_ =	shalt  }
0x64: {  	_ =	shalt  }
0x65: {  	_ =	shalt  }
0x66: {  	_ =	shalt  }
0x67: {  	_ =	shalt  }
0x68: {  	_ =	shalt  }
0x69: {  	_ =	shalt  }
0x6a: {  	_ =	shalt  }
0x6b: {  	_ =	shalt  }
0x6c: {  	_ =	shalt  }
0x6d: {  	_ =	shalt  }
0x6e: {  	_ =	shalt  }
0x6f: {  	_ =	shalt  }
0x70: {  	_ =	shalt  }
0x71: {  	_ =	shalt  }
0x72: {  	_ =	shalt  }
0x73: {  	_ =	shalt  }
0x74: {  	_ =	shalt  }
0x75: {  	_ =	shalt  }
0x76: {  	_ =	shalt  }
0x77: {  	_ =	shalt  }
0x78: {  	_ =	shalt  }
0x79: {  	_ =	shalt  }
0x7a: {  	_ =	shalt  }
0x7b: {  	_ =	shalt  }
0x7c: {  	_ =	shalt  }
0x7d: {  	_ =	shalt  }
0x7e: {  	_ =	shalt  }
0x7f: {  	_ =	shalt  }
0x80: {  	_ =	shalt  }
0x81: {  	_ =	shalt  }
0x82: {  	_ =	shalt  }
0x83: {  	_ =	shalt  }
0x84: {  	_ =	shalt  }
0x85: {  	_ =	shalt  }
0x86: {  	_ =	shalt  }
0x87: {  	_ =	shalt  }
.Lfunc_end0:
.L_simem_size_0:
called_computation.2_lowered:
.L_overlay_start_0:
0x88: {  	s2 =	sld [smem:$0x3FD9]  }
0x89: {  	s3 =	sld [smem:$0x3FFE];
	_ =	sdelay $0x1  }
0x8a: {  	s1 =	srdreg.scid  }
0x8b: {  	s0 =	sand.u32 $0x1, s1  }
0x8c: {  	s16 =	sshll.u32 s0, $0xA;
	s2 =	sadd.s32 s3, s2  }
0x8d: {  	s2 =	sadd.s32 s2, s16  }
0x8e: {  	[smem:$0x3FB7] =	sst s2  }
0x8f: {  	_ = 	snop  }
0x90: {  	(tm) =	ssettm $0x1  }
0x91: {  	s17 =	sld [smem:$0x3FFB];
	_ =	sdelay $0x3  }
0x92: {  	_ =	strace s17  }
0x93: {  	s2 =	sld [smem:$0x3FFC];
	_ =	sdelay $0x3  }
0x94: {  	_ =	strace s2  }
0x95: {  	s2 =	sld [smem:$0x3FFD];
	_ =	sdelay $0x3  }
0x96: {  	_ =	strace s2  }
0x97: {  	_ =	strace $0x8FFFFFFF  }
0x98: {  	s18 =	sld [smem:$0x3FDB];
	_ =	sdelay $0x1  }
0x99: {  	s19 =	simm.s32 $_scs_section_size  }
0x9a: {  	s4 =	simm.s32 $_size__tile_overlayer_lowered;
	s5 =	simm.s32 $_tile_overlayer_lowered  }
0x9b: {  	s22 =	simm.s32 $0x1BFF;
	s21 =	sshll.u32 s5, $0x1;
	s2 =	sadd.s32 s19, s18  }
0x9c: {  	s6 =	simm.s32 $0x0;
	s20 =	sshll.u32 s4, $0x1;
	s4 =	sadd.s32 s21, s2  }
0x9d: {  	[timem:s6], [sflag:s22] =	dma.local [hbm:s4], s20  }
0x9e: {  	_ =	swait.ge [sflag:s22], s20  }
0x9f: {  	s3 =	ssub.s32 $0x0, s20;
	[sflag:s22] =	ssyncset.done $0x0  }
0xa0: {  	[sflag:s22] =	ssyncadd.s32 s3;
	_ =	sdelay $0x1  }
0xa1: {  	s23 =	simm.s32 $0x1B8B  }
0xa2: {  	_ =	swait.ge [sflag:s23], $0x1  }
0xa3: {  	[sflag:s23] =	ssyncset.done $0x0  }
0xa4: {  	s25 =	simm.s32 $0x1B8E;
	s24 =	sld [smem:$0x3FFE];
	[sflag:s23] =	ssyncadd.s32 $0xFFFFFFFF  }
0xa5: {  	s26 =	simm.s32 $execute0_lowered;
	[smem:$0x3FD2] =	sst s25  }
0xa6: {  	s4 =	sshll.u32 s26, $0x1;
	_ =	strace $0x8000004C;
	[dreg:$0x1] =	wrdreg $0xFFFFFFFF  }
0xa7: {  	s28 =	simm.s32 $_size_execute0_lowered;
	s2 =	sadd.s32 s2, s4;
	[dreg:$0x0] =	wrdreg $0x0  }
0xa8: {  	s4 =	sshll.u32 s28, $0x1;
	[dreg:$0x2] =	wrdreg s2  }
0xa9: {  	[dreg:$0x3] =	wrdreg s4  }
0xaa: {  	[dreg:$0x4] =	wrdreg $0xC0  }
0xab: {  	_ =	task [dreg:s6], $0x5FFFF  }
0xac: {  	[dreg:$0x1] =	wrdreg $0xFFFFFFFF  }
0xad: {  	[dreg:$0x0] =	wrdreg $0x60  }
0xae: {  	[dreg:$0x2] =	wrdreg s24  }
0xaf: {  	[dreg:$0x3] =	wrdreg $0xA8000  }
0xb0: {  	[dreg:$0x4] =	wrdreg $0x9  }
0xb1: {  	_ =	task.clear_ibuf [dreg:s6], $0x5FFFF;
	_ =	strace $0x9000004C  }
0xb2: {  	s29 =	simm.s32 $0x9;
	_ =	strace $0x8000004E  }
0xb3: {  	_ =	swait.ge [sflag:s29], $0x1  }
0xb4: {  	[sflag:s29] =	ssyncadd.s32 $0xFFFFFFFF  }
0xb5: {  	_ =	strace $0x9000004E  }
0xb6: {  	_ =	sfence  }
0xb7: {  	s30 =	sld [smem:$0x0];
	_ =	sdelay $0x2  }
0xb8: {  	s31 =	sshll.u32 s1, $0xD;
	s1 =	sshrl.u32 s1, $0x2  }
0xb9: {  	s3 =	sand.u32 $0x4000, s31;
	s1 =	sadd.s32 s1, s30  }
0xba: {  	s0 =	sor.u32 s3, s0;
	s1 =	sshll.u32 s1, $0x11  }
0xbb: {  	s0 =	sor.u32 s1, s0  }
0xbc: {  	s0 =	sadd.s32 $0x8F2B, s0  }
0xbd: {  	[sflag:s0] =	ssyncadd.remote.s32 $0x1  }
0xbe: {  	_ =	sfence.sel $0xFFFF  }
0xbf: {  	[dreg:$0x0] =	wrdreg $0xFFFFFFFF;
	(pc) =	sbr.abs _section_cstart, $3  }
0xc0: {  	[dreg:$0x1] =	wrdreg $0xFFFFFFFF  }
0xc1: {  	_ =	task.clear_ibuf [dreg:s6], $0x2FFFF;
	_ =	strace $0x9FFFFFFF  }
0xc2: {  	(tm) =	ssettm $0x7FFFFFFF  }
0xc3: {  	_ =	shalt  }
tec
execute0_lowered:
.L_overlay_start_1:
0x0: {  	(tag) =	ssettag $0x1  }
0x1: {  	s1 =	srdreg.scid;
	s6 =	rddreg [dreg:$0x0]  }
0x2: {  	s0 =	stileid.u32;
	s2 =	rddreg [dreg:$0x1]  }
0x3: {  	s3 =	simm.s32 $0x0;
	s16 =	simm.s32 $0x1400;
	s17 =	simm.s32 $0x80  }
0x4: {  	s18 =	simm.s32 $0x2800;
	s19 =	simm.s32 $0x1;
	s20 =	simm.s32 $0x6800  }
0x5: {  	s21 =	simm.s32 $0x2;
	s22 =	simm.s32 $0x1480;
	s5 =	sand.u32 $0x1, s1  }
0x6: {  	s23 =	sshll.u32 s0, $0x1;
	s1 =	rddreg [dreg:$0x2];
	s8 =	smul.u32 $0x2800, s0  }
0x7: {  	[smem:$0x7FF] =	sst s3;
	s10 =	smul.u32 $0x50000, s0;
	s11 =	sadd.s32 $0xFD400, s6  }
0x8: {  	s28 =	smul.u32 $0x14000, s0;
	s15 =	sadd.s32 $0x12C000, s2;
	p0 =	seq.s32 s0, $0xF  }
0x9: {  	s4 =	sor.u32 s5, s23;
	_ =	strace $0x8000004D;
	s13 =	smul.u32 $0x138800, s5  }
0xa: {  	s25 =	ssub.s32 $0x2, s5;
	s23 =	simm.s32 $0x3;
	s7 =	smul.u32 $0x280, s4  }
0xb: {  	s4 =	sadd.s32 $0x39E00, s6;
	s12 =	sshrl.u32 s25, $0x1;
	s26 =	sshrl.u32 s10, $0x2  }
0xc: {  	s24 =	sadd.s32 s8, s6;
	s12 =	ssub.s32 s25, s12;
	s14 =	sadd.s32 s26, s2  }
0xd: {  	s5 =	sadd.s32 $0x12C00, s24;
	s29 =	sadd.s32 s28, s13;
	s31 =	sshrl.u32 s13, $0x3  }
0xe: {  	s13 =	sshll.u32 @!p0 s0, $0x6;
	s24 =	simm.s32 $0x100;
	s25 =	simm.s32 $0x4  }
.Ltmp0:
0xf: {  	s26 =	simm.s32 $0x0;
	s9 =	sadd.s32 s7, s6;
	(pc) =	sbr.rel .LBB2_1-.Ltmp0, $4  }
0x10: {  	s6 =	sadd.s32 $0x38400, s6;
	s30 =	sshrl.u32 s29, $0x3;
	s10 =	sadd.s32 s11, s31  }
0x11: {  	s13 =	sor.u32 @!p0 $0x1C05, s13;
	s14 =	sshrl.u32 @!p0 s14, $0x3;
	s7 =	sadd.s32 $0x3C00, s9  }
0x12: {  	s8 =	sadd.s32 $0xDC00, s9;
	s9 =	sadd.s32 s11, s30;
	s10 =	sadd.s32 $0x25800, s10  }
0x13: {  	s11 =	smax.u32 s12, $0x1;
	s12 =	sshrl.u32 @p0 s15, $0x3;
	s15 =	simm.s32 $0x5  }
.LBB2_4:
0x14: {  	_ =	swait.ge [sflag:s25], $0x4000  }
0x15: {  	[sflag:s25] =	ssyncset.done $0x0  }
0x16: {  	[sflag:s25] =	ssyncadd.s32 $0xFFFFC000  }
0x17: {  	s28 =	simm.s32 @p0 $0x1FC5;
	[bflag:$0x0] =	sbarrier.arrive $0xFFFF  }
0x18: {  	[hbm:s10], [sflag:s28] =	dma.local @p0 [spmem:s12], $0x1900  }
0x19: {  	s28 =	simm.s32 @p0 $0x5  }
0x1a: {  	s26 =	sadd.s32 $0x1, s26;
	_ =	swait.ge @p0 [sflag:s28], $0x1900  }
0x1b: {  	p1 =	sne.s32 s26, s11;
	[sflag:s28] =	ssyncset.done @p0 $0x0  }
.Ltmp1:
0x1c: {  	[sflag:s28] =	ssyncadd.s32 @p0 $0xFFFFE700;
	s28 =	simm.s32 @!p0 $0x5;
	(pc) =	sbr.rel @!p1 .LBB2_5-.Ltmp1, $4  }
0x1d: {  	[hbm:s9], [sflag:s13] =	dma.local @!p0 [spmem:s14], $0x2800  }
0x1e: {  	_ =	swait.ge @!p0 [sflag:s28], $0x2800  }
0x1f: {  	[sflag:s28] =	ssyncset.done @!p0 $0x0  }
0x20: {  	[sflag:s28] =	ssyncadd.s32 @!p0 $0xFFFFD800  }
.LBB2_1:
0x21: {  	s28 =	simm.s32 @p0 $0x1FC5  }
0x22: {  	[spmem:s12], [sflag:s28] =	dma.local @p0 [hbm:s6], $0x1900  }
0x23: {  	s28 =	simm.s32 @p0 $0x5  }
0x24: {  	_ =	swait.ge @p0 [sflag:s28], $0x1900  }
0x25: {  	[sflag:s28] =	ssyncset.done @p0 $0x0  }
0x26: {  	[sflag:s28] =	ssyncadd.s32 @p0 $0xFFFFE700;
	s28 =	simm.s32 @!p0 $0x5  }
0x27: {  	[spmem:s14], [sflag:s13] =	dma.local @!p0 [hbm:s5], $0x2800  }
0x28: {  	_ =	swait.ge @!p0 [sflag:s28], $0x2800  }
0x29: {  	[sflag:s28] =	ssyncset.done @!p0 $0x0  }
0x2a: {  	[sflag:s28] =	ssyncadd.s32 @!p0 $0xFFFFD800  }
0x2b: {  	[bflag:$0x0] =	sbarrier.arrive $0xFFFF  }
0x2c: {  	[tilespmem:s3], [sflag:$0x5] =	stream.linear.gather [hbm4b:s7+s3], $0x1400, $0x38;
	[tilespmem:$0x1E480] =	vst v63  }
0x2d: {  	_ =	swait.ge [sflag:s15], $0x1400  }
0x2e: {  	[sflag:s15] =	ssyncset.done $0x0  }
0x2f: {  	[sflag:s15] =	ssyncadd.s32 $0xFFFFEC00  }
0x30: {  	[tilespmem:s16], [sflag:$0x5] =	stream.linear.gather [hbm4b:s8+s3], $0x1400, $0x38;
	[tilespmem:$0x1E480] =	vst v63  }
0x31: {  	_ =	swait.ge [sflag:s15], $0x1400  }
0x32: {  	[sflag:s15] =	ssyncset.done $0x0  }
0x33: {  	[sflag:s15] =	ssyncadd.s32 $0xFFFFEC00  }
0x34: {  	[tilespmem:s18], [sflag:$0x1] =	stream.indirect.gather [hbm4b:s4+s17], $0x80, s3, s17, $0xb8;
	[tilespmem:$0x1E480] =	vst v63  }
0x35: {  	_ =	swait.ge [sflag:s19], $0x4000  }
0x36: {  	[sflag:s19] =	ssyncset.done $0x0  }
0x37: {  	[sflag:s19] =	ssyncadd.s32 $0xFFFFC000  }
0x38: {  	[spmem:s2] =	stream.indirect.scatter.add.f32 [tilespmem:s18], [sflag:$0x3], $0x80, s16, s17, $0xb8;
	[tilespmem:$0x1E480] =	vst v63  }
0x39: {  	_ = 	snop  }
0x3a: {  	[tilespmem:s20], [sflag:$0x2] =	stream.indirect.gather [hbm4b:s4+s17], $0x80, s17, s17, $0xb8;
	[tilespmem:$0x1E480] =	vst v63  }
0x3b: {  	_ =	swait.ge [sflag:s21], $0x4000  }
0x3c: {  	[sflag:s21] =	ssyncset.done $0x0  }
0x3d: {  	[sflag:s21] =	ssyncadd.s32 $0xFFFFC000  }
0x3e: {  	[spmem:s2] =	stream.indirect.scatter.add.f32 [tilespmem:s20], [sflag:$0x4], $0x80, s22, s17, $0xb8;
	[tilespmem:$0x1E480] =	vst v63  }
0x3f: {  	_ =	swait.ge [sflag:s23], $0x4000  }
0x40: {  	[sflag:s23] =	ssyncset.done $0x0  }
0x41: {  	s28 =	simm.s32 $0xFFFFB800;
	[sflag:s23] =	ssyncadd.s32 $0xFFFFC000  }
0x42: {  	[tilespmem:s18], [sflag:$0x1] =	stream.indirect.gather [hbm4b:s4+s17], $0x80, s24, s17, $0xb8;
	[tilespmem:$0x1E480] =	vst v63  }
.LBB2_2:
0x43: {  	_ =	swait.ge [sflag:s19], $0x4000  }
0x44: {  	s29 =	sshra.s32 s28, $0x2;
	[sflag:s19] =	ssyncset.done $0x0  }
0x45: {  	s30 =	sadd.s32 $0x2700, s29;
	[sflag:s19] =	ssyncadd.s32 $0xFFFFC000  }
0x46: {  	[spmem:s2] =	stream.indirect.scatter.add.f32 [tilespmem:s18], [sflag:$0x3], $0x80, s30, s17, $0xb8;
	[tilespmem:$0x1E480] =	vst v63  }
0x47: {  	_ =	swait.ge [sflag:s25], $0x4000  }
0x48: {  	[sflag:s25] =	ssyncset.done $0x0  }
0x49: {  	s31 =	sadd.s32 $0x1380, s29;
	[sflag:s25] =	ssyncadd.s32 $0xFFFFC000  }
0x4a: {  	[tilespmem:s20], [sflag:$0x2] =	stream.indirect.gather [hbm4b:s4+s17], $0x80, s31, s17, $0xb8;
	[tilespmem:$0x1E480] =	vst v63  }
0x4b: {  	_ =	swait.ge [sflag:s21], $0x4000  }
0x4c: {  	p1 =	seq.s32 s28, $0x0;
	[sflag:s21] =	ssyncset.done $0x0  }
.Ltmp2:
0x4d: {  	s31 =	sadd.s32 $0x2780, s29;
	[sflag:s21] =	ssyncadd.s32 $0xFFFFC000;
	(pc) =	sbr.rel @p1 .LBB2_4-.Ltmp2, $4  }
0x4e: {  	[spmem:s2] =	stream.indirect.scatter.add.f32 [tilespmem:s20], [sflag:$0x4], $0x80, s31, s17, $0xb8;
	[tilespmem:$0x1E480] =	vst v63  }
0x4f: {  	_ =	swait.ge [sflag:s23], $0x4000  }
0x50: {  	[sflag:s23] =	ssyncset.done $0x0  }
0x51: {  	[sflag:s23] =	ssyncadd.s32 $0xFFFFC000  }
.Ltmp3:
0x52: {  	(pc) =	sbr.rel .LBB2_2-.Ltmp3, $3  }
0x53: {  	_ =	sdelay $0x1  }
0x54: {  	s29 =	sadd.s32 $0x1400, s29;
	s28 =	sadd.s32 $0x400, s28  }
0x55: {  	[tilespmem:s18], [sflag:$0x1] =	stream.indirect.gather [hbm4b:s4+s17], $0x80, s29, s17, $0xb8;
	[tilespmem:$0x1E480] =	vst v63  }
.LBB2_5:
0x56: {  	_ =	sfence.sel $0x180000  }
0x57: {  	[bflag:$0x0] =	sbarrier.arrive $0xFFFF  }
0x58: {  	p0 =	sne.s32 s0, $0x0;
	_ =	strace $0x9000004D  }
0x59: {  	s0 =	sadd.s32 @!p0 $0x100000, s1;
	[bflag:$0x2] =	sbarrier.arrive $0xFFFF  }
0x5a: {  	[sflag:s0] =	ssyncadd.tile.s32 @!p0 $0x1;
	_ =	shalt  }
.Lfunc_end2:
_tile_overlayer_lowered:
.L_overlay_start_2:
0x5b: {  	(tag) =	ssettag $0x2  }
0x5c: {  	s0 =	rddreg [dreg:$0x0];
	s2 =	stileid.u32  }
0x5d: {  	s1 =	rddreg [dreg:$0x1];
	p0 =	sne.s32 s2, $0x0  }
0x5e: {  	s3 =	rddreg [dreg:$0x2];
	[bflag:$0x3] =	sbarrier.arrive $0xFFFF;
	s2 =	simm.s32 @!p0 $0x1C05  }
0x5f: {  	[timem:s3], [sflag:s2] =	dma.local @!p0 [hbm:s0], s1  }
0x60: {  	s0 =	simm.s32 @!p0 $0x5  }
0x61: {  	_ =	swait.ge @!p0 [sflag:s0], s1  }
0x62: {  	s1 =	ssub.s32 @!p0 $0x0, s1;
	[sflag:s0] =	ssyncset.done @!p0 $0x0  }
0x63: {  	[sflag:s0] =	ssyncadd.s32 @!p0 s1  }
0x64: {  	[bflag:$0x3] =	sbarrier.arrive $0xFFFF  }
0x65: {  	_ =	shalt  }

// kernel: kernel.23.cloned.1.call-start
scs
__scs_entry_jumppad:
0x0: {  	(pc) =	sbr.rel $0x88, $3  }
0x1: {  	(tag) =	ssettag $0x0;
	lr =	simm.s32 $0x1  }
0x2: {  	[smem:$0x3F90] =	sst lr;
	_ =	strace $0xD0000000  }
0x3: {  	_ = 	snop  }
0x4: {  	_ = 	snop  }
0x5: {  	_ = 	snop  }
0x6: {  	_ = 	snop  }
0x7: {  	_ = 	snop  }
__scs_overlays_trampoline_lowered:
0x8: {  	[smem:$0x3F9F] =	sst s0  }
0x9: {  	[smem:$0x3FA0] =	sst s1  }
0xa: {  	[smem:$0x3FA1] =	sst s2  }
0xb: {  	[smem:$0x3FA2] =	sst s3  }
0xc: {  	[smem:$0x3FA3] =	sst s4  }
0xd: {  	[smem:$0x3FA4] =	sst s5  }
0xe: {  	[smem:$0x3FA5] =	sst s6  }
0xf: {  	[smem:$0x3FA6] =	sst s7  }
0x10: {  	[smem:$0x3FA7] =	sst s8  }
0x11: {  	[smem:$0x3FA8] =	sst s9;
	s0 =	simm.s32 @!p0 $0x0  }
0x12: {  	s1 =	sld [smem:$0x3F8E];
	s0 =	simm.s32 @p0 $0x1  }
0x13: {  	[smem:$0x3FA9] =	sst s0;
	s0 =	simm.s32 @!p1 $0x0  }
0x14: {  	s2 =	sld [smem:$0x3F8D];
	s0 =	simm.s32 @p1 $0x1  }
0x15: {  	[smem:$0x3FAA] =	sst s0;
	s0 =	simm.s32 @!p2 $0x0  }
0x16: {  	s3 =	sld [smem:$0x3FDB];
	s0 =	simm.s32 @p2 $0x1  }
0x17: {  	s4 =	simm.s32 $0x1BF5;
	[smem:$0x3FAC] =	sst s0  }
0x18: {  	s0 =	sld [smem:$0x3F8F];
	_ =	swait.ge [sflag:s4], $0x0  }
0x19: {  	s7 =	sld [smem:$0x3F90]  }
0x1a: {  	s8 =	sadd.s32 $0xFFFFE003, lr  }
0x1b: {  	s9 =	sadd.s32 $0xFFFFFEF7, lr;
	s5 =	simm.s32 $0xFFFFFFFF;
	p2 =	slt.u32 s8, $0xFFFFF086  }
0x1c: {  	p1 =	slt.u32 s9, $0xF7A;
	s5 =	simm.s32 @!p2 $0x0  }
0x1d: {  	s5 =	simm.s32 @p1 $0x1;
	p0 =	seq.s32 s7, s2  }
0x1e: {  	s7 =	smul.u32 @!p0 $0xF7A, s2;
	p2 =	seq.s32 @!p0 s5, $0x0  }
0x1f: {  	s9 =	smul.u32 $0xF7A, s1;
	s8 =	simm.s32 @!p0 $0x1BF5;
	p2 =	por !p2, p0  }
0x20: {  	[sflag:s8] =	ssyncset.s32 @!p0 $0xFFFFF086;
	s6 =	sadd.s32 @!p0 s3, s7;
	s7 =	simm.s32 @!p0 $0x108  }
0x21: {  	s3 =	sadd.s32 s3, s9;
	s6 =	sadd.s32 @!p0 $0x88, s6;
	s7 =	simm.s32 @p2 $0x1082  }
0x22: {  	[simem:s7], [sflag:s8] =	dma.local @!p0 [hbm:s6], $0xF7A  }
0x23: {  	s9 =	sor.u32 $0xD0000000, s2;
	s6 =	simm.s32 $0x108;
	_ =	swait.ge @!p0 [sflag:s8], $0x0  }
0x24: {  	s3 =	sadd.s32 $0x88, s3;
	s6 =	simm.s32 @!p1 $0x1082;
	[sflag:s4] =	ssyncset.s32 $0xFFFFF086  }
0x25: {  	[simem:s6], [sflag:s4] =	dma.local [hbm:s3], $0xF7A  }
0x26: {  	[smem:$0x3F90] =	sst s1;
	(tag) =	ssettag s2;
	_ =	strace s9  }
0x27: {  	s1 =	sld [smem:$0x3FA0]  }
0x28: {  	s2 =	sld [smem:$0x3FA1]  }
0x29: {  	s4 =	sld [smem:$0x3FA3]  }
0x2a: {  	p0 =	seq.s32 s5, $0x0;
	s5 =	sld [smem:$0x3FA4]  }
0x2b: {  	s6 =	sld [smem:$0x3FA5]  }
0x2c: {  	s7 =	sld [smem:$0x3FA6]  }
0x2d: {  	s3 =	simm.s32 $0x108;
	s8 =	sld [smem:$0x3FA7]  }
0x2e: {  	s3 =	simm.s32 @!p0 $0x1082;
	s9 =	sld [smem:$0x3FA8]  }
0x2f: {  	lr =	sadd.s32 s0, s3;
	s0 =	sld [smem:$0x3F9F]  }
0x30: {  	s3 =	sld [smem:$0x3FA2]  }
0x31: {  	[smem:$0x3FAB] =	sst s10  }
0x32: {  	s10 =	sld [smem:$0x3FA9];
	_ =	sdelay $0x3  }
0x33: {  	p0 =	seq.s32 s10, $0x1;
	s10 =	sld [smem:$0x3FAB];
	_ =	sdelay $0x3  }
0x34: {  	[smem:$0x3FAB] =	sst s10  }
0x35: {  	s10 =	sld [smem:$0x3FAA];
	_ =	sdelay $0x3  }
0x36: {  	p1 =	seq.s32 s10, $0x1;
	s10 =	sld [smem:$0x3FAB];
	_ =	sdelay $0x3  }
0x37: {  	[smem:$0x3FAB] =	sst s10  }
0x38: {  	s10 =	sld [smem:$0x3FAC]  }
0x39: {  	_ = 	snop;
	(pc) =	sbr.ind lr, $3  }
0x3a: {  	_ = 	snop  }
0x3b: {  	_ = 	snop  }
0x3c: {  	p2 =	seq.s32 s10, $0x1;
	s10 =	sld [smem:$0x3FAB]  }
0x3d: {  	_ =	shalt  }
0x3e: {  	_ =	shalt  }
0x3f: {  	_ =	shalt  }
0x40: {  	_ =	shalt  }
0x41: {  	_ =	shalt  }
0x42: {  	_ =	shalt  }
0x43: {  	_ =	shalt  }
0x44: {  	_ =	shalt  }
0x45: {  	_ =	shalt  }
0x46: {  	_ =	shalt  }
0x47: {  	_ =	shalt  }
0x48: {  	_ =	shalt  }
0x49: {  	_ =	shalt  }
0x4a: {  	_ =	shalt  }
0x4b: {  	_ =	shalt  }
0x4c: {  	_ =	shalt  }
0x4d: {  	_ =	shalt  }
0x4e: {  	_ =	shalt  }
0x4f: {  	_ =	shalt  }
0x50: {  	_ =	shalt  }
0x51: {  	_ =	shalt  }
0x52: {  	_ =	shalt  }
0x53: {  	_ =	shalt  }
0x54: {  	_ =	shalt  }
0x55: {  	_ =	shalt  }
0x56: {  	_ =	shalt  }
0x57: {  	_ =	shalt  }
0x58: {  	_ =	shalt  }
0x59: {  	_ =	shalt  }
0x5a: {  	_ =	shalt  }
0x5b: {  	_ =	shalt  }
0x5c: {  	_ =	shalt  }
0x5d: {  	_ =	shalt  }
0x5e: {  	_ =	shalt  }
0x5f: {  	_ =	shalt  }
0x60: {  	_ =	shalt  }
0x61: {  	_ =	shalt  }
0x62: {  	_ =	shalt  }
0x63: {  	_ =	shalt  }
0x64: {  	_ =	shalt  }
0x65: {  	_ =	shalt  }
0x66: {  	_ =	shalt  }
0x67: {  	_ =	shalt  }
0x68: {  	_ =	shalt  }
0x69: {  	_ =	shalt  }
0x6a: {  	_ =	shalt  }
0x6b: {  	_ =	shalt  }
0x6c: {  	_ =	shalt  }
0x6d: {  	_ =	shalt  }
0x6e: {  	_ =	shalt  }
0x6f: {  	_ =	shalt  }
0x70: {  	_ =	shalt  }
0x71: {  	_ =	shalt  }
0x72: {  	_ =	shalt  }
0x73: {  	_ =	shalt  }
0x74: {  	_ =	shalt  }
0x75: {  	_ =	shalt  }
0x76: {  	_ =	shalt  }
0x77: {  	_ =	shalt  }
0x78: {  	_ =	shalt  }
0x79: {  	_ =	shalt  }
0x7a: {  	_ =	shalt  }
0x7b: {  	_ =	shalt  }
0x7c: {  	_ =	shalt  }
0x7d: {  	_ =	shalt  }
0x7e: {  	_ =	shalt  }
0x7f: {  	_ =	shalt  }
0x80: {  	_ =	shalt  }
0x81: {  	_ =	shalt  }
0x82: {  	_ =	shalt  }
0x83: {  	_ =	shalt  }
0x84: {  	_ =	shalt  }
0x85: {  	_ =	shalt  }
0x86: {  	_ =	shalt  }
0x87: {  	_ =	shalt  }
.Lfunc_end0:
.L_simem_size_0:
called_computation.3_lowered:
.L_overlay_start_0:
0x88: {  	s2 =	sld [smem:$0x3FD9]  }
0x89: {  	s3 =	sld [smem:$0x3FFE];
	_ =	sdelay $0x1  }
0x8a: {  	s1 =	srdreg.scid  }
0x8b: {  	s0 =	sand.u32 $0x1, s1  }
0x8c: {  	s14 =	sshll.u32 s0, $0xA;
	s2 =	sadd.s32 s3, s2  }
0x8d: {  	s2 =	sadd.s32 s2, s14  }
0x8e: {  	[smem:$0x3FB7] =	sst s2  }
0x8f: {  	_ = 	snop  }
0x90: {  	s2 =	sld [smem:$0x3FD0];
	_ =	sdelay $0x2  }
0x91: {  	s15 =	simm.s32 $0xA;
	s4 =	simm.s32 $0x10  }
0x92: {  	[smem:s4], [sflag:s15] =	dma.local [hbm:s2], $0x1  }
0x93: {  	_ =	swait.eq [sflag:s15], $0x1  }
0x94: {  	[sflag:s15] =	ssyncset.done $0x0  }
0x95: {  	[sflag:s15] =	ssyncadd.s32 $0xFFFFFFFF  }
0x96: {  	s16 =	sld [smem:$0x11];
	(tm) =	ssettm $0x1  }
0x97: {  	s17 =	sld [smem:$0x3FFB];
	_ =	sdelay $0x3  }
0x98: {  	_ =	strace s17  }
0x99: {  	s3 =	sld [smem:$0x3FFC];
	_ =	sdelay $0x3  }
0x9a: {  	_ =	strace s3  }
0x9b: {  	s3 =	sld [smem:$0x3FFD];
	_ =	sdelay $0x3  }
0x9c: {  	_ =	strace s3  }
0x9d: {  	_ =	strace $0x8FFFFFFF  }
0x9e: {  	s18 =	sld [smem:$0x3FDB];
	_ =	sdelay $0x1  }
0x9f: {  	s19 =	simm.s32 $_scs_section_size  }
0xa0: {  	s5 =	simm.s32 $_size__tile_overlayer_lowered;
	s6 =	simm.s32 $_tile_overlayer_lowered  }
0xa1: {  	s22 =	simm.s32 $0x1BFF;
	s21 =	sshll.u32 s6, $0x1;
	s3 =	sadd.s32 s19, s18  }
0xa2: {  	s7 =	simm.s32 $0x0;
	s20 =	sshll.u32 s5, $0x1;
	s5 =	sadd.s32 s21, s3  }
0xa3: {  	[timem:s7], [sflag:s22] =	dma.local [hbm:s5], s20  }
0xa4: {  	_ =	swait.ge [sflag:s22], s20  }
0xa5: {  	s4 =	ssub.s32 $0x0, s20;
	[sflag:s22] =	ssyncset.done $0x0  }
0xa6: {  	[sflag:s22] =	ssyncadd.s32 s4;
	_ =	sdelay $0x1  }
0xa7: {  	s23 =	simm.s32 $0x1B8B  }
0xa8: {  	_ =	swait.ge [sflag:s23], $0x1  }
0xa9: {  	[sflag:s23] =	ssyncset.done $0x0  }
0xaa: {  	s25 =	simm.s32 $0x1B8E;
	s24 =	sld [smem:$0x3FFE];
	[sflag:s23] =	ssyncadd.s32 $0xFFFFFFFF  }
0xab: {  	s26 =	simm.s32 $execute0_lowered;
	[smem:$0x3FD2] =	sst s25  }
0xac: {  	s5 =	sshll.u32 s26, $0x1;
	_ =	strace $0x8000004F;
	[dreg:$0x1] =	wrdreg $0xFFFFFFFF  }
0xad: {  	s28 =	simm.s32 $_size_execute0_lowered;
	s3 =	sadd.s32 s3, s5;
	[dreg:$0x0] =	wrdreg $0x0  }
0xae: {  	s5 =	sshll.u32 s28, $0x1;
	[dreg:$0x2] =	wrdreg s3  }
0xaf: {  	[dreg:$0x3] =	wrdreg s5  }
0xb0: {  	[dreg:$0x4] =	wrdreg $0xC0  }
0xb1: {  	_ =	task [dreg:s7], $0x5FFFF  }
0xb2: {  	[dreg:$0x1] =	wrdreg $0xFFFFFFFF  }
0xb3: {  	[dreg:$0x0] =	wrdreg $0x60  }
0xb4: {  	[dreg:$0x2] =	wrdreg s16  }
0xb5: {  	[dreg:$0x3] =	wrdreg s24  }
0xb6: {  	[dreg:$0x4] =	wrdreg $0xA8000  }
0xb7: {  	[dreg:$0x5] =	wrdreg $0x9  }
0xb8: {  	_ =	task.clear_ibuf [dreg:s7], $0x6FFFF;
	_ =	strace $0x9000004F  }
0xb9: {  	s29 =	simm.s32 $0x9;
	_ =	strace $0x80000051  }
0xba: {  	_ =	swait.ge [sflag:s29], $0x1  }
0xbb: {  	[sflag:s29] =	ssyncadd.s32 $0xFFFFFFFF  }
0xbc: {  	_ =	strace $0x90000051  }
0xbd: {  	_ =	sfence  }
0xbe: {  	s30 =	sld [smem:$0x0];
	_ =	sdelay $0x2  }
0xbf: {  	s31 =	sshll.u32 s1, $0xD;
	s1 =	sshrl.u32 s1, $0x2  }
0xc0: {  	s3 =	sand.u32 $0x4000, s31;
	s1 =	sadd.s32 s1, s30  }
0xc1: {  	s0 =	sor.u32 s3, s0;
	s1 =	sshll.u32 s1, $0x11  }
0xc2: {  	s0 =	sor.u32 s1, s0  }
0xc3: {  	s0 =	sadd.s32 $0x8F2B, s0  }
0xc4: {  	[sflag:s0] =	ssyncadd.remote.s32 $0x1  }
0xc5: {  	_ =	sfence.sel $0xFFFF  }
0xc6: {  	[dreg:$0x0] =	wrdreg $0xFFFFFFFF;
	(pc) =	sbr.abs _section_cstart, $3  }
0xc7: {  	[dreg:$0x1] =	wrdreg $0xFFFFFFFF  }
0xc8: {  	_ =	task.clear_ibuf [dreg:s7], $0x2FFFF;
	_ =	strace $0x9FFFFFFF  }
0xc9: {  	(tm) =	ssettm $0x7FFFFFFF  }
tec
execute0_lowered:
.L_overlay_start_1:
0x0: {  	(tag) =	ssettag $0x1  }
0x1: {  	s1 =	rddreg [dreg:$0x0];
	s2 =	srdreg.scid  }
0x2: {  	s0 =	stileid.u32;
	s6 =	rddreg [dreg:$0x1]  }
0x3: {  	s3 =	rddreg [dreg:$0x2];
	s4 =	simm.s32 $0x0;
	s16 =	simm.s32 $0x1400  }
0x4: {  	s17 =	simm.s32 $0x80;
	s18 =	simm.s32 $0x2800;
	s19 =	simm.s32 $0x1  }
0x5: {  	s20 =	simm.s32 $0x6800;
	s21 =	simm.s32 $0x2;
	s22 =	simm.s32 $0x1480  }
0x6: {  	s5 =	sand.u32 $0x1, s2;
	s2 =	rddreg [dreg:$0x3];
	s8 =	smul.u32 $0x2800, s0  }
0x7: {  	s23 =	sshll.u32 s0, $0x1;
	[smem:$0x7FF] =	sst s4;
	s10 =	smul.u32 $0x50000, s0  }
0x8: {  	s11 =	sadd.s32 $0x39E00, s6;
	s28 =	smul.u32 $0x14000, s0;
	s15 =	sadd.s32 $0x12C000, s3  }
0x9: {  	p0 =	seq.s32 s0, $0xF;
	s7 =	sor.u32 s5, s23;
	_ =	strace $0x80000050  }
0xa: {  	s25 =	ssub.s32 $0x2, s5;
	s13 =	smul.u32 $0x138800, s5;
	s23 =	simm.s32 $0x3  }
0xb: {  	s7 =	smul.u32 $0x280, s7;
	s12 =	sshrl.u32 s25, $0x1;
	s26 =	sshrl.u32 s10, $0x2  }
0xc: {  	s24 =	sadd.s32 s8, s6;
	s12 =	ssub.s32 s25, s12;
	s14 =	sadd.s32 s26, s3  }
0xd: {  	s5 =	sadd.s32 $0x12C00, s24;
	s29 =	sadd.s32 s28, s13;
	s31 =	sshrl.u32 s13, $0x3  }
0xe: {  	s13 =	sshll.u32 @!p0 s0, $0x6;
	s24 =	simm.s32 $0x100;
	s25 =	simm.s32 $0x4  }
.Ltmp0:
0xf: {  	s26 =	simm.s32 $0x0;
	s9 =	sadd.s32 s7, s6;
	(pc) =	sbr.rel .LBB2_1-.Ltmp0, $4  }
0x10: {  	s6 =	sadd.s32 $0x38400, s6;
	s30 =	sshrl.u32 s29, $0x3;
	s10 =	sadd.s32 s11, s31  }
0x11: {  	s13 =	sor.u32 @!p0 $0x1C05, s13;
	s14 =	sshrl.u32 @!p0 s14, $0x3;
	s7 =	sadd.s32 $0x8C00, s9  }
0x12: {  	s8 =	sadd.s32 $0xDC00, s9;
	s9 =	sadd.s32 s11, s30;
	s10 =	sadd.s32 $0x25800, s10  }
0x13: {  	s11 =	smax.u32 s12, $0x1;
	s12 =	sshrl.u32 @p0 s15, $0x3;
	s15 =	simm.s32 $0x5  }
.LBB2_4:
0x14: {  	_ =	swait.ge [sflag:s25], $0x4000  }
0x15: {  	[sflag:s25] =	ssyncset.done $0x0  }
0x16: {  	[sflag:s25] =	ssyncadd.s32 $0xFFFFC000  }
0x17: {  	s28 =	simm.s32 @p0 $0x1FC5;
	[bflag:$0x0] =	sbarrier.arrive $0xFFFF  }
0x18: {  	[hbm:s10], [sflag:s28] =	dma.local @p0 [spmem:s12], $0x1900  }
0x19: {  	s28 =	simm.s32 @p0 $0x5  }
0x1a: {  	s26 =	sadd.s32 $0x1, s26;
	_ =	swait.ge @p0 [sflag:s28], $0x1900  }
0x1b: {  	p1 =	sne.s32 s26, s11;
	[sflag:s28] =	ssyncset.done @p0 $0x0  }
.Ltmp1:
0x1c: {  	[sflag:s28] =	ssyncadd.s32 @p0 $0xFFFFE700;
	s28 =	simm.s32 @!p0 $0x5;
	(pc) =	sbr.rel @!p1 .LBB2_5-.Ltmp1, $4  }
0x1d: {  	[hbm:s9], [sflag:s13] =	dma.local @!p0 [spmem:s14], $0x2800  }
0x1e: {  	_ =	swait.ge @!p0 [sflag:s28], $0x2800  }
0x1f: {  	[sflag:s28] =	ssyncset.done @!p0 $0x0  }
0x20: {  	[sflag:s28] =	ssyncadd.s32 @!p0 $0xFFFFD800  }
.LBB2_1:
0x21: {  	s28 =	simm.s32 @p0 $0x1FC5  }
0x22: {  	[spmem:s12], [sflag:s28] =	dma.local @p0 [hbm:s6], $0x1900  }
0x23: {  	s28 =	simm.s32 @p0 $0x5  }
0x24: {  	_ =	swait.ge @p0 [sflag:s28], $0x1900  }
0x25: {  	[sflag:s28] =	ssyncset.done @p0 $0x0  }
0x26: {  	[sflag:s28] =	ssyncadd.s32 @p0 $0xFFFFE700;
	s28 =	simm.s32 @!p0 $0x5  }
0x27: {  	[spmem:s14], [sflag:s13] =	dma.local @!p0 [hbm:s5], $0x2800  }
0x28: {  	_ =	swait.ge @!p0 [sflag:s28], $0x2800  }
0x29: {  	[sflag:s28] =	ssyncset.done @!p0 $0x0  }
0x2a: {  	[sflag:s28] =	ssyncadd.s32 @!p0 $0xFFFFD800  }
0x2b: {  	[bflag:$0x0] =	sbarrier.arrive $0xFFFF  }
0x2c: {  	[tilespmem:s4], [sflag:$0x5] =	stream.linear.gather [hbm4b:s7+s4], $0x1400, $0x38;
	[tilespmem:$0x1E480] =	vst v63  }
0x2d: {  	_ =	swait.ge [sflag:s15], $0x1400  }
0x2e: {  	[sflag:s15] =	ssyncset.done $0x0  }
0x2f: {  	[sflag:s15] =	ssyncadd.s32 $0xFFFFEC00  }
0x30: {  	[tilespmem:s16], [sflag:$0x5] =	stream.linear.gather [hbm4b:s8+s4], $0x1400, $0x38;
	[tilespmem:$0x1E480] =	vst v63  }
0x31: {  	_ =	swait.ge [sflag:s15], $0x1400  }
0x32: {  	[sflag:s15] =	ssyncset.done $0x0  }
0x33: {  	[sflag:s15] =	ssyncadd.s32 $0xFFFFEC00  }
0x34: {  	[tilespmem:s18], [sflag:$0x1] =	stream.indirect.gather [hbm4b:s1+s17], $0x80, s4, s17, $0xb8;
	[tilespmem:$0x1E480] =	vst v63  }
0x35: {  	_ =	swait.ge [sflag:s19], $0x4000  }
0x36: {  	[sflag:s19] =	ssyncset.done $0x0  }
0x37: {  	[sflag:s19] =	ssyncadd.s32 $0xFFFFC000  }
0x38: {  	[spmem:s3] =	stream.indirect.scatter.add.f32 [tilespmem:s18], [sflag:$0x3], $0x80, s16, s17, $0xb8;
	[tilespmem:$0x1E480] =	vst v63  }
0x39: {  	_ = 	snop  }
0x3a: {  	[tilespmem:s20], [sflag:$0x2] =	stream.indirect.gather [hbm4b:s1+s17], $0x80, s17, s17, $0xb8;
	[tilespmem:$0x1E480] =	vst v63  }
0x3b: {  	_ =	swait.ge [sflag:s21], $0x4000  }
0x3c: {  	[sflag:s21] =	ssyncset.done $0x0  }
0x3d: {  	[sflag:s21] =	ssyncadd.s32 $0xFFFFC000  }
0x3e: {  	[spmem:s3] =	stream.indirect.scatter.add.f32 [tilespmem:s20], [sflag:$0x4], $0x80, s22, s17, $0xb8;
	[tilespmem:$0x1E480] =	vst v63  }
0x3f: {  	_ =	swait.ge [sflag:s23], $0x4000  }
0x40: {  	[sflag:s23] =	ssyncset.done $0x0  }
0x41: {  	s28 =	simm.s32 $0xFFFFB800;
	[sflag:s23] =	ssyncadd.s32 $0xFFFFC000  }
0x42: {  	[tilespmem:s18], [sflag:$0x1] =	stream.indirect.gather [hbm4b:s1+s17], $0x80, s24, s17, $0xb8;
	[tilespmem:$0x1E480] =	vst v63  }
.LBB2_2:
0x43: {  	_ =	swait.ge [sflag:s19], $0x4000  }
0x44: {  	s29 =	sshra.s32 s28, $0x2;
	[sflag:s19] =	ssyncset.done $0x0  }
0x45: {  	s30 =	sadd.s32 $0x2700, s29;
	[sflag:s19] =	ssyncadd.s32 $0xFFFFC000  }
0x46: {  	[spmem:s3] =	stream.indirect.scatter.add.f32 [tilespmem:s18], [sflag:$0x3], $0x80, s30, s17, $0xb8;
	[tilespmem:$0x1E480] =	vst v63  }
0x47: {  	_ =	swait.ge [sflag:s25], $0x4000  }
0x48: {  	[sflag:s25] =	ssyncset.done $0x0  }
0x49: {  	s31 =	sadd.s32 $0x1380, s29;
	[sflag:s25] =	ssyncadd.s32 $0xFFFFC000  }
0x4a: {  	[tilespmem:s20], [sflag:$0x2] =	stream.indirect.gather [hbm4b:s1+s17], $0x80, s31, s17, $0xb8;
	[tilespmem:$0x1E480] =	vst v63  }
0x4b: {  	_ =	swait.ge [sflag:s21], $0x4000  }
0x4c: {  	p1 =	seq.s32 s28, $0x0;
	[sflag:s21] =	ssyncset.done $0x0  }
.Ltmp2:
0x4d: {  	s31 =	sadd.s32 $0x2780, s29;
	[sflag:s21] =	ssyncadd.s32 $0xFFFFC000;
	(pc) =	sbr.rel @p1 .LBB2_4-.Ltmp2, $4  }
0x4e: {  	[spmem:s3] =	stream.indirect.scatter.add.f32 [tilespmem:s20], [sflag:$0x4], $0x80, s31, s17, $0xb8;
	[tilespmem:$0x1E480] =	vst v63  }
0x4f: {  	_ =	swait.ge [sflag:s23], $0x4000  }
0x50: {  	[sflag:s23] =	ssyncset.done $0x0  }
0x51: {  	[sflag:s23] =	ssyncadd.s32 $0xFFFFC000  }
.Ltmp3:
0x52: {  	(pc) =	sbr.rel .LBB2_2-.Ltmp3, $3  }
0x53: {  	_ =	sdelay $0x1  }
0x54: {  	s29 =	sadd.s32 $0x1400, s29;
	s28 =	sadd.s32 $0x400, s28  }
0x55: {  	[tilespmem:s18], [sflag:$0x1] =	stream.indirect.gather [hbm4b:s1+s17], $0x80, s29, s17, $0xb8;
	[tilespmem:$0x1E480] =	vst v63  }
.LBB2_5:
0x56: {  	_ =	sfence.sel $0x180000  }
0x57: {  	[bflag:$0x0] =	sbarrier.arrive $0xFFFF  }
0x58: {  	p0 =	sne.s32 s0, $0x0;
	_ =	strace $0x90000050  }
0x59: {  	s0 =	sadd.s32 @!p0 $0x100000, s2;
	[bflag:$0x2] =	sbarrier.arrive $0xFFFF  }
0x5a: {  	[sflag:s0] =	ssyncadd.tile.s32 @!p0 $0x1;
	_ =	shalt  }
.Lfunc_end2:
_tile_overlayer_lowered:
.L_overlay_start_2:
0x5b: {  	(tag) =	ssettag $0x2  }
0x5c: {  	s0 =	rddreg [dreg:$0x0];
	s2 =	stileid.u32  }
0x5d: {  	s1 =	rddreg [dreg:$0x1];
	p0 =	sne.s32 s2, $0x0  }
0x5e: {  	s3 =	rddreg [dreg:$0x2];
	[bflag:$0x3] =	sbarrier.arrive $0xFFFF;
	s2 =	simm.s32 @!p0 $0x1C05  }
0x5f: {  	[timem:s3], [sflag:s2] =	dma.local @!p0 [hbm:s0], s1  }
0x60: {  	s0 =	simm.s32 @!p0 $0x5  }
0x61: {  	_ =	swait.ge @!p0 [sflag:s0], s1  }
0x62: {  	s1 =	ssub.s32 @!p0 $0x0, s1;
	[sflag:s0] =	ssyncset.done @!p0 $0x0  }
0x63: {  	[sflag:s0] =	ssyncadd.s32 @!p0 s1  }
0x64: {  	[bflag:$0x3] =	sbarrier.arrive $0xFFFF  }
0x65: {  	_ =	shalt  }

</sc_bundles>
